<compile_context>
chip_gen: v7x
topology: tpu7x:2x2x1
jax: 0.10.2.dev20260603
libtpu: 0.0.44.dev20260713+nightly
codegen_flags: <defaults>
</compile_context>

<pallas_src>
import functools

import jax
import jax.numpy as jnp
from jax import lax
from jax.experimental import pallas as pl
from jax.experimental.pallas import tpu as pltpu
from jax.experimental.pallas import tpu_sc as plsc

NUM_CORES = 2
NUM_SUBCORES = 16
NW = NUM_CORES * NUM_SUBCORES
BATCH = 16384
SEQ = 100
EMB = 32
BPW = BATCH // NW
GRP = 4
GSEQ = GRP * SEQ
PPW = BPW // GRP
NB = 4
ROW_UNROLL = 4
OUT_ROWS = BPW * EMB // 128


def _sc_body(in_hbm, tab_hbm, out_hbm, idx_v, rows_v, out_v, sems):
    wid = lax.axis_index("s") * NUM_CORES + lax.axis_index("c")

    pltpu.sync_copy(in_hbm.at[pl.ds(wid * PPW, PPW), :], idx_v)

    def fire(pr, b):
        pltpu.async_copy(tab_hbm.at[idx_v.at[pr]], rows_v.at[b], sems.at[b])

    def wait(pr, b):
        pltpu.make_async_copy(
            tab_hbm.at[idx_v.at[pr]], rows_v.at[b], sems.at[b]
        ).wait()

    def reduce_rows(rows_ref):
        zero = jnp.zeros((16,), jnp.float32)
        accs = (zero,) * (2 * ROW_UNROLL)

        def body(r, carry):
            acc = list(carry)
            r0 = r * ROW_UNROLL
            for j in range(ROW_UNROLL):
                acc[2 * j] = acc[2 * j] + rows_ref[r0 + j, 0:16]
                acc[2 * j + 1] = acc[2 * j + 1] + rows_ref[r0 + j, 16:32]
            return tuple(acc)

        accs = lax.fori_loop(0, SEQ // ROW_UNROLL, body, accs)
        lo = (accs[0] + accs[2]) + (accs[4] + accs[6])
        hi = (accs[1] + accs[3]) + (accs[5] + accs[7])
        scale = jnp.float32(1.0 / SEQ)
        return lo * scale, hi * scale

    for b in range(NB):
        fire(b, b)

    def outer(g, carry):
        for b in range(NB):
            pr = g * NB + b
            wait(pr, b)

            nxt = pr + NB

            @pl.when(nxt < PPW)
            def _():
                fire(nxt, b)

            for sub in range(GRP):
                lo, hi = reduce_rows(rows_v.at[b, pl.ds(sub * SEQ, SEQ)])
                e = GRP * pr + sub
                r_i = e // 4
                c0 = pl.multiple_of((e % 4) * EMB, 32)
                out_v[r_i, pl.ds(c0, 16)] = lo
                out_v[r_i, pl.ds(c0 + 16, 16)] = hi
        return carry

    lax.fori_loop(0, PPW // NB, outer, 0)

    pltpu.sync_copy(out_v, out_hbm.at[pl.ds(wid * OUT_ROWS, OUT_ROWS), :])


_embed_bag = functools.partial(
    pl.kernel,
    out_type=jax.ShapeDtypeStruct((BATCH * EMB // 128, 128), jnp.float32),
    mesh=plsc.VectorSubcoreMesh(
        core_axis_name="c",
        subcore_axis_name="s",
        num_cores=NUM_CORES,
        num_subcores=NUM_SUBCORES,
    ),
    scratch_types=[
        pltpu.VMEM((PPW, GSEQ), jnp.int32),
        pltpu.VMEM((NB, GSEQ, EMB), jnp.float32),
        pltpu.VMEM((OUT_ROWS, 128), jnp.float32),
        pltpu.SemaphoreType.DMA((NB,)),
    ],
    compiler_params=pltpu.CompilerParams(use_tc_tiling_on_sc=False),
)(_sc_body)


@jax.jit
def kernel(input, table):
    idx = input.astype(jnp.int32).reshape(BATCH // GRP, GSEQ)
    out = _embed_bag(idx, table)
    return out.reshape(BATCH, EMB)

# --- scband reference (transcript-rebuilt; emitter-appended) ---
"""Pipeline reference for scband-element-embedder-with-char-ngram-subwords-53936199303746 (READ-ONLY COPY).

The authoritative reference and input builder live on the scoring server;
editing this copy changes nothing except your own understanding.
"""

import jax, jax.numpy as jnp
import numpy as np

NUM_BUCKETS = 100000
EMB_SIZE = 32
BATCH = 16384
MAX_LEN = 100


def setup_inputs(seed: int = 0) -> dict:
    key = jax.random.key(seed)
    k_idx, k_tab = jax.random.split(key)
    # hashed char-ngram subword ids per element, fixed length MAX_LEN, pad id = 0
    input_ids = jax.random.randint(k_idx, (BATCH, MAX_LEN), 0, NUM_BUCKETS)
    # embedding table; padding_idx=0 row is zeros (as nn.Embedding padding_idx initializes)
    table = jax.random.normal(k_tab, (NUM_BUCKETS, EMB_SIZE), dtype=jnp.float32)
    table = table.at[0].set(0.0)
    return {"input": input_ids, "table": table}


def reference(input, table):
    # x = self.embed(input)  -> gather rows from table
    x = jnp.take(table, input, axis=0)  # [B, L, E]
    # torch.mean(x, dim=1) (mean includes padding-zero rows, matching torch semantics)
    return jnp.mean(x, axis=1)  # [B, E]

if __name__ == "__main__":
    import jax
    _d = setup_inputs()
    print(jax.jit(kernel)(*tuple(_d.values())))

</pallas_src>

<mosaic_0001>
#map = affine_map<(d0, d1) -> (0, 0)>
module attributes {stable_mosaic.version = 14 : i64} {
  func.func @_sc_body(%arg0: i32, %arg1: i32, %arg2: memref<4096x400xi32, #tpu.memory_space<hbm>>, %arg3: memref<100000x32xf32, #tpu.memory_space<hbm>>, %arg4: memref<4096x128xf32, #tpu.memory_space<hbm>>, %arg5: memref<128x400xi32, #tpu.memory_space<vmem>>, %arg6: memref<4x400x32xf32, #tpu.memory_space<vmem>>, %arg7: memref<128x128xf32, #tpu.memory_space<vmem>>, %arg8: memref<4x!tpu.dma_semaphore, #tpu.memory_space<semaphore_mem>>) attributes {dimension_semantics = [#tpu.dimension_semantics<core_parallel>, #tpu.dimension_semantics<subcore_parallel>], iteration_bounds = array<i64: 2, 16>, scalar_prefetch = 0 : i64, scratch_operands = 4 : i64, tpu.core_type = #tpu.core_type<sc_vector_subcore>, window_params = [{transform_indices = #map}, {transform_indices = #map}, {transform_indices = #map}]} {
    %mul3A = arith.constant 2 : i32
    %mul3A_0 = arith.muli %arg1, %mul3A : i32
    %add3A = arith.addi %mul3A_0, %arg0 : i32
    %mul3A_1 = arith.constant 128 : i32
    %mul3A_2 = arith.muli %add3A, %mul3A_1 : i32
    "tpu.region"() ({
      %run_scoped3A = tpu.sem_alloc : memref<!tpu.dma_semaphore, #tpu.memory_space<semaphore_mem>>
      %dma_start3A_69 = arith.constant 0 : i32
      %dma_start3A_70 = tpu.memref_slice %arg2[%mul3A_2, %dma_start3A_69] : memref<4096x400xi32, #tpu.memory_space<hbm>> -> memref<128x400xi32, #tpu.memory_space<hbm>>
      %dma_start3A_71 = arith.constant 0 : i32
      %dma_start3A_72 = tpu.memref_slice %arg2[%mul3A_2, %dma_start3A_71] : memref<4096x400xi32, #tpu.memory_space<hbm>> -> memref<128x400xi32, #tpu.memory_space<hbm>>
      tpu.enqueue_dma source(%dma_start3A_72 : memref<128x400xi32, #tpu.memory_space<hbm>>) target(%arg5 : memref<128x400xi32, #tpu.memory_space<vmem>>) target_semaphore(%run_scoped3A : memref<!tpu.dma_semaphore, #tpu.memory_space<semaphore_mem>>)
      %dma_wait3A = arith.constant 0 : i32
      %dma_wait3A_73 = tpu.memref_slice %arg2[%mul3A_2, %dma_wait3A] : memref<4096x400xi32, #tpu.memory_space<hbm>> -> memref<128x400xi32, #tpu.memory_space<hbm>>
      %dma_wait3A_74 = arith.constant 0 : i32
      %dma_wait3A_75 = tpu.memref_slice %arg2[%mul3A_2, %dma_wait3A_74] : memref<4096x400xi32, #tpu.memory_space<hbm>> -> memref<128x400xi32, #tpu.memory_space<hbm>>
      tpu.wait_dma2 semaphore(%run_scoped3A : memref<!tpu.dma_semaphore, #tpu.memory_space<semaphore_mem>>) src(%dma_wait3A_75 : memref<128x400xi32, #tpu.memory_space<hbm>>) dst(%arg5 : memref<128x400xi32, #tpu.memory_space<vmem>>)
      tpu.yield
    }) : () -> ()
    %dma_start3A = arith.constant 0 : i32
    %dma_start3A_3 = arith.constant 0 : i32
    %dma_start3A_4 = arith.constant 0 : i32
    %dma_start3A_5 = arith.constant 0 : i32
    %dma_start3A_6 = arith.constant 0 : i32
    %dma_start3A_7 = tpu.memref_slice %arg6[%dma_start3A_3, %dma_start3A_5, %dma_start3A_6] : memref<4x400x32xf32, #tpu.memory_space<vmem>> -> memref<1x400x32xf32, #tpu.memory_space<vmem>>
    %dma_start3A_8 = tpu.memref_squeeze %dma_start3A_7 : memref<1x400x32xf32, #tpu.memory_space<vmem>> -> memref<400x32xf32, #tpu.memory_space<vmem>>
    %dma_start3A_9 = arith.constant 0 : i32
    %dma_start3A_10 = tpu.memref_slice %arg5[%dma_start3A, %dma_start3A_9] : memref<128x400xi32, #tpu.memory_space<vmem>> -> memref<1x400xi32, #tpu.memory_space<vmem>>
    %dma_start3A_11 = tpu.memref_squeeze %dma_start3A_10 : memref<1x400xi32, #tpu.memory_space<vmem>> -> memref<400xi32, #tpu.memory_space<vmem>>
    %dma_start3A_12 = arith.constant 0 : i32
    %dma_start3A_13 = arith.constant 0 : i32
    %dma_start3A_14 = tpu.memref_slice %arg3[%dma_start3A_12, %dma_start3A_13] : memref<100000x32xf32, #tpu.memory_space<hbm>> -> memref<100000x32xf32, #tpu.memory_space<hbm>>
    %dma_start3A_15 = tpu.memref_slice %arg8[%dma_start3A_4] : memref<4x!tpu.dma_semaphore, #tpu.memory_space<semaphore_mem>> -> memref<1x!tpu.dma_semaphore, #tpu.memory_space<semaphore_mem>>
    %dma_start3A_16 = tpu.memref_squeeze %dma_start3A_15 : memref<1x!tpu.dma_semaphore, #tpu.memory_space<semaphore_mem>> -> memref<!tpu.dma_semaphore, #tpu.memory_space<semaphore_mem>>
    tpu.enqueue_indirect_dma source(%dma_start3A_14 : memref<100000x32xf32, #tpu.memory_space<hbm>>) target(%dma_start3A_8 : memref<400x32xf32, #tpu.memory_space<vmem>>) offsets(%dma_start3A_11 : memref<400xi32, #tpu.memory_space<vmem>>) semaphore(%dma_start3A_16 : memref<!tpu.dma_semaphore, #tpu.memory_space<semaphore_mem>>)
    %dma_start3A_17 = arith.constant 1 : i32
    %dma_start3A_18 = arith.constant 1 : i32
    %dma_start3A_19 = arith.constant 1 : i32
    %dma_start3A_20 = arith.constant 0 : i32
    %dma_start3A_21 = arith.constant 0 : i32
    %dma_start3A_22 = tpu.memref_slice %arg6[%dma_start3A_18, %dma_start3A_20, %dma_start3A_21] : memref<4x400x32xf32, #tpu.memory_space<vmem>> -> memref<1x400x32xf32, #tpu.memory_space<vmem>>
    %dma_start3A_23 = tpu.memref_squeeze %dma_start3A_22 : memref<1x400x32xf32, #tpu.memory_space<vmem>> -> memref<400x32xf32, #tpu.memory_space<vmem>>
    %dma_start3A_24 = arith.constant 0 : i32
    %dma_start3A_25 = tpu.memref_slice %arg5[%dma_start3A_17, %dma_start3A_24] : memref<128x400xi32, #tpu.memory_space<vmem>> -> memref<1x400xi32, #tpu.memory_space<vmem>>
    %dma_start3A_26 = tpu.memref_squeeze %dma_start3A_25 : memref<1x400xi32, #tpu.memory_space<vmem>> -> memref<400xi32, #tpu.memory_space<vmem>>
    %dma_start3A_27 = arith.constant 0 : i32
    %dma_start3A_28 = arith.constant 0 : i32
    %dma_start3A_29 = tpu.memref_slice %arg3[%dma_start3A_27, %dma_start3A_28] : memref<100000x32xf32, #tpu.memory_space<hbm>> -> memref<100000x32xf32, #tpu.memory_space<hbm>>
    %dma_start3A_30 = tpu.memref_slice %arg8[%dma_start3A_19] : memref<4x!tpu.dma_semaphore, #tpu.memory_space<semaphore_mem>> -> memref<1x!tpu.dma_semaphore, #tpu.memory_space<semaphore_mem>>
    %dma_start3A_31 = tpu.memref_squeeze %dma_start3A_30 : memref<1x!tpu.dma_semaphore, #tpu.memory_space<semaphore_mem>> -> memref<!tpu.dma_semaphore, #tpu.memory_space<semaphore_mem>>
    tpu.enqueue_indirect_dma source(%dma_start3A_29 : memref<100000x32xf32, #tpu.memory_space<hbm>>) target(%dma_start3A_23 : memref<400x32xf32, #tpu.memory_space<vmem>>) offsets(%dma_start3A_26 : memref<400xi32, #tpu.memory_space<vmem>>) semaphore(%dma_start3A_31 : memref<!tpu.dma_semaphore, #tpu.memory_space<semaphore_mem>>)
    %dma_start3A_32 = arith.constant 2 : i32
    %dma_start3A_33 = arith.constant 2 : i32
    %dma_start3A_34 = arith.constant 2 : i32
    %dma_start3A_35 = arith.constant 0 : i32
    %dma_start3A_36 = arith.constant 0 : i32
    %dma_start3A_37 = tpu.memref_slice %arg6[%dma_start3A_33, %dma_start3A_35, %dma_start3A_36] : memref<4x400x32xf32, #tpu.memory_space<vmem>> -> memref<1x400x32xf32, #tpu.memory_space<vmem>>
    %dma_start3A_38 = tpu.memref_squeeze %dma_start3A_37 : memref<1x400x32xf32, #tpu.memory_space<vmem>> -> memref<400x32xf32, #tpu.memory_space<vmem>>
    %dma_start3A_39 = arith.constant 0 : i32
    %dma_start3A_40 = tpu.memref_slice %arg5[%dma_start3A_32, %dma_start3A_39] : memref<128x400xi32, #tpu.memory_space<vmem>> -> memref<1x400xi32, #tpu.memory_space<vmem>>
    %dma_start3A_41 = tpu.memref_squeeze %dma_start3A_40 : memref<1x400xi32, #tpu.memory_space<vmem>> -> memref<400xi32, #tpu.memory_space<vmem>>
    %dma_start3A_42 = arith.constant 0 : i32
    %dma_start3A_43 = arith.constant 0 : i32
    %dma_start3A_44 = tpu.memref_slice %arg3[%dma_start3A_42, %dma_start3A_43] : memref<100000x32xf32, #tpu.memory_space<hbm>> -> memref<100000x32xf32, #tpu.memory_space<hbm>>
    %dma_start3A_45 = tpu.memref_slice %arg8[%dma_start3A_34] : memref<4x!tpu.dma_semaphore, #tpu.memory_space<semaphore_mem>> -> memref<1x!tpu.dma_semaphore, #tpu.memory_space<semaphore_mem>>
    %dma_start3A_46 = tpu.memref_squeeze %dma_start3A_45 : memref<1x!tpu.dma_semaphore, #tpu.memory_space<semaphore_mem>> -> memref<!tpu.dma_semaphore, #tpu.memory_space<semaphore_mem>>
    tpu.enqueue_indirect_dma source(%dma_start3A_44 : memref<100000x32xf32, #tpu.memory_space<hbm>>) target(%dma_start3A_38 : memref<400x32xf32, #tpu.memory_space<vmem>>) offsets(%dma_start3A_41 : memref<400xi32, #tpu.memory_space<vmem>>) semaphore(%dma_start3A_46 : memref<!tpu.dma_semaphore, #tpu.memory_space<semaphore_mem>>)
    %dma_start3A_47 = arith.constant 3 : i32
    %dma_start3A_48 = arith.constant 3 : i32
    %dma_start3A_49 = arith.constant 3 : i32
    %dma_start3A_50 = arith.constant 0 : i32
    %dma_start3A_51 = arith.constant 0 : i32
    %dma_start3A_52 = tpu.memref_slice %arg6[%dma_start3A_48, %dma_start3A_50, %dma_start3A_51] : memref<4x400x32xf32, #tpu.memory_space<vmem>> -> memref<1x400x32xf32, #tpu.memory_space<vmem>>
    %dma_start3A_53 = tpu.memref_squeeze %dma_start3A_52 : memref<1x400x32xf32, #tpu.memory_space<vmem>> -> memref<400x32xf32, #tpu.memory_space<vmem>>
    %dma_start3A_54 = arith.constant 0 : i32
    %dma_start3A_55 = tpu.memref_slice %arg5[%dma_start3A_47, %dma_start3A_54] : memref<128x400xi32, #tpu.memory_space<vmem>> -> memref<1x400xi32, #tpu.memory_space<vmem>>
    %dma_start3A_56 = tpu.memref_squeeze %dma_start3A_55 : memref<1x400xi32, #tpu.memory_space<vmem>> -> memref<400xi32, #tpu.memory_space<vmem>>
    %dma_start3A_57 = arith.constant 0 : i32
    %dma_start3A_58 = arith.constant 0 : i32
    %dma_start3A_59 = tpu.memref_slice %arg3[%dma_start3A_57, %dma_start3A_58] : memref<100000x32xf32, #tpu.memory_space<hbm>> -> memref<100000x32xf32, #tpu.memory_space<hbm>>
    %dma_start3A_60 = tpu.memref_slice %arg8[%dma_start3A_49] : memref<4x!tpu.dma_semaphore, #tpu.memory_space<semaphore_mem>> -> memref<1x!tpu.dma_semaphore, #tpu.memory_space<semaphore_mem>>
    %dma_start3A_61 = tpu.memref_squeeze %dma_start3A_60 : memref<1x!tpu.dma_semaphore, #tpu.memory_space<semaphore_mem>> -> memref<!tpu.dma_semaphore, #tpu.memory_space<semaphore_mem>>
    tpu.enqueue_indirect_dma source(%dma_start3A_59 : memref<100000x32xf32, #tpu.memory_space<hbm>>) target(%dma_start3A_53 : memref<400x32xf32, #tpu.memory_space<vmem>>) offsets(%dma_start3A_56 : memref<400xi32, #tpu.memory_space<vmem>>) semaphore(%dma_start3A_61 : memref<!tpu.dma_semaphore, #tpu.memory_space<semaphore_mem>>)
    %scan3A = arith.constant 0 : i32
    %scan3A_62 = arith.constant 0 : i32
    %scan3A_63 = arith.constant 32 : i32
    %scan3A_64 = arith.addi %scan3A_62, %scan3A_63 : i32
    %scan3A_65 = arith.constant 1 : i32
    scf.for %scan3A_69 = %scan3A_62 to %scan3A_64 step %scan3A_65  : i32 {
      %mul3A_70 = arith.constant 4 : i32
      %mul3A_71 = arith.muli %scan3A_69, %mul3A_70 : i32
      %add3A_72 = arith.constant 0 : i32
      %add3A_73 = arith.addi %mul3A_71, %add3A_72 : i32
      %dma_wait3A = arith.constant 0 : i32
      %dma_wait3A_74 = arith.constant 0 : i32
      %dma_wait3A_75 = arith.constant 0 : i32
      %dma_wait3A_76 = arith.constant 0 : i32
      %dma_wait3A_77 = tpu.memref_slice %arg6[%dma_wait3A, %dma_wait3A_75, %dma_wait3A_76] : memref<4x400x32xf32, #tpu.memory_space<vmem>> -> memref<1x400x32xf32, #tpu.memory_space<vmem>>
      %dma_wait3A_78 = tpu.memref_squeeze %dma_wait3A_77 : memref<1x400x32xf32, #tpu.memory_space<vmem>> -> memref<400x32xf32, #tpu.memory_space<vmem>>
      %dma_wait3A_79 = arith.constant 0 : i32
      %dma_wait3A_80 = tpu.memref_slice %arg5[%add3A_73, %dma_wait3A_79] : memref<128x400xi32, #tpu.memory_space<vmem>> -> memref<1x400xi32, #tpu.memory_space<vmem>>
      %dma_wait3A_81 = tpu.memref_squeeze %dma_wait3A_80 : memref<1x400xi32, #tpu.memory_space<vmem>> -> memref<400xi32, #tpu.memory_space<vmem>>
      %dma_wait3A_82 = arith.constant 0 : i32
      %dma_wait3A_83 = arith.constant 0 : i32
      %dma_wait3A_84 = tpu.memref_slice %arg3[%dma_wait3A_82, %dma_wait3A_83] : memref<100000x32xf32, #tpu.memory_space<hbm>> -> memref<100000x32xf32, #tpu.memory_space<hbm>>
      %dma_wait3A_85 = tpu.memref_slice %arg8[%dma_wait3A_74] : memref<4x!tpu.dma_semaphore, #tpu.memory_space<semaphore_mem>> -> memref<1x!tpu.dma_semaphore, #tpu.memory_space<semaphore_mem>>
      %dma_wait3A_86 = tpu.memref_squeeze %dma_wait3A_85 : memref<1x!tpu.dma_semaphore, #tpu.memory_space<semaphore_mem>> -> memref<!tpu.dma_semaphore, #tpu.memory_space<semaphore_mem>>
      tpu.wait_indirect_dma semaphore(%dma_wait3A_86 : memref<!tpu.dma_semaphore, #tpu.memory_space<semaphore_mem>>) src(%dma_wait3A_84 : memref<100000x32xf32, #tpu.memory_space<hbm>>) dst(%dma_wait3A_78 : memref<400x32xf32, #tpu.memory_space<vmem>>)
      %add3A_87 = arith.constant 4 : i32
      %add3A_88 = arith.addi %add3A_73, %add3A_87 : i32
      %lt3A = arith.constant 128 : i32
      %lt3A_89 = arith.cmpi slt, %add3A_88, %lt3A : i32
      %convert_element_type3A = arith.extui %lt3A_89 : i1 to i32
      %cond3A = arith.constant 0 : i32
      %cond3A_90 = arith.cmpi ne, %convert_element_type3A, %cond3A : i32
      scf.if %cond3A_90 {
        %dma_start3A_1434 = arith.constant 0 : i32
        %dma_start3A_1435 = arith.constant 0 : i32
        %dma_start3A_1436 = arith.constant 0 : i32
        %dma_start3A_1437 = arith.constant 0 : i32
        %dma_start3A_1438 = tpu.memref_slice %arg6[%dma_start3A_1434, %dma_start3A_1436, %dma_start3A_1437] : memref<4x400x32xf32, #tpu.memory_space<vmem>> -> memref<1x400x32xf32, #tpu.memory_space<vmem>>
        %dma_start3A_1439 = tpu.memref_squeeze %dma_start3A_1438 : memref<1x400x32xf32, #tpu.memory_space<vmem>> -> memref<400x32xf32, #tpu.memory_space<vmem>>
        %dma_start3A_1440 = arith.constant 0 : i32
        %dma_start3A_1441 = tpu.memref_slice %arg5[%add3A_88, %dma_start3A_1440] : memref<128x400xi32, #tpu.memory_space<vmem>> -> memref<1x400xi32, #tpu.memory_space<vmem>>
        %dma_start3A_1442 = tpu.memref_squeeze %dma_start3A_1441 : memref<1x400xi32, #tpu.memory_space<vmem>> -> memref<400xi32, #tpu.memory_space<vmem>>
        %dma_start3A_1443 = arith.constant 0 : i32
        %dma_start3A_1444 = arith.constant 0 : i32
        %dma_start3A_1445 = tpu.memref_slice %arg3[%dma_start3A_1443, %dma_start3A_1444] : memref<100000x32xf32, #tpu.memory_space<hbm>> -> memref<100000x32xf32, #tpu.memory_space<hbm>>
        %dma_start3A_1446 = tpu.memref_slice %arg8[%dma_start3A_1435] : memref<4x!tpu.dma_semaphore, #tpu.memory_space<semaphore_mem>> -> memref<1x!tpu.dma_semaphore, #tpu.memory_space<semaphore_mem>>
        %dma_start3A_1447 = tpu.memref_squeeze %dma_start3A_1446 : memref<1x!tpu.dma_semaphore, #tpu.memory_space<semaphore_mem>> -> memref<!tpu.dma_semaphore, #tpu.memory_space<semaphore_mem>>
        tpu.enqueue_indirect_dma source(%dma_start3A_1445 : memref<100000x32xf32, #tpu.memory_space<hbm>>) target(%dma_start3A_1439 : memref<400x32xf32, #tpu.memory_space<vmem>>) offsets(%dma_start3A_1442 : memref<400xi32, #tpu.memory_space<vmem>>) semaphore(%dma_start3A_1447 : memref<!tpu.dma_semaphore, #tpu.memory_space<semaphore_mem>>)
      } else {
      }
      %broadcast_in_dim3A = arith.constant 0.000000e+00 : f32
      %broadcast_in_dim3A_91 = vector.broadcast %broadcast_in_dim3A : f32 to vector<16xf32>
      %scan3A_92 = arith.constant 0 : i32
      %scan3A_93 = arith.constant 0 : i32
      %scan3A_94 = arith.constant 25 : i32
      %scan3A_95 = arith.addi %scan3A_93, %scan3A_94 : i32
      %scan3A_96 = arith.constant 1 : i32
      %scan3A_97:8 = scf.for %scan3A_1434 = %scan3A_93 to %scan3A_95 step %scan3A_96 iter_args(%scan3A_1435 = %broadcast_in_dim3A_91, %scan3A_1436 = %broadcast_in_dim3A_91, %scan3A_1437 = %broadcast_in_dim3A_91, %scan3A_1438 = %broadcast_in_dim3A_91, %scan3A_1439 = %broadcast_in_dim3A_91, %scan3A_1440 = %broadcast_in_dim3A_91, %scan3A_1441 = %broadcast_in_dim3A_91, %scan3A_1442 = %broadcast_in_dim3A_91) -> (vector<16xf32>, vector<16xf32>, vector<16xf32>, vector<16xf32>, vector<16xf32>, vector<16xf32>, vector<16xf32>, vector<16xf32>)  : i32 {
        %mul3A_1443 = arith.constant 4 : i32
        %mul3A_1444 = arith.muli %scan3A_1434, %mul3A_1443 : i32
        %add3A_1445 = arith.constant 0 : i32
        %add3A_1446 = arith.addi %mul3A_1444, %add3A_1445 : i32
        %get3A = arith.constant 0 : i32
        %get3A_1447 = arith.constant 0 : i32
        %get3A_1448 = tpu.memref_slice %arg6[%scan3A_92, %get3A, %get3A_1447] : memref<4x400x32xf32, #tpu.memory_space<vmem>> -> memref<1x100x32xf32, #tpu.memory_space<vmem>>
        %get3A_1449 = tpu.memref_squeeze %get3A_1448 : memref<1x100x32xf32, #tpu.memory_space<vmem>> -> memref<100x32xf32, #tpu.memory_space<vmem>>
        %get3A_1450 = arith.index_cast %add3A_1446 : i32 to index
        %get3A_1451 = arith.constant 0 : index
        %get3A_1452 = tpu.vector_load %get3A_1449[%get3A_1450, %get3A_1451] {strides = array<i32>} : memref<100x32xf32, #tpu.memory_space<vmem>>, vector<1x16xf32>,
        %get3A_1453 = vector.shape_cast %get3A_1452 : vector<1x16xf32> to vector<16xf32>
        %add3A_1454 = arith.addf %scan3A_1435, %get3A_1453 : vector<16xf32>
        %add3A_1455 = arith.constant 0 : i32
        %add3A_1456 = arith.addi %mul3A_1444, %add3A_1455 : i32
        %get3A_1457 = arith.constant 0 : i32
        %get3A_1458 = arith.constant 0 : i32
        %get3A_1459 = tpu.memref_slice %arg6[%scan3A_92, %get3A_1457, %get3A_1458] : memref<4x400x32xf32, #tpu.memory_space<vmem>> -> memref<1x100x32xf32, #tpu.memory_space<vmem>>
        %get3A_1460 = tpu.memref_squeeze %get3A_1459 : memref<1x100x32xf32, #tpu.memory_space<vmem>> -> memref<100x32xf32, #tpu.memory_space<vmem>>
        %get3A_1461 = arith.index_cast %add3A_1456 : i32 to index
        %get3A_1462 = arith.constant 16 : index
        %get3A_1463 = tpu.vector_load %get3A_1460[%get3A_1461, %get3A_1462] {strides = array<i32>} : memref<100x32xf32, #tpu.memory_space<vmem>>, vector<1x16xf32>,
        %get3A_1464 = vector.shape_cast %get3A_1463 : vector<1x16xf32> to vector<16xf32>
        %add3A_1465 = arith.addf %scan3A_1436, %get3A_1464 : vector<16xf32>
        %add3A_1466 = arith.constant 1 : i32
        %add3A_1467 = arith.addi %mul3A_1444, %add3A_1466 : i32
        %get3A_1468 = arith.constant 0 : i32
        %get3A_1469 = arith.constant 0 : i32
        %get3A_1470 = tpu.memref_slice %arg6[%scan3A_92, %get3A_1468, %get3A_1469] : memref<4x400x32xf32, #tpu.memory_space<vmem>> -> memref<1x100x32xf32, #tpu.memory_space<vmem>>
        %get3A_1471 = tpu.memref_squeeze %get3A_1470 : memref<1x100x32xf32, #tpu.memory_space<vmem>> -> memref<100x32xf32, #tpu.memory_space<vmem>>
        %get3A_1472 = arith.index_cast %add3A_1467 : i32 to index
        %get3A_1473 = arith.constant 0 : index
        %get3A_1474 = tpu.vector_load %get3A_1471[%get3A_1472, %get3A_1473] {strides = array<i32>} : memref<100x32xf32, #tpu.memory_space<vmem>>, vector<1x16xf32>,
        %get3A_1475 = vector.shape_cast %get3A_1474 : vector<1x16xf32> to vector<16xf32>
        %add3A_1476 = arith.addf %scan3A_1437, %get3A_1475 : vector<16xf32>
        %add3A_1477 = arith.constant 1 : i32
        %add3A_1478 = arith.addi %mul3A_1444, %add3A_1477 : i32
        %get3A_1479 = arith.constant 0 : i32
        %get3A_1480 = arith.constant 0 : i32
        %get3A_1481 = tpu.memref_slice %arg6[%scan3A_92, %get3A_1479, %get3A_1480] : memref<4x400x32xf32, #tpu.memory_space<vmem>> -> memref<1x100x32xf32, #tpu.memory_space<vmem>>
        %get3A_1482 = tpu.memref_squeeze %get3A_1481 : memref<1x100x32xf32, #tpu.memory_space<vmem>> -> memref<100x32xf32, #tpu.memory_space<vmem>>
        %get3A_1483 = arith.index_cast %add3A_1478 : i32 to index
        %get3A_1484 = arith.constant 16 : index
        %get3A_1485 = tpu.vector_load %get3A_1482[%get3A_1483, %get3A_1484] {strides = array<i32>} : memref<100x32xf32, #tpu.memory_space<vmem>>, vector<1x16xf32>,
        %get3A_1486 = vector.shape_cast %get3A_1485 : vector<1x16xf32> to vector<16xf32>
        %add3A_1487 = arith.addf %scan3A_1438, %get3A_1486 : vector<16xf32>
        %add3A_1488 = arith.constant 2 : i32
        %add3A_1489 = arith.addi %mul3A_1444, %add3A_1488 : i32
        %get3A_1490 = arith.constant 0 : i32
        %get3A_1491 = arith.constant 0 : i32
        %get3A_1492 = tpu.memref_slice %arg6[%scan3A_92, %get3A_1490, %get3A_1491] : memref<4x400x32xf32, #tpu.memory_space<vmem>> -> memref<1x100x32xf32, #tpu.memory_space<vmem>>
        %get3A_1493 = tpu.memref_squeeze %get3A_1492 : memref<1x100x32xf32, #tpu.memory_space<vmem>> -> memref<100x32xf32, #tpu.memory_space<vmem>>
        %get3A_1494 = arith.index_cast %add3A_1489 : i32 to index
        %get3A_1495 = arith.constant 0 : index
        %get3A_1496 = tpu.vector_load %get3A_1493[%get3A_1494, %get3A_1495] {strides = array<i32>} : memref<100x32xf32, #tpu.memory_space<vmem>>, vector<1x16xf32>,
        %get3A_1497 = vector.shape_cast %get3A_1496 : vector<1x16xf32> to vector<16xf32>
        %add3A_1498 = arith.addf %scan3A_1439, %get3A_1497 : vector<16xf32>
        %add3A_1499 = arith.constant 2 : i32
        %add3A_1500 = arith.addi %mul3A_1444, %add3A_1499 : i32
        %get3A_1501 = arith.constant 0 : i32
        %get3A_1502 = arith.constant 0 : i32
        %get3A_1503 = tpu.memref_slice %arg6[%scan3A_92, %get3A_1501, %get3A_1502] : memref<4x400x32xf32, #tpu.memory_space<vmem>> -> memref<1x100x32xf32, #tpu.memory_space<vmem>>
        %get3A_1504 = tpu.memref_squeeze %get3A_1503 : memref<1x100x32xf32, #tpu.memory_space<vmem>> -> memref<100x32xf32, #tpu.memory_space<vmem>>
        %get3A_1505 = arith.index_cast %add3A_1500 : i32 to index
        %get3A_1506 = arith.constant 16 : index
        %get3A_1507 = tpu.vector_load %get3A_1504[%get3A_1505, %get3A_1506] {strides = array<i32>} : memref<100x32xf32, #tpu.memory_space<vmem>>, vector<1x16xf32>,
        %get3A_1508 = vector.shape_cast %get3A_1507 : vector<1x16xf32> to vector<16xf32>
        %add3A_1509 = arith.addf %scan3A_1440, %get3A_1508 : vector<16xf32>
        %add3A_1510 = arith.constant 3 : i32
        %add3A_1511 = arith.addi %mul3A_1444, %add3A_1510 : i32
        %get3A_1512 = arith.constant 0 : i32
        %get3A_1513 = arith.constant 0 : i32
        %get3A_1514 = tpu.memref_slice %arg6[%scan3A_92, %get3A_1512, %get3A_1513] : memref<4x400x32xf32, #tpu.memory_space<vmem>> -> memref<1x100x32xf32, #tpu.memory_space<vmem>>
        %get3A_1515 = tpu.memref_squeeze %get3A_1514 : memref<1x100x32xf32, #tpu.memory_space<vmem>> -> memref<100x32xf32, #tpu.memory_space<vmem>>
        %get3A_1516 = arith.index_cast %add3A_1511 : i32 to index
        %get3A_1517 = arith.constant 0 : index
        %get3A_1518 = tpu.vector_load %get3A_1515[%get3A_1516, %get3A_1517] {strides = array<i32>} : memref<100x32xf32, #tpu.memory_space<vmem>>, vector<1x16xf32>,
        %get3A_1519 = vector.shape_cast %get3A_1518 : vector<1x16xf32> to vector<16xf32>
        %add3A_1520 = arith.addf %scan3A_1441, %get3A_1519 : vector<16xf32>
        %add3A_1521 = arith.constant 3 : i32
        %add3A_1522 = arith.addi %mul3A_1444, %add3A_1521 : i32
        %get3A_1523 = arith.constant 0 : i32
        %get3A_1524 = arith.constant 0 : i32
        %get3A_1525 = tpu.memref_slice %arg6[%scan3A_92, %get3A_1523, %get3A_1524] : memref<4x400x32xf32, #tpu.memory_space<vmem>> -> memref<1x100x32xf32, #tpu.memory_space<vmem>>
        %get3A_1526 = tpu.memref_squeeze %get3A_1525 : memref<1x100x32xf32, #tpu.memory_space<vmem>> -> memref<100x32xf32, #tpu.memory_space<vmem>>
        %get3A_1527 = arith.index_cast %add3A_1522 : i32 to index
        %get3A_1528 = arith.constant 16 : index
        %get3A_1529 = tpu.vector_load %get3A_1526[%get3A_1527, %get3A_1528] {strides = array<i32>} : memref<100x32xf32, #tpu.memory_space<vmem>>, vector<1x16xf32>,
        %get3A_1530 = vector.shape_cast %get3A_1529 : vector<1x16xf32> to vector<16xf32>
        %add3A_1531 = arith.addf %scan3A_1442, %get3A_1530 : vector<16xf32>
        scf.yield %add3A_1454, %add3A_1465, %add3A_1476, %add3A_1487, %add3A_1498, %add3A_1509, %add3A_1520, %add3A_1531 : vector<16xf32>, vector<16xf32>, vector<16xf32>, vector<16xf32>, vector<16xf32>, vector<16xf32>, vector<16xf32>, vector<16xf32>
      }
      %scan3A_98 = arith.constant 25 : i32
      %add3A_99 = arith.addf %scan3A_97#0, %scan3A_97#2 : vector<16xf32>
      %add3A_100 = arith.addf %scan3A_97#4, %scan3A_97#6 : vector<16xf32>
      %add3A_101 = arith.addf %add3A_99, %add3A_100 : vector<16xf32>
      %add3A_102 = arith.addf %scan3A_97#1, %scan3A_97#3 : vector<16xf32>
      %add3A_103 = arith.addf %scan3A_97#5, %scan3A_97#7 : vector<16xf32>
      %add3A_104 = arith.addf %add3A_102, %add3A_103 : vector<16xf32>
      %mul3A_105 = arith.constant 0.00999999977 : f32
      %mul3A_106 = vector.broadcast %mul3A_105 : f32 to vector<16xf32>
      %mul3A_107 = arith.mulf %add3A_101, %mul3A_106 : vector<16xf32>
      %mul3A_108 = arith.constant 0.00999999977 : f32
      %mul3A_109 = vector.broadcast %mul3A_108 : f32 to vector<16xf32>
      %mul3A_110 = arith.mulf %add3A_104, %mul3A_109 : vector<16xf32>
      %mul3A_111 = arith.constant 4 : i32
      %mul3A_112 = arith.muli %mul3A_111, %add3A_73 : i32
      %add3A_113 = arith.constant 0 : i32
      %add3A_114 = arith.addi %mul3A_112, %add3A_113 : i32
      %jit3A = arith.constant 4 : i32
      %div3A = arith.divsi %add3A_114, %jit3A : i32
      %sign3A = arith.constant 0 : i32
      %sign3A_115 = arith.cmpi sgt, %add3A_114, %sign3A : i32
      %sign3A_116 = arith.extui %sign3A_115 : i1 to i32
      %sign3A_117 = arith.constant 0 : i32
      %sign3A_118 = arith.cmpi slt, %add3A_114, %sign3A_117 : i32
      %sign3A_119 = arith.extui %sign3A_118 : i1 to i32
      %sign3A_120 = arith.subi %sign3A_116, %sign3A_119 : i32
      %sign3A_121 = arith.constant 0 : i32
      %sign3A_122 = arith.cmpi sgt, %jit3A, %sign3A_121 : i32
      %sign3A_123 = arith.extui %sign3A_122 : i1 to i32
      %sign3A_124 = arith.constant 0 : i32
      %sign3A_125 = arith.cmpi slt, %jit3A, %sign3A_124 : i32
      %sign3A_126 = arith.extui %sign3A_125 : i1 to i32
      %sign3A_127 = arith.subi %sign3A_123, %sign3A_126 : i32
      %ne3A = arith.cmpi ne, %sign3A_120, %sign3A_127 : i32
      %rem3A = arith.remsi %add3A_114, %jit3A : i32
      %ne3A_128 = arith.constant 0 : i32
      %ne3A_129 = arith.cmpi ne, %rem3A, %ne3A_128 : i32
      %and3A = arith.andi %ne3A, %ne3A_129 : i1
      %sub3A = arith.constant 1 : i32
      %sub3A_130 = arith.subi %div3A, %sub3A : i32
      %select_n3A = arith.select %and3A, %sub3A_130, %div3A : i32
      %jit3A_131 = arith.constant 4 : i32
      %eq3A = arith.constant 0 : i32
      %eq3A_132 = arith.cmpi eq, %jit3A_131, %eq3A : i32
      %jit3A_133 = arith.constant 1 : i32
      %select_n3A_134 = arith.select %eq3A_132, %jit3A_133, %jit3A_131 : i32
      %rem3A_135 = arith.remsi %add3A_114, %select_n3A_134 : i32
      %ne3A_136 = arith.constant 0 : i32
      %ne3A_137 = arith.cmpi ne, %rem3A_135, %ne3A_136 : i32
      %lt3A_138 = arith.constant 0 : i32
      %lt3A_139 = arith.cmpi slt, %rem3A_135, %lt3A_138 : i32
      %lt3A_140 = arith.constant 0 : i32
      %lt3A_141 = arith.cmpi slt, %select_n3A_134, %lt3A_140 : i32
      %ne3A_142 = arith.xori %lt3A_139, %lt3A_141 : i1
      %and3A_143 = arith.andi %ne3A_142, %ne3A_137 : i1
      %add3A_144 = arith.addi %rem3A_135, %select_n3A_134 : i32
      %select_n3A_145 = arith.select %and3A_143, %add3A_144, %rem3A_135 : i32
      %mul3A_146 = arith.constant 32 : i32
      %mul3A_147 = arith.muli %select_n3A_145, %mul3A_146 : i32
      %multiple_of3A = tpu.assume_multiple %mul3A_147, 32 : i32
      %swap3A = arith.index_cast %select_n3A : i32 to index
      %swap3A_148 = arith.index_cast %multiple_of3A : i32 to index
      %swap3A_149 = tpu.vector_load %arg7[%swap3A, %swap3A_148] {strides = array<i32>} : memref<128x128xf32, #tpu.memory_space<vmem>>, vector<1x16xf32>,
      %swap3A_150 = vector.shape_cast %swap3A_149 : vector<1x16xf32> to vector<16xf32>
      %swap3A_151 = vector.shape_cast %mul3A_107 : vector<16xf32> to vector<1x16xf32>
      tpu.vector_store %arg7[%swap3A, %swap3A_148], %swap3A_151 {strides = array<i32>} : memref<128x128xf32, #tpu.memory_space<vmem>>, vector<1x16xf32>,
      %add3A_152 = arith.constant 16 : i32
      %add3A_153 = arith.addi %multiple_of3A, %add3A_152 : i32
      %swap3A_154 = arith.index_cast %select_n3A : i32 to index
      %swap3A_155 = arith.index_cast %add3A_153 : i32 to index
      %swap3A_156 = tpu.vector_load %arg7[%swap3A_154, %swap3A_155] {strides = array<i32>} : memref<128x128xf32, #tpu.memory_space<vmem>>, vector<1x16xf32>,
      %swap3A_157 = vector.shape_cast %swap3A_156 : vector<1x16xf32> to vector<16xf32>
      %swap3A_158 = vector.shape_cast %mul3A_110 : vector<16xf32> to vector<1x16xf32>
      tpu.vector_store %arg7[%swap3A_154, %swap3A_155], %swap3A_158 {strides = array<i32>} : memref<128x128xf32, #tpu.memory_space<vmem>>, vector<1x16xf32>,
      %broadcast_in_dim3A_159 = arith.constant 0.000000e+00 : f32
      %broadcast_in_dim3A_160 = vector.broadcast %broadcast_in_dim3A_159 : f32 to vector<16xf32>
      %scan3A_161 = arith.constant 0 : i32
      %scan3A_162 = arith.constant 0 : i32
      %scan3A_163 = arith.constant 25 : i32
      %scan3A_164 = arith.addi %scan3A_162, %scan3A_163 : i32
      %scan3A_165 = arith.constant 1 : i32
      %scan3A_166:8 = scf.for %scan3A_1434 = %scan3A_162 to %scan3A_164 step %scan3A_165 iter_args(%scan3A_1435 = %broadcast_in_dim3A_160, %scan3A_1436 = %broadcast_in_dim3A_160, %scan3A_1437 = %broadcast_in_dim3A_160, %scan3A_1438 = %broadcast_in_dim3A_160, %scan3A_1439 = %broadcast_in_dim3A_160, %scan3A_1440 = %broadcast_in_dim3A_160, %scan3A_1441 = %broadcast_in_dim3A_160, %scan3A_1442 = %broadcast_in_dim3A_160) -> (vector<16xf32>, vector<16xf32>, vector<16xf32>, vector<16xf32>, vector<16xf32>, vector<16xf32>, vector<16xf32>, vector<16xf32>)  : i32 {
        %mul3A_1443 = arith.constant 4 : i32
        %mul3A_1444 = arith.muli %scan3A_1434, %mul3A_1443 : i32
        %add3A_1445 = arith.constant 0 : i32
        %add3A_1446 = arith.addi %mul3A_1444, %add3A_1445 : i32
        %get3A = arith.constant 100 : i32
        %get3A_1447 = arith.constant 0 : i32
        %get3A_1448 = tpu.memref_slice %arg6[%scan3A_161, %get3A, %get3A_1447] : memref<4x400x32xf32, #tpu.memory_space<vmem>> -> memref<1x100x32xf32, #tpu.memory_space<vmem>>
        %get3A_1449 = tpu.memref_squeeze %get3A_1448 : memref<1x100x32xf32, #tpu.memory_space<vmem>> -> memref<100x32xf32, #tpu.memory_space<vmem>>
        %get3A_1450 = arith.index_cast %add3A_1446 : i32 to index
        %get3A_1451 = arith.constant 0 : index
        %get3A_1452 = tpu.vector_load %get3A_1449[%get3A_1450, %get3A_1451] {strides = array<i32>} : memref<100x32xf32, #tpu.memory_space<vmem>>, vector<1x16xf32>,
        %get3A_1453 = vector.shape_cast %get3A_1452 : vector<1x16xf32> to vector<16xf32>
        %add3A_1454 = arith.addf %scan3A_1435, %get3A_1453 : vector<16xf32>
        %add3A_1455 = arith.constant 0 : i32
        %add3A_1456 = arith.addi %mul3A_1444, %add3A_1455 : i32
        %get3A_1457 = arith.constant 100 : i32
        %get3A_1458 = arith.constant 0 : i32
        %get3A_1459 = tpu.memref_slice %arg6[%scan3A_161, %get3A_1457, %get3A_1458] : memref<4x400x32xf32, #tpu.memory_space<vmem>> -> memref<1x100x32xf32, #tpu.memory_space<vmem>>
        %get3A_1460 = tpu.memref_squeeze %get3A_1459 : memref<1x100x32xf32, #tpu.memory_space<vmem>> -> memref<100x32xf32, #tpu.memory_space<vmem>>
        %get3A_1461 = arith.index_cast %add3A_1456 : i32 to index
        %get3A_1462 = arith.constant 16 : index
        %get3A_1463 = tpu.vector_load %get3A_1460[%get3A_1461, %get3A_1462] {strides = array<i32>} : memref<100x32xf32, #tpu.memory_space<vmem>>, vector<1x16xf32>,
        %get3A_1464 = vector.shape_cast %get3A_1463 : vector<1x16xf32> to vector<16xf32>
        %add3A_1465 = arith.addf %scan3A_1436, %get3A_1464 : vector<16xf32>
        %add3A_1466 = arith.constant 1 : i32
        %add3A_1467 = arith.addi %mul3A_1444, %add3A_1466 : i32
        %get3A_1468 = arith.constant 100 : i32
        %get3A_1469 = arith.constant 0 : i32
        %get3A_1470 = tpu.memref_slice %arg6[%scan3A_161, %get3A_1468, %get3A_1469] : memref<4x400x32xf32, #tpu.memory_space<vmem>> -> memref<1x100x32xf32, #tpu.memory_space<vmem>>
        %get3A_1471 = tpu.memref_squeeze %get3A_1470 : memref<1x100x32xf32, #tpu.memory_space<vmem>> -> memref<100x32xf32, #tpu.memory_space<vmem>>
        %get3A_1472 = arith.index_cast %add3A_1467 : i32 to index
        %get3A_1473 = arith.constant 0 : index
        %get3A_1474 = tpu.vector_load %get3A_1471[%get3A_1472, %get3A_1473] {strides = array<i32>} : memref<100x32xf32, #tpu.memory_space<vmem>>, vector<1x16xf32>,
        %get3A_1475 = vector.shape_cast %get3A_1474 : vector<1x16xf32> to vector<16xf32>
        %add3A_1476 = arith.addf %scan3A_1437, %get3A_1475 : vector<16xf32>
        %add3A_1477 = arith.constant 1 : i32
        %add3A_1478 = arith.addi %mul3A_1444, %add3A_1477 : i32
        %get3A_1479 = arith.constant 100 : i32
        %get3A_1480 = arith.constant 0 : i32
        %get3A_1481 = tpu.memref_slice %arg6[%scan3A_161, %get3A_1479, %get3A_1480] : memref<4x400x32xf32, #tpu.memory_space<vmem>> -> memref<1x100x32xf32, #tpu.memory_space<vmem>>
        %get3A_1482 = tpu.memref_squeeze %get3A_1481 : memref<1x100x32xf32, #tpu.memory_space<vmem>> -> memref<100x32xf32, #tpu.memory_space<vmem>>
        %get3A_1483 = arith.index_cast %add3A_1478 : i32 to index
        %get3A_1484 = arith.constant 16 : index
        %get3A_1485 = tpu.vector_load %get3A_1482[%get3A_1483, %get3A_1484] {strides = array<i32>} : memref<100x32xf32, #tpu.memory_space<vmem>>, vector<1x16xf32>,
        %get3A_1486 = vector.shape_cast %get3A_1485 : vector<1x16xf32> to vector<16xf32>
        %add3A_1487 = arith.addf %scan3A_1438, %get3A_1486 : vector<16xf32>
        %add3A_1488 = arith.constant 2 : i32
        %add3A_1489 = arith.addi %mul3A_1444, %add3A_1488 : i32
        %get3A_1490 = arith.constant 100 : i32
        %get3A_1491 = arith.constant 0 : i32
        %get3A_1492 = tpu.memref_slice %arg6[%scan3A_161, %get3A_1490, %get3A_1491] : memref<4x400x32xf32, #tpu.memory_space<vmem>> -> memref<1x100x32xf32, #tpu.memory_space<vmem>>
        %get3A_1493 = tpu.memref_squeeze %get3A_1492 : memref<1x100x32xf32, #tpu.memory_space<vmem>> -> memref<100x32xf32, #tpu.memory_space<vmem>>
        %get3A_1494 = arith.index_cast %add3A_1489 : i32 to index
        %get3A_1495 = arith.constant 0 : index
        %get3A_1496 = tpu.vector_load %get3A_1493[%get3A_1494, %get3A_1495] {strides = array<i32>} : memref<100x32xf32, #tpu.memory_space<vmem>>, vector<1x16xf32>,
        %get3A_1497 = vector.shape_cast %get3A_1496 : vector<1x16xf32> to vector<16xf32>
        %add3A_1498 = arith.addf %scan3A_1439, %get3A_1497 : vector<16xf32>
        %add3A_1499 = arith.constant 2 : i32
        %add3A_1500 = arith.addi %mul3A_1444, %add3A_1499 : i32
        %get3A_1501 = arith.constant 100 : i32
        %get3A_1502 = arith.constant 0 : i32
        %get3A_1503 = tpu.memref_slice %arg6[%scan3A_161, %get3A_1501, %get3A_1502] : memref<4x400x32xf32, #tpu.memory_space<vmem>> -> memref<1x100x32xf32, #tpu.memory_space<vmem>>
        %get3A_1504 = tpu.memref_squeeze %get3A_1503 : memref<1x100x32xf32, #tpu.memory_space<vmem>> -> memref<100x32xf32, #tpu.memory_space<vmem>>
        %get3A_1505 = arith.index_cast %add3A_1500 : i32 to index
        %get3A_1506 = arith.constant 16 : index
        %get3A_1507 = tpu.vector_load %get3A_1504[%get3A_1505, %get3A_1506] {strides = array<i32>} : memref<100x32xf32, #tpu.memory_space<vmem>>, vector<1x16xf32>,
        %get3A_1508 = vector.shape_cast %get3A_1507 : vector<1x16xf32> to vector<16xf32>
        %add3A_1509 = arith.addf %scan3A_1440, %get3A_1508 : vector<16xf32>
        %add3A_1510 = arith.constant 3 : i32
        %add3A_1511 = arith.addi %mul3A_1444, %add3A_1510 : i32
        %get3A_1512 = arith.constant 100 : i32
        %get3A_1513 = arith.constant 0 : i32
        %get3A_1514 = tpu.memref_slice %arg6[%scan3A_161, %get3A_1512, %get3A_1513] : memref<4x400x32xf32, #tpu.memory_space<vmem>> -> memref<1x100x32xf32, #tpu.memory_space<vmem>>
        %get3A_1515 = tpu.memref_squeeze %get3A_1514 : memref<1x100x32xf32, #tpu.memory_space<vmem>> -> memref<100x32xf32, #tpu.memory_space<vmem>>
        %get3A_1516 = arith.index_cast %add3A_1511 : i32 to index
        %get3A_1517 = arith.constant 0 : index
        %get3A_1518 = tpu.vector_load %get3A_1515[%get3A_1516, %get3A_1517] {strides = array<i32>} : memref<100x32xf32, #tpu.memory_space<vmem>>, vector<1x16xf32>,
        %get3A_1519 = vector.shape_cast %get3A_1518 : vector<1x16xf32> to vector<16xf32>
        %add3A_1520 = arith.addf %scan3A_1441, %get3A_1519 : vector<16xf32>
        %add3A_1521 = arith.constant 3 : i32
        %add3A_1522 = arith.addi %mul3A_1444, %add3A_1521 : i32
        %get3A_1523 = arith.constant 100 : i32
        %get3A_1524 = arith.constant 0 : i32
        %get3A_1525 = tpu.memref_slice %arg6[%scan3A_161, %get3A_1523, %get3A_1524] : memref<4x400x32xf32, #tpu.memory_space<vmem>> -> memref<1x100x32xf32, #tpu.memory_space<vmem>>
        %get3A_1526 = tpu.memref_squeeze %get3A_1525 : memref<1x100x32xf32, #tpu.memory_space<vmem>> -> memref<100x32xf32, #tpu.memory_space<vmem>>
        %get3A_1527 = arith.index_cast %add3A_1522 : i32 to index
        %get3A_1528 = arith.constant 16 : index
        %get3A_1529 = tpu.vector_load %get3A_1526[%get3A_1527, %get3A_1528] {strides = array<i32>} : memref<100x32xf32, #tpu.memory_space<vmem>>, vector<1x16xf32>,
        %get3A_1530 = vector.shape_cast %get3A_1529 : vector<1x16xf32> to vector<16xf32>
        %add3A_1531 = arith.addf %scan3A_1442, %get3A_1530 : vector<16xf32>
        scf.yield %add3A_1454, %add3A_1465, %add3A_1476, %add3A_1487, %add3A_1498, %add3A_1509, %add3A_1520, %add3A_1531 : vector<16xf32>, vector<16xf32>, vector<16xf32>, vector<16xf32>, vector<16xf32>, vector<16xf32>, vector<16xf32>, vector<16xf32>
      }
      %scan3A_167 = arith.constant 25 : i32
      %add3A_168 = arith.addf %scan3A_166#0, %scan3A_166#2 : vector<16xf32>
      %add3A_169 = arith.addf %scan3A_166#4, %scan3A_166#6 : vector<16xf32>
      %add3A_170 = arith.addf %add3A_168, %add3A_169 : vector<16xf32>
      %add3A_171 = arith.addf %scan3A_166#1, %scan3A_166#3 : vector<16xf32>
      %add3A_172 = arith.addf %scan3A_166#5, %scan3A_166#7 : vector<16xf32>
      %add3A_173 = arith.addf %add3A_171, %add3A_172 : vector<16xf32>
      %mul3A_174 = arith.constant 0.00999999977 : f32
      %mul3A_175 = vector.broadcast %mul3A_174 : f32 to vector<16xf32>
      %mul3A_176 = arith.mulf %add3A_170, %mul3A_175 : vector<16xf32>
      %mul3A_177 = arith.constant 0.00999999977 : f32
      %mul3A_178 = vector.broadcast %mul3A_177 : f32 to vector<16xf32>
      %mul3A_179 = arith.mulf %add3A_173, %mul3A_178 : vector<16xf32>
      %mul3A_180 = arith.constant 4 : i32
      %mul3A_181 = arith.muli %mul3A_180, %add3A_73 : i32
      %add3A_182 = arith.constant 1 : i32
      %add3A_183 = arith.addi %mul3A_181, %add3A_182 : i32
      %jit3A_184 = arith.constant 4 : i32
      %div3A_185 = arith.divsi %add3A_183, %jit3A_184 : i32
      %sign3A_186 = arith.constant 0 : i32
      %sign3A_187 = arith.cmpi sgt, %add3A_183, %sign3A_186 : i32
      %sign3A_188 = arith.extui %sign3A_187 : i1 to i32
      %sign3A_189 = arith.constant 0 : i32
      %sign3A_190 = arith.cmpi slt, %add3A_183, %sign3A_189 : i32
      %sign3A_191 = arith.extui %sign3A_190 : i1 to i32
      %sign3A_192 = arith.subi %sign3A_188, %sign3A_191 : i32
      %sign3A_193 = arith.constant 0 : i32
      %sign3A_194 = arith.cmpi sgt, %jit3A_184, %sign3A_193 : i32
      %sign3A_195 = arith.extui %sign3A_194 : i1 to i32
      %sign3A_196 = arith.constant 0 : i32
      %sign3A_197 = arith.cmpi slt, %jit3A_184, %sign3A_196 : i32
      %sign3A_198 = arith.extui %sign3A_197 : i1 to i32
      %sign3A_199 = arith.subi %sign3A_195, %sign3A_198 : i32
      %ne3A_200 = arith.cmpi ne, %sign3A_192, %sign3A_199 : i32
      %rem3A_201 = arith.remsi %add3A_183, %jit3A_184 : i32
      %ne3A_202 = arith.constant 0 : i32
      %ne3A_203 = arith.cmpi ne, %rem3A_201, %ne3A_202 : i32
      %and3A_204 = arith.andi %ne3A_200, %ne3A_203 : i1
      %sub3A_205 = arith.constant 1 : i32
      %sub3A_206 = arith.subi %div3A_185, %sub3A_205 : i32
      %select_n3A_207 = arith.select %and3A_204, %sub3A_206, %div3A_185 : i32
      %jit3A_208 = arith.constant 4 : i32
      %eq3A_209 = arith.constant 0 : i32
      %eq3A_210 = arith.cmpi eq, %jit3A_208, %eq3A_209 : i32
      %jit3A_211 = arith.constant 1 : i32
      %select_n3A_212 = arith.select %eq3A_210, %jit3A_211, %jit3A_208 : i32
      %rem3A_213 = arith.remsi %add3A_183, %select_n3A_212 : i32
      %ne3A_214 = arith.constant 0 : i32
      %ne3A_215 = arith.cmpi ne, %rem3A_213, %ne3A_214 : i32
      %lt3A_216 = arith.constant 0 : i32
      %lt3A_217 = arith.cmpi slt, %rem3A_213, %lt3A_216 : i32
      %lt3A_218 = arith.constant 0 : i32
      %lt3A_219 = arith.cmpi slt, %select_n3A_212, %lt3A_218 : i32
      %ne3A_220 = arith.xori %lt3A_217, %lt3A_219 : i1
      %and3A_221 = arith.andi %ne3A_220, %ne3A_215 : i1
      %add3A_222 = arith.addi %rem3A_213, %select_n3A_212 : i32
      %select_n3A_223 = arith.select %and3A_221, %add3A_222, %rem3A_213 : i32
      %mul3A_224 = arith.constant 32 : i32
      %mul3A_225 = arith.muli %select_n3A_223, %mul3A_224 : i32
      %multiple_of3A_226 = tpu.assume_multiple %mul3A_225, 32 : i32
      %swap3A_227 = arith.index_cast %select_n3A_207 : i32 to index
      %swap3A_228 = arith.index_cast %multiple_of3A_226 : i32 to index
      %swap3A_229 = tpu.vector_load %arg7[%swap3A_227, %swap3A_228] {strides = array<i32>} : memref<128x128xf32, #tpu.memory_space<vmem>>, vector<1x16xf32>,
      %swap3A_230 = vector.shape_cast %swap3A_229 : vector<1x16xf32> to vector<16xf32>
      %swap3A_231 = vector.shape_cast %mul3A_176 : vector<16xf32> to vector<1x16xf32>
      tpu.vector_store %arg7[%swap3A_227, %swap3A_228], %swap3A_231 {strides = array<i32>} : memref<128x128xf32, #tpu.memory_space<vmem>>, vector<1x16xf32>,
      %add3A_232 = arith.constant 16 : i32
      %add3A_233 = arith.addi %multiple_of3A_226, %add3A_232 : i32
      %swap3A_234 = arith.index_cast %select_n3A_207 : i32 to index
      %swap3A_235 = arith.index_cast %add3A_233 : i32 to index
      %swap3A_236 = tpu.vector_load %arg7[%swap3A_234, %swap3A_235] {strides = array<i32>} : memref<128x128xf32, #tpu.memory_space<vmem>>, vector<1x16xf32>,
      %swap3A_237 = vector.shape_cast %swap3A_236 : vector<1x16xf32> to vector<16xf32>
      %swap3A_238 = vector.shape_cast %mul3A_179 : vector<16xf32> to vector<1x16xf32>
      tpu.vector_store %arg7[%swap3A_234, %swap3A_235], %swap3A_238 {strides = array<i32>} : memref<128x128xf32, #tpu.memory_space<vmem>>, vector<1x16xf32>,
      %broadcast_in_dim3A_239 = arith.constant 0.000000e+00 : f32
      %broadcast_in_dim3A_240 = vector.broadcast %broadcast_in_dim3A_239 : f32 to vector<16xf32>
      %scan3A_241 = arith.constant 0 : i32
      %scan3A_242 = arith.constant 0 : i32
      %scan3A_243 = arith.constant 25 : i32
      %scan3A_244 = arith.addi %scan3A_242, %scan3A_243 : i32
      %scan3A_245 = arith.constant 1 : i32
      %scan3A_246:8 = scf.for %scan3A_1434 = %scan3A_242 to %scan3A_244 step %scan3A_245 iter_args(%scan3A_1435 = %broadcast_in_dim3A_240, %scan3A_1436 = %broadcast_in_dim3A_240, %scan3A_1437 = %broadcast_in_dim3A_240, %scan3A_1438 = %broadcast_in_dim3A_240, %scan3A_1439 = %broadcast_in_dim3A_240, %scan3A_1440 = %broadcast_in_dim3A_240, %scan3A_1441 = %broadcast_in_dim3A_240, %scan3A_1442 = %broadcast_in_dim3A_240) -> (vector<16xf32>, vector<16xf32>, vector<16xf32>, vector<16xf32>, vector<16xf32>, vector<16xf32>, vector<16xf32>, vector<16xf32>)  : i32 {
        %mul3A_1443 = arith.constant 4 : i32
        %mul3A_1444 = arith.muli %scan3A_1434, %mul3A_1443 : i32
        %add3A_1445 = arith.constant 0 : i32
        %add3A_1446 = arith.addi %mul3A_1444, %add3A_1445 : i32
        %get3A = arith.constant 200 : i32
        %get3A_1447 = arith.constant 0 : i32
        %get3A_1448 = tpu.memref_slice %arg6[%scan3A_241, %get3A, %get3A_1447] : memref<4x400x32xf32, #tpu.memory_space<vmem>> -> memref<1x100x32xf32, #tpu.memory_space<vmem>>
        %get3A_1449 = tpu.memref_squeeze %get3A_1448 : memref<1x100x32xf32, #tpu.memory_space<vmem>> -> memref<100x32xf32, #tpu.memory_space<vmem>>
        %get3A_1450 = arith.index_cast %add3A_1446 : i32 to index
        %get3A_1451 = arith.constant 0 : index
        %get3A_1452 = tpu.vector_load %get3A_1449[%get3A_1450, %get3A_1451] {strides = array<i32>} : memref<100x32xf32, #tpu.memory_space<vmem>>, vector<1x16xf32>,
        %get3A_1453 = vector.shape_cast %get3A_1452 : vector<1x16xf32> to vector<16xf32>
        %add3A_1454 = arith.addf %scan3A_1435, %get3A_1453 : vector<16xf32>
        %add3A_1455 = arith.constant 0 : i32
        %add3A_1456 = arith.addi %mul3A_1444, %add3A_1455 : i32
        %get3A_1457 = arith.constant 200 : i32
        %get3A_1458 = arith.constant 0 : i32
        %get3A_1459 = tpu.memref_slice %arg6[%scan3A_241, %get3A_1457, %get3A_1458] : memref<4x400x32xf32, #tpu.memory_space<vmem>> -> memref<1x100x32xf32, #tpu.memory_space<vmem>>
        %get3A_1460 = tpu.memref_squeeze %get3A_1459 : memref<1x100x32xf32, #tpu.memory_space<vmem>> -> memref<100x32xf32, #tpu.memory_space<vmem>>
        %get3A_1461 = arith.index_cast %add3A_1456 : i32 to index
        %get3A_1462 = arith.constant 16 : index
        %get3A_1463 = tpu.vector_load %get3A_1460[%get3A_1461, %get3A_1462] {strides = array<i32>} : memref<100x32xf32, #tpu.memory_space<vmem>>, vector<1x16xf32>,
        %get3A_1464 = vector.shape_cast %get3A_1463 : vector<1x16xf32> to vector<16xf32>
        %add3A_1465 = arith.addf %scan3A_1436, %get3A_1464 : vector<16xf32>
        %add3A_1466 = arith.constant 1 : i32
        %add3A_1467 = arith.addi %mul3A_1444, %add3A_1466 : i32
        %get3A_1468 = arith.constant 200 : i32
        %get3A_1469 = arith.constant 0 : i32
        %get3A_1470 = tpu.memref_slice %arg6[%scan3A_241, %get3A_1468, %get3A_1469] : memref<4x400x32xf32, #tpu.memory_space<vmem>> -> memref<1x100x32xf32, #tpu.memory_space<vmem>>
        %get3A_1471 = tpu.memref_squeeze %get3A_1470 : memref<1x100x32xf32, #tpu.memory_space<vmem>> -> memref<100x32xf32, #tpu.memory_space<vmem>>
        %get3A_1472 = arith.index_cast %add3A_1467 : i32 to index
        %get3A_1473 = arith.constant 0 : index
        %get3A_1474 = tpu.vector_load %get3A_1471[%get3A_1472, %get3A_1473] {strides = array<i32>} : memref<100x32xf32, #tpu.memory_space<vmem>>, vector<1x16xf32>,
        %get3A_1475 = vector.shape_cast %get3A_1474 : vector<1x16xf32> to vector<16xf32>
        %add3A_1476 = arith.addf %scan3A_1437, %get3A_1475 : vector<16xf32>
        %add3A_1477 = arith.constant 1 : i32
        %add3A_1478 = arith.addi %mul3A_1444, %add3A_1477 : i32
        %get3A_1479 = arith.constant 200 : i32
        %get3A_1480 = arith.constant 0 : i32
        %get3A_1481 = tpu.memref_slice %arg6[%scan3A_241, %get3A_1479, %get3A_1480] : memref<4x400x32xf32, #tpu.memory_space<vmem>> -> memref<1x100x32xf32, #tpu.memory_space<vmem>>
        %get3A_1482 = tpu.memref_squeeze %get3A_1481 : memref<1x100x32xf32, #tpu.memory_space<vmem>> -> memref<100x32xf32, #tpu.memory_space<vmem>>
        %get3A_1483 = arith.index_cast %add3A_1478 : i32 to index
        %get3A_1484 = arith.constant 16 : index
        %get3A_1485 = tpu.vector_load %get3A_1482[%get3A_1483, %get3A_1484] {strides = array<i32>} : memref<100x32xf32, #tpu.memory_space<vmem>>, vector<1x16xf32>,
        %get3A_1486 = vector.shape_cast %get3A_1485 : vector<1x16xf32> to vector<16xf32>
        %add3A_1487 = arith.addf %scan3A_1438, %get3A_1486 : vector<16xf32>
        %add3A_1488 = arith.constant 2 : i32
        %add3A_1489 = arith.addi %mul3A_1444, %add3A_1488 : i32
        %get3A_1490 = arith.constant 200 : i32
        %get3A_1491 = arith.constant 0 : i32
        %get3A_1492 = tpu.memref_slice %arg6[%scan3A_241, %get3A_1490, %get3A_1491] : memref<4x400x32xf32, #tpu.memory_space<vmem>> -> memref<1x100x32xf32, #tpu.memory_space<vmem>>
        %get3A_1493 = tpu.memref_squeeze %get3A_1492 : memref<1x100x32xf32, #tpu.memory_space<vmem>> -> memref<100x32xf32, #tpu.memory_space<vmem>>
        %get3A_1494 = arith.index_cast %add3A_1489 : i32 to index
        %get3A_1495 = arith.constant 0 : index
        %get3A_1496 = tpu.vector_load %get3A_1493[%get3A_1494, %get3A_1495] {strides = array<i32>} : memref<100x32xf32, #tpu.memory_space<vmem>>, vector<1x16xf32>,
        %get3A_1497 = vector.shape_cast %get3A_1496 : vector<1x16xf32> to vector<16xf32>
        %add3A_1498 = arith.addf %scan3A_1439, %get3A_1497 : vector<16xf32>
        %add3A_1499 = arith.constant 2 : i32
        %add3A_1500 = arith.addi %mul3A_1444, %add3A_1499 : i32
        %get3A_1501 = arith.constant 200 : i32
        %get3A_1502 = arith.constant 0 : i32
        %get3A_1503 = tpu.memref_slice %arg6[%scan3A_241, %get3A_1501, %get3A_1502] : memref<4x400x32xf32, #tpu.memory_space<vmem>> -> memref<1x100x32xf32, #tpu.memory_space<vmem>>
        %get3A_1504 = tpu.memref_squeeze %get3A_1503 : memref<1x100x32xf32, #tpu.memory_space<vmem>> -> memref<100x32xf32, #tpu.memory_space<vmem>>
        %get3A_1505 = arith.index_cast %add3A_1500 : i32 to index
        %get3A_1506 = arith.constant 16 : index
        %get3A_1507 = tpu.vector_load %get3A_1504[%get3A_1505, %get3A_1506] {strides = array<i32>} : memref<100x32xf32, #tpu.memory_space<vmem>>, vector<1x16xf32>,
        %get3A_1508 = vector.shape_cast %get3A_1507 : vector<1x16xf32> to vector<16xf32>
        %add3A_1509 = arith.addf %scan3A_1440, %get3A_1508 : vector<16xf32>
        %add3A_1510 = arith.constant 3 : i32
        %add3A_1511 = arith.addi %mul3A_1444, %add3A_1510 : i32
        %get3A_1512 = arith.constant 200 : i32
        %get3A_1513 = arith.constant 0 : i32
        %get3A_1514 = tpu.memref_slice %arg6[%scan3A_241, %get3A_1512, %get3A_1513] : memref<4x400x32xf32, #tpu.memory_space<vmem>> -> memref<1x100x32xf32, #tpu.memory_space<vmem>>
        %get3A_1515 = tpu.memref_squeeze %get3A_1514 : memref<1x100x32xf32, #tpu.memory_space<vmem>> -> memref<100x32xf32, #tpu.memory_space<vmem>>
        %get3A_1516 = arith.index_cast %add3A_1511 : i32 to index
        %get3A_1517 = arith.constant 0 : index
        %get3A_1518 = tpu.vector_load %get3A_1515[%get3A_1516, %get3A_1517] {strides = array<i32>} : memref<100x32xf32, #tpu.memory_space<vmem>>, vector<1x16xf32>,
        %get3A_1519 = vector.shape_cast %get3A_1518 : vector<1x16xf32> to vector<16xf32>
        %add3A_1520 = arith.addf %scan3A_1441, %get3A_1519 : vector<16xf32>
        %add3A_1521 = arith.constant 3 : i32
        %add3A_1522 = arith.addi %mul3A_1444, %add3A_1521 : i32
        %get3A_1523 = arith.constant 200 : i32
        %get3A_1524 = arith.constant 0 : i32
        %get3A_1525 = tpu.memref_slice %arg6[%scan3A_241, %get3A_1523, %get3A_1524] : memref<4x400x32xf32, #tpu.memory_space<vmem>> -> memref<1x100x32xf32, #tpu.memory_space<vmem>>
        %get3A_1526 = tpu.memref_squeeze %get3A_1525 : memref<1x100x32xf32, #tpu.memory_space<vmem>> -> memref<100x32xf32, #tpu.memory_space<vmem>>
        %get3A_1527 = arith.index_cast %add3A_1522 : i32 to index
        %get3A_1528 = arith.constant 16 : index
        %get3A_1529 = tpu.vector_load %get3A_1526[%get3A_1527, %get3A_1528] {strides = array<i32>} : memref<100x32xf32, #tpu.memory_space<vmem>>, vector<1x16xf32>,
        %get3A_1530 = vector.shape_cast %get3A_1529 : vector<1x16xf32> to vector<16xf32>
        %add3A_1531 = arith.addf %scan3A_1442, %get3A_1530 : vector<16xf32>
        scf.yield %add3A_1454, %add3A_1465, %add3A_1476, %add3A_1487, %add3A_1498, %add3A_1509, %add3A_1520, %add3A_1531 : vector<16xf32>, vector<16xf32>, vector<16xf32>, vector<16xf32>, vector<16xf32>, vector<16xf32>, vector<16xf32>, vector<16xf32>
      }
      %scan3A_247 = arith.constant 25 : i32
      %add3A_248 = arith.addf %scan3A_246#0, %scan3A_246#2 : vector<16xf32>
      %add3A_249 = arith.addf %scan3A_246#4, %scan3A_246#6 : vector<16xf32>
      %add3A_250 = arith.addf %add3A_248, %add3A_249 : vector<16xf32>
      %add3A_251 = arith.addf %scan3A_246#1, %scan3A_246#3 : vector<16xf32>
      %add3A_252 = arith.addf %scan3A_246#5, %scan3A_246#7 : vector<16xf32>
      %add3A_253 = arith.addf %add3A_251, %add3A_252 : vector<16xf32>
      %mul3A_254 = arith.constant 0.00999999977 : f32
      %mul3A_255 = vector.broadcast %mul3A_254 : f32 to vector<16xf32>
      %mul3A_256 = arith.mulf %add3A_250, %mul3A_255 : vector<16xf32>
      %mul3A_257 = arith.constant 0.00999999977 : f32
      %mul3A_258 = vector.broadcast %mul3A_257 : f32 to vector<16xf32>
      %mul3A_259 = arith.mulf %add3A_253, %mul3A_258 : vector<16xf32>
      %mul3A_260 = arith.constant 4 : i32
      %mul3A_261 = arith.muli %mul3A_260, %add3A_73 : i32
      %add3A_262 = arith.constant 2 : i32
      %add3A_263 = arith.addi %mul3A_261, %add3A_262 : i32
      %jit3A_264 = arith.constant 4 : i32
      %div3A_265 = arith.divsi %add3A_263, %jit3A_264 : i32
      %sign3A_266 = arith.constant 0 : i32
      %sign3A_267 = arith.cmpi sgt, %add3A_263, %sign3A_266 : i32
      %sign3A_268 = arith.extui %sign3A_267 : i1 to i32
      %sign3A_269 = arith.constant 0 : i32
      %sign3A_270 = arith.cmpi slt, %add3A_263, %sign3A_269 : i32
      %sign3A_271 = arith.extui %sign3A_270 : i1 to i32
      %sign3A_272 = arith.subi %sign3A_268, %sign3A_271 : i32
      %sign3A_273 = arith.constant 0 : i32
      %sign3A_274 = arith.cmpi sgt, %jit3A_264, %sign3A_273 : i32
      %sign3A_275 = arith.extui %sign3A_274 : i1 to i32
      %sign3A_276 = arith.constant 0 : i32
      %sign3A_277 = arith.cmpi slt, %jit3A_264, %sign3A_276 : i32
      %sign3A_278 = arith.extui %sign3A_277 : i1 to i32
      %sign3A_279 = arith.subi %sign3A_275, %sign3A_278 : i32
      %ne3A_280 = arith.cmpi ne, %sign3A_272, %sign3A_279 : i32
      %rem3A_281 = arith.remsi %add3A_263, %jit3A_264 : i32
      %ne3A_282 = arith.constant 0 : i32
      %ne3A_283 = arith.cmpi ne, %rem3A_281, %ne3A_282 : i32
      %and3A_284 = arith.andi %ne3A_280, %ne3A_283 : i1
      %sub3A_285 = arith.constant 1 : i32
      %sub3A_286 = arith.subi %div3A_265, %sub3A_285 : i32
      %select_n3A_287 = arith.select %and3A_284, %sub3A_286, %div3A_265 : i32
      %jit3A_288 = arith.constant 4 : i32
      %eq3A_289 = arith.constant 0 : i32
      %eq3A_290 = arith.cmpi eq, %jit3A_288, %eq3A_289 : i32
      %jit3A_291 = arith.constant 1 : i32
      %select_n3A_292 = arith.select %eq3A_290, %jit3A_291, %jit3A_288 : i32
      %rem3A_293 = arith.remsi %add3A_263, %select_n3A_292 : i32
      %ne3A_294 = arith.constant 0 : i32
      %ne3A_295 = arith.cmpi ne, %rem3A_293, %ne3A_294 : i32
      %lt3A_296 = arith.constant 0 : i32
      %lt3A_297 = arith.cmpi slt, %rem3A_293, %lt3A_296 : i32
      %lt3A_298 = arith.constant 0 : i32
      %lt3A_299 = arith.cmpi slt, %select_n3A_292, %lt3A_298 : i32
      %ne3A_300 = arith.xori %lt3A_297, %lt3A_299 : i1
      %and3A_301 = arith.andi %ne3A_300, %ne3A_295 : i1
      %add3A_302 = arith.addi %rem3A_293, %select_n3A_292 : i32
      %select_n3A_303 = arith.select %and3A_301, %add3A_302, %rem3A_293 : i32
      %mul3A_304 = arith.constant 32 : i32
      %mul3A_305 = arith.muli %select_n3A_303, %mul3A_304 : i32
      %multiple_of3A_306 = tpu.assume_multiple %mul3A_305, 32 : i32
      %swap3A_307 = arith.index_cast %select_n3A_287 : i32 to index
      %swap3A_308 = arith.index_cast %multiple_of3A_306 : i32 to index
      %swap3A_309 = tpu.vector_load %arg7[%swap3A_307, %swap3A_308] {strides = array<i32>} : memref<128x128xf32, #tpu.memory_space<vmem>>, vector<1x16xf32>,
      %swap3A_310 = vector.shape_cast %swap3A_309 : vector<1x16xf32> to vector<16xf32>
      %swap3A_311 = vector.shape_cast %mul3A_256 : vector<16xf32> to vector<1x16xf32>
      tpu.vector_store %arg7[%swap3A_307, %swap3A_308], %swap3A_311 {strides = array<i32>} : memref<128x128xf32, #tpu.memory_space<vmem>>, vector<1x16xf32>,
      %add3A_312 = arith.constant 16 : i32
      %add3A_313 = arith.addi %multiple_of3A_306, %add3A_312 : i32
      %swap3A_314 = arith.index_cast %select_n3A_287 : i32 to index
      %swap3A_315 = arith.index_cast %add3A_313 : i32 to index
      %swap3A_316 = tpu.vector_load %arg7[%swap3A_314, %swap3A_315] {strides = array<i32>} : memref<128x128xf32, #tpu.memory_space<vmem>>, vector<1x16xf32>,
      %swap3A_317 = vector.shape_cast %swap3A_316 : vector<1x16xf32> to vector<16xf32>
      %swap3A_318 = vector.shape_cast %mul3A_259 : vector<16xf32> to vector<1x16xf32>
      tpu.vector_store %arg7[%swap3A_314, %swap3A_315], %swap3A_318 {strides = array<i32>} : memref<128x128xf32, #tpu.memory_space<vmem>>, vector<1x16xf32>,
      %broadcast_in_dim3A_319 = arith.constant 0.000000e+00 : f32
      %broadcast_in_dim3A_320 = vector.broadcast %broadcast_in_dim3A_319 : f32 to vector<16xf32>
      %scan3A_321 = arith.constant 0 : i32
      %scan3A_322 = arith.constant 0 : i32
      %scan3A_323 = arith.constant 25 : i32
      %scan3A_324 = arith.addi %scan3A_322, %scan3A_323 : i32
      %scan3A_325 = arith.constant 1 : i32
      %scan3A_326:8 = scf.for %scan3A_1434 = %scan3A_322 to %scan3A_324 step %scan3A_325 iter_args(%scan3A_1435 = %broadcast_in_dim3A_320, %scan3A_1436 = %broadcast_in_dim3A_320, %scan3A_1437 = %broadcast_in_dim3A_320, %scan3A_1438 = %broadcast_in_dim3A_320, %scan3A_1439 = %broadcast_in_dim3A_320, %scan3A_1440 = %broadcast_in_dim3A_320, %scan3A_1441 = %broadcast_in_dim3A_320, %scan3A_1442 = %broadcast_in_dim3A_320) -> (vector<16xf32>, vector<16xf32>, vector<16xf32>, vector<16xf32>, vector<16xf32>, vector<16xf32>, vector<16xf32>, vector<16xf32>)  : i32 {
        %mul3A_1443 = arith.constant 4 : i32
        %mul3A_1444 = arith.muli %scan3A_1434, %mul3A_1443 : i32
        %add3A_1445 = arith.constant 0 : i32
        %add3A_1446 = arith.addi %mul3A_1444, %add3A_1445 : i32
        %get3A = arith.constant 300 : i32
        %get3A_1447 = arith.constant 0 : i32
        %get3A_1448 = tpu.memref_slice %arg6[%scan3A_321, %get3A, %get3A_1447] : memref<4x400x32xf32, #tpu.memory_space<vmem>> -> memref<1x100x32xf32, #tpu.memory_space<vmem>>
        %get3A_1449 = tpu.memref_squeeze %get3A_1448 : memref<1x100x32xf32, #tpu.memory_space<vmem>> -> memref<100x32xf32, #tpu.memory_space<vmem>>
        %get3A_1450 = arith.index_cast %add3A_1446 : i32 to index
        %get3A_1451 = arith.constant 0 : index
        %get3A_1452 = tpu.vector_load %get3A_1449[%get3A_1450, %get3A_1451] {strides = array<i32>} : memref<100x32xf32, #tpu.memory_space<vmem>>, vector<1x16xf32>,
        %get3A_1453 = vector.shape_cast %get3A_1452 : vector<1x16xf32> to vector<16xf32>
        %add3A_1454 = arith.addf %scan3A_1435, %get3A_1453 : vector<16xf32>
        %add3A_1455 = arith.constant 0 : i32
        %add3A_1456 = arith.addi %mul3A_1444, %add3A_1455 : i32
        %get3A_1457 = arith.constant 300 : i32
        %get3A_1458 = arith.constant 0 : i32
        %get3A_1459 = tpu.memref_slice %arg6[%scan3A_321, %get3A_1457, %get3A_1458] : memref<4x400x32xf32, #tpu.memory_space<vmem>> -> memref<1x100x32xf32, #tpu.memory_space<vmem>>
        %get3A_1460 = tpu.memref_squeeze %get3A_1459 : memref<1x100x32xf32, #tpu.memory_space<vmem>> -> memref<100x32xf32, #tpu.memory_space<vmem>>
        %get3A_1461 = arith.index_cast %add3A_1456 : i32 to index
        %get3A_1462 = arith.constant 16 : index
        %get3A_1463 = tpu.vector_load %get3A_1460[%get3A_1461, %get3A_1462] {strides = array<i32>} : memref<100x32xf32, #tpu.memory_space<vmem>>, vector<1x16xf32>,
        %get3A_1464 = vector.shape_cast %get3A_1463 : vector<1x16xf32> to vector<16xf32>
        %add3A_1465 = arith.addf %scan3A_1436, %get3A_1464 : vector<16xf32>
        %add3A_1466 = arith.constant 1 : i32
        %add3A_1467 = arith.addi %mul3A_1444, %add3A_1466 : i32
        %get3A_1468 = arith.constant 300 : i32
        %get3A_1469 = arith.constant 0 : i32
        %get3A_1470 = tpu.memref_slice %arg6[%scan3A_321, %get3A_1468, %get3A_1469] : memref<4x400x32xf32, #tpu.memory_space<vmem>> -> memref<1x100x32xf32, #tpu.memory_space<vmem>>
        %get3A_1471 = tpu.memref_squeeze %get3A_1470 : memref<1x100x32xf32, #tpu.memory_space<vmem>> -> memref<100x32xf32, #tpu.memory_space<vmem>>
        %get3A_1472 = arith.index_cast %add3A_1467 : i32 to index
        %get3A_1473 = arith.constant 0 : index
        %get3A_1474 = tpu.vector_load %get3A_1471[%get3A_1472, %get3A_1473] {strides = array<i32>} : memref<100x32xf32, #tpu.memory_space<vmem>>, vector<1x16xf32>,
        %get3A_1475 = vector.shape_cast %get3A_1474 : vector<1x16xf32> to vector<16xf32>
        %add3A_1476 = arith.addf %scan3A_1437, %get3A_1475 : vector<16xf32>
        %add3A_1477 = arith.constant 1 : i32
        %add3A_1478 = arith.addi %mul3A_1444, %add3A_1477 : i32
        %get3A_1479 = arith.constant 300 : i32
        %get3A_1480 = arith.constant 0 : i32
        %get3A_1481 = tpu.memref_slice %arg6[%scan3A_321, %get3A_1479, %get3A_1480] : memref<4x400x32xf32, #tpu.memory_space<vmem>> -> memref<1x100x32xf32, #tpu.memory_space<vmem>>
        %get3A_1482 = tpu.memref_squeeze %get3A_1481 : memref<1x100x32xf32, #tpu.memory_space<vmem>> -> memref<100x32xf32, #tpu.memory_space<vmem>>
        %get3A_1483 = arith.index_cast %add3A_1478 : i32 to index
        %get3A_1484 = arith.constant 16 : index
        %get3A_1485 = tpu.vector_load %get3A_1482[%get3A_1483, %get3A_1484] {strides = array<i32>} : memref<100x32xf32, #tpu.memory_space<vmem>>, vector<1x16xf32>,
        %get3A_1486 = vector.shape_cast %get3A_1485 : vector<1x16xf32> to vector<16xf32>
        %add3A_1487 = arith.addf %scan3A_1438, %get3A_1486 : vector<16xf32>
        %add3A_1488 = arith.constant 2 : i32
        %add3A_1489 = arith.addi %mul3A_1444, %add3A_1488 : i32
        %get3A_1490 = arith.constant 300 : i32
        %get3A_1491 = arith.constant 0 : i32
        %get3A_1492 = tpu.memref_slice %arg6[%scan3A_321, %get3A_1490, %get3A_1491] : memref<4x400x32xf32, #tpu.memory_space<vmem>> -> memref<1x100x32xf32, #tpu.memory_space<vmem>>
        %get3A_1493 = tpu.memref_squeeze %get3A_1492 : memref<1x100x32xf32, #tpu.memory_space<vmem>> -> memref<100x32xf32, #tpu.memory_space<vmem>>
        %get3A_1494 = arith.index_cast %add3A_1489 : i32 to index
        %get3A_1495 = arith.constant 0 : index
        %get3A_1496 = tpu.vector_load %get3A_1493[%get3A_1494, %get3A_1495] {strides = array<i32>} : memref<100x32xf32, #tpu.memory_space<vmem>>, vector<1x16xf32>,
        %get3A_1497 = vector.shape_cast %get3A_1496 : vector<1x16xf32> to vector<16xf32>
        %add3A_1498 = arith.addf %scan3A_1439, %get3A_1497 : vector<16xf32>
        %add3A_1499 = arith.constant 2 : i32
        %add3A_1500 = arith.addi %mul3A_1444, %add3A_1499 : i32
        %get3A_1501 = arith.constant 300 : i32
        %get3A_1502 = arith.constant 0 : i32
        %get3A_1503 = tpu.memref_slice %arg6[%scan3A_321, %get3A_1501, %get3A_1502] : memref<4x400x32xf32, #tpu.memory_space<vmem>> -> memref<1x100x32xf32, #tpu.memory_space<vmem>>
        %get3A_1504 = tpu.memref_squeeze %get3A_1503 : memref<1x100x32xf32, #tpu.memory_space<vmem>> -> memref<100x32xf32, #tpu.memory_space<vmem>>
        %get3A_1505 = arith.index_cast %add3A_1500 : i32 to index
        %get3A_1506 = arith.constant 16 : index
        %get3A_1507 = tpu.vector_load %get3A_1504[%get3A_1505, %get3A_1506] {strides = array<i32>} : memref<100x32xf32, #tpu.memory_space<vmem>>, vector<1x16xf32>,
        %get3A_1508 = vector.shape_cast %get3A_1507 : vector<1x16xf32> to vector<16xf32>
        %add3A_1509 = arith.addf %scan3A_1440, %get3A_1508 : vector<16xf32>
        %add3A_1510 = arith.constant 3 : i32
        %add3A_1511 = arith.addi %mul3A_1444, %add3A_1510 : i32
        %get3A_1512 = arith.constant 300 : i32
        %get3A_1513 = arith.constant 0 : i32
        %get3A_1514 = tpu.memref_slice %arg6[%scan3A_321, %get3A_1512, %get3A_1513] : memref<4x400x32xf32, #tpu.memory_space<vmem>> -> memref<1x100x32xf32, #tpu.memory_space<vmem>>
        %get3A_1515 = tpu.memref_squeeze %get3A_1514 : memref<1x100x32xf32, #tpu.memory_space<vmem>> -> memref<100x32xf32, #tpu.memory_space<vmem>>
        %get3A_1516 = arith.index_cast %add3A_1511 : i32 to index
        %get3A_1517 = arith.constant 0 : index
        %get3A_1518 = tpu.vector_load %get3A_1515[%get3A_1516, %get3A_1517] {strides = array<i32>} : memref<100x32xf32, #tpu.memory_space<vmem>>, vector<1x16xf32>,
        %get3A_1519 = vector.shape_cast %get3A_1518 : vector<1x16xf32> to vector<16xf32>
        %add3A_1520 = arith.addf %scan3A_1441, %get3A_1519 : vector<16xf32>
        %add3A_1521 = arith.constant 3 : i32
        %add3A_1522 = arith.addi %mul3A_1444, %add3A_1521 : i32
        %get3A_1523 = arith.constant 300 : i32
        %get3A_1524 = arith.constant 0 : i32
        %get3A_1525 = tpu.memref_slice %arg6[%scan3A_321, %get3A_1523, %get3A_1524] : memref<4x400x32xf32, #tpu.memory_space<vmem>> -> memref<1x100x32xf32, #tpu.memory_space<vmem>>
        %get3A_1526 = tpu.memref_squeeze %get3A_1525 : memref<1x100x32xf32, #tpu.memory_space<vmem>> -> memref<100x32xf32, #tpu.memory_space<vmem>>
        %get3A_1527 = arith.index_cast %add3A_1522 : i32 to index
        %get3A_1528 = arith.constant 16 : index
        %get3A_1529 = tpu.vector_load %get3A_1526[%get3A_1527, %get3A_1528] {strides = array<i32>} : memref<100x32xf32, #tpu.memory_space<vmem>>, vector<1x16xf32>,
        %get3A_1530 = vector.shape_cast %get3A_1529 : vector<1x16xf32> to vector<16xf32>
        %add3A_1531 = arith.addf %scan3A_1442, %get3A_1530 : vector<16xf32>
        scf.yield %add3A_1454, %add3A_1465, %add3A_1476, %add3A_1487, %add3A_1498, %add3A_1509, %add3A_1520, %add3A_1531 : vector<16xf32>, vector<16xf32>, vector<16xf32>, vector<16xf32>, vector<16xf32>, vector<16xf32>, vector<16xf32>, vector<16xf32>
      }
      %scan3A_327 = arith.constant 25 : i32
      %add3A_328 = arith.addf %scan3A_326#0, %scan3A_326#2 : vector<16xf32>
      %add3A_329 = arith.addf %scan3A_326#4, %scan3A_326#6 : vector<16xf32>
      %add3A_330 = arith.addf %add3A_328, %add3A_329 : vector<16xf32>
      %add3A_331 = arith.addf %scan3A_326#1, %scan3A_326#3 : vector<16xf32>
      %add3A_332 = arith.addf %scan3A_326#5, %scan3A_326#7 : vector<16xf32>
      %add3A_333 = arith.addf %add3A_331, %add3A_332 : vector<16xf32>
      %mul3A_334 = arith.constant 0.00999999977 : f32
      %mul3A_335 = vector.broadcast %mul3A_334 : f32 to vector<16xf32>
      %mul3A_336 = arith.mulf %add3A_330, %mul3A_335 : vector<16xf32>
      %mul3A_337 = arith.constant 0.00999999977 : f32
      %mul3A_338 = vector.broadcast %mul3A_337 : f32 to vector<16xf32>
      %mul3A_339 = arith.mulf %add3A_333, %mul3A_338 : vector<16xf32>
      %mul3A_340 = arith.constant 4 : i32
      %mul3A_341 = arith.muli %mul3A_340, %add3A_73 : i32
      %add3A_342 = arith.constant 3 : i32
      %add3A_343 = arith.addi %mul3A_341, %add3A_342 : i32
      %jit3A_344 = arith.constant 4 : i32
      %div3A_345 = arith.divsi %add3A_343, %jit3A_344 : i32
      %sign3A_346 = arith.constant 0 : i32
      %sign3A_347 = arith.cmpi sgt, %add3A_343, %sign3A_346 : i32
      %sign3A_348 = arith.extui %sign3A_347 : i1 to i32
      %sign3A_349 = arith.constant 0 : i32
      %sign3A_350 = arith.cmpi slt, %add3A_343, %sign3A_349 : i32
      %sign3A_351 = arith.extui %sign3A_350 : i1 to i32
      %sign3A_352 = arith.subi %sign3A_348, %sign3A_351 : i32
      %sign3A_353 = arith.constant 0 : i32
      %sign3A_354 = arith.cmpi sgt, %jit3A_344, %sign3A_353 : i32
      %sign3A_355 = arith.extui %sign3A_354 : i1 to i32
      %sign3A_356 = arith.constant 0 : i32
      %sign3A_357 = arith.cmpi slt, %jit3A_344, %sign3A_356 : i32
      %sign3A_358 = arith.extui %sign3A_357 : i1 to i32
      %sign3A_359 = arith.subi %sign3A_355, %sign3A_358 : i32
      %ne3A_360 = arith.cmpi ne, %sign3A_352, %sign3A_359 : i32
      %rem3A_361 = arith.remsi %add3A_343, %jit3A_344 : i32
      %ne3A_362 = arith.constant 0 : i32
      %ne3A_363 = arith.cmpi ne, %rem3A_361, %ne3A_362 : i32
      %and3A_364 = arith.andi %ne3A_360, %ne3A_363 : i1
      %sub3A_365 = arith.constant 1 : i32
      %sub3A_366 = arith.subi %div3A_345, %sub3A_365 : i32
      %select_n3A_367 = arith.select %and3A_364, %sub3A_366, %div3A_345 : i32
      %jit3A_368 = arith.constant 4 : i32
      %eq3A_369 = arith.constant 0 : i32
      %eq3A_370 = arith.cmpi eq, %jit3A_368, %eq3A_369 : i32
      %jit3A_371 = arith.constant 1 : i32
      %select_n3A_372 = arith.select %eq3A_370, %jit3A_371, %jit3A_368 : i32
      %rem3A_373 = arith.remsi %add3A_343, %select_n3A_372 : i32
      %ne3A_374 = arith.constant 0 : i32
      %ne3A_375 = arith.cmpi ne, %rem3A_373, %ne3A_374 : i32
      %lt3A_376 = arith.constant 0 : i32
      %lt3A_377 = arith.cmpi slt, %rem3A_373, %lt3A_376 : i32
      %lt3A_378 = arith.constant 0 : i32
      %lt3A_379 = arith.cmpi slt, %select_n3A_372, %lt3A_378 : i32
      %ne3A_380 = arith.xori %lt3A_377, %lt3A_379 : i1
      %and3A_381 = arith.andi %ne3A_380, %ne3A_375 : i1
      %add3A_382 = arith.addi %rem3A_373, %select_n3A_372 : i32
      %select_n3A_383 = arith.select %and3A_381, %add3A_382, %rem3A_373 : i32
      %mul3A_384 = arith.constant 32 : i32
      %mul3A_385 = arith.muli %select_n3A_383, %mul3A_384 : i32
      %multiple_of3A_386 = tpu.assume_multiple %mul3A_385, 32 : i32
      %swap3A_387 = arith.index_cast %select_n3A_367 : i32 to index
      %swap3A_388 = arith.index_cast %multiple_of3A_386 : i32 to index
      %swap3A_389 = tpu.vector_load %arg7[%swap3A_387, %swap3A_388] {strides = array<i32>} : memref<128x128xf32, #tpu.memory_space<vmem>>, vector<1x16xf32>,
      %swap3A_390 = vector.shape_cast %swap3A_389 : vector<1x16xf32> to vector<16xf32>
      %swap3A_391 = vector.shape_cast %mul3A_336 : vector<16xf32> to vector<1x16xf32>
      tpu.vector_store %arg7[%swap3A_387, %swap3A_388], %swap3A_391 {strides = array<i32>} : memref<128x128xf32, #tpu.memory_space<vmem>>, vector<1x16xf32>,
      %add3A_392 = arith.constant 16 : i32
      %add3A_393 = arith.addi %multiple_of3A_386, %add3A_392 : i32
      %swap3A_394 = arith.index_cast %select_n3A_367 : i32 to index
      %swap3A_395 = arith.index_cast %add3A_393 : i32 to index
      %swap3A_396 = tpu.vector_load %arg7[%swap3A_394, %swap3A_395] {strides = array<i32>} : memref<128x128xf32, #tpu.memory_space<vmem>>, vector<1x16xf32>,
      %swap3A_397 = vector.shape_cast %swap3A_396 : vector<1x16xf32> to vector<16xf32>
      %swap3A_398 = vector.shape_cast %mul3A_339 : vector<16xf32> to vector<1x16xf32>
      tpu.vector_store %arg7[%swap3A_394, %swap3A_395], %swap3A_398 {strides = array<i32>} : memref<128x128xf32, #tpu.memory_space<vmem>>, vector<1x16xf32>,
      %mul3A_399 = arith.constant 4 : i32
      %mul3A_400 = arith.muli %scan3A_69, %mul3A_399 : i32
      %add3A_401 = arith.constant 1 : i32
      %add3A_402 = arith.addi %mul3A_400, %add3A_401 : i32
      %dma_wait3A_403 = arith.constant 1 : i32
      %dma_wait3A_404 = arith.constant 1 : i32
      %dma_wait3A_405 = arith.constant 0 : i32
      %dma_wait3A_406 = arith.constant 0 : i32
      %dma_wait3A_407 = tpu.memref_slice %arg6[%dma_wait3A_403, %dma_wait3A_405, %dma_wait3A_406] : memref<4x400x32xf32, #tpu.memory_space<vmem>> -> memref<1x400x32xf32, #tpu.memory_space<vmem>>
      %dma_wait3A_408 = tpu.memref_squeeze %dma_wait3A_407 : memref<1x400x32xf32, #tpu.memory_space<vmem>> -> memref<400x32xf32, #tpu.memory_space<vmem>>
      %dma_wait3A_409 = arith.constant 0 : i32
      %dma_wait3A_410 = tpu.memref_slice %arg5[%add3A_402, %dma_wait3A_409] : memref<128x400xi32, #tpu.memory_space<vmem>> -> memref<1x400xi32, #tpu.memory_space<vmem>>
      %dma_wait3A_411 = tpu.memref_squeeze %dma_wait3A_410 : memref<1x400xi32, #tpu.memory_space<vmem>> -> memref<400xi32, #tpu.memory_space<vmem>>
      %dma_wait3A_412 = arith.constant 0 : i32
      %dma_wait3A_413 = arith.constant 0 : i32
      %dma_wait3A_414 = tpu.memref_slice %arg3[%dma_wait3A_412, %dma_wait3A_413] : memref<100000x32xf32, #tpu.memory_space<hbm>> -> memref<100000x32xf32, #tpu.memory_space<hbm>>
      %dma_wait3A_415 = tpu.memref_slice %arg8[%dma_wait3A_404] : memref<4x!tpu.dma_semaphore, #tpu.memory_space<semaphore_mem>> -> memref<1x!tpu.dma_semaphore, #tpu.memory_space<semaphore_mem>>
      %dma_wait3A_416 = tpu.memref_squeeze %dma_wait3A_415 : memref<1x!tpu.dma_semaphore, #tpu.memory_space<semaphore_mem>> -> memref<!tpu.dma_semaphore, #tpu.memory_space<semaphore_mem>>
      tpu.wait_indirect_dma semaphore(%dma_wait3A_416 : memref<!tpu.dma_semaphore, #tpu.memory_space<semaphore_mem>>) src(%dma_wait3A_414 : memref<100000x32xf32, #tpu.memory_space<hbm>>) dst(%dma_wait3A_408 : memref<400x32xf32, #tpu.memory_space<vmem>>)
      %add3A_417 = arith.constant 4 : i32
      %add3A_418 = arith.addi %add3A_402, %add3A_417 : i32
      %lt3A_419 = arith.constant 128 : i32
      %lt3A_420 = arith.cmpi slt, %add3A_418, %lt3A_419 : i32
      %convert_element_type3A_421 = arith.extui %lt3A_420 : i1 to i32
      %cond3A_422 = arith.constant 0 : i32
      %cond3A_423 = arith.cmpi ne, %convert_element_type3A_421, %cond3A_422 : i32
      scf.if %cond3A_423 {
        %dma_start3A_1434 = arith.constant 1 : i32
        %dma_start3A_1435 = arith.constant 1 : i32
        %dma_start3A_1436 = arith.constant 0 : i32
        %dma_start3A_1437 = arith.constant 0 : i32
        %dma_start3A_1438 = tpu.memref_slice %arg6[%dma_start3A_1434, %dma_start3A_1436, %dma_start3A_1437] : memref<4x400x32xf32, #tpu.memory_space<vmem>> -> memref<1x400x32xf32, #tpu.memory_space<vmem>>
        %dma_start3A_1439 = tpu.memref_squeeze %dma_start3A_1438 : memref<1x400x32xf32, #tpu.memory_space<vmem>> -> memref<400x32xf32, #tpu.memory_space<vmem>>
        %dma_start3A_1440 = arith.constant 0 : i32
        %dma_start3A_1441 = tpu.memref_slice %arg5[%add3A_418, %dma_start3A_1440] : memref<128x400xi32, #tpu.memory_space<vmem>> -> memref<1x400xi32, #tpu.memory_space<vmem>>
        %dma_start3A_1442 = tpu.memref_squeeze %dma_start3A_1441 : memref<1x400xi32, #tpu.memory_space<vmem>> -> memref<400xi32, #tpu.memory_space<vmem>>
        %dma_start3A_1443 = arith.constant 0 : i32
        %dma_start3A_1444 = arith.constant 0 : i32
        %dma_start3A_1445 = tpu.memref_slice %arg3[%dma_start3A_1443, %dma_start3A_1444] : memref<100000x32xf32, #tpu.memory_space<hbm>> -> memref<100000x32xf32, #tpu.memory_space<hbm>>
        %dma_start3A_1446 = tpu.memref_slice %arg8[%dma_start3A_1435] : memref<4x!tpu.dma_semaphore, #tpu.memory_space<semaphore_mem>> -> memref<1x!tpu.dma_semaphore, #tpu.memory_space<semaphore_mem>>
        %dma_start3A_1447 = tpu.memref_squeeze %dma_start3A_1446 : memref<1x!tpu.dma_semaphore, #tpu.memory_space<semaphore_mem>> -> memref<!tpu.dma_semaphore, #tpu.memory_space<semaphore_mem>>
        tpu.enqueue_indirect_dma source(%dma_start3A_1445 : memref<100000x32xf32, #tpu.memory_space<hbm>>) target(%dma_start3A_1439 : memref<400x32xf32, #tpu.memory_space<vmem>>) offsets(%dma_start3A_1442 : memref<400xi32, #tpu.memory_space<vmem>>) semaphore(%dma_start3A_1447 : memref<!tpu.dma_semaphore, #tpu.memory_space<semaphore_mem>>)
      } else {
      }
      %broadcast_in_dim3A_424 = arith.constant 0.000000e+00 : f32
      %broadcast_in_dim3A_425 = vector.broadcast %broadcast_in_dim3A_424 : f32 to vector<16xf32>
      %scan3A_426 = arith.constant 1 : i32
      %scan3A_427 = arith.constant 0 : i32
      %scan3A_428 = arith.constant 25 : i32
      %scan3A_429 = arith.addi %scan3A_427, %scan3A_428 : i32
      %scan3A_430 = arith.constant 1 : i32
      %scan3A_431:8 = scf.for %scan3A_1434 = %scan3A_427 to %scan3A_429 step %scan3A_430 iter_args(%scan3A_1435 = %broadcast_in_dim3A_425, %scan3A_1436 = %broadcast_in_dim3A_425, %scan3A_1437 = %broadcast_in_dim3A_425, %scan3A_1438 = %broadcast_in_dim3A_425, %scan3A_1439 = %broadcast_in_dim3A_425, %scan3A_1440 = %broadcast_in_dim3A_425, %scan3A_1441 = %broadcast_in_dim3A_425, %scan3A_1442 = %broadcast_in_dim3A_425) -> (vector<16xf32>, vector<16xf32>, vector<16xf32>, vector<16xf32>, vector<16xf32>, vector<16xf32>, vector<16xf32>, vector<16xf32>)  : i32 {
        %mul3A_1443 = arith.constant 4 : i32
        %mul3A_1444 = arith.muli %scan3A_1434, %mul3A_1443 : i32
        %add3A_1445 = arith.constant 0 : i32
        %add3A_1446 = arith.addi %mul3A_1444, %add3A_1445 : i32
        %get3A = arith.constant 0 : i32
        %get3A_1447 = arith.constant 0 : i32
        %get3A_1448 = tpu.memref_slice %arg6[%scan3A_426, %get3A, %get3A_1447] : memref<4x400x32xf32, #tpu.memory_space<vmem>> -> memref<1x100x32xf32, #tpu.memory_space<vmem>>
        %get3A_1449 = tpu.memref_squeeze %get3A_1448 : memref<1x100x32xf32, #tpu.memory_space<vmem>> -> memref<100x32xf32, #tpu.memory_space<vmem>>
        %get3A_1450 = arith.index_cast %add3A_1446 : i32 to index
        %get3A_1451 = arith.constant 0 : index
        %get3A_1452 = tpu.vector_load %get3A_1449[%get3A_1450, %get3A_1451] {strides = array<i32>} : memref<100x32xf32, #tpu.memory_space<vmem>>, vector<1x16xf32>,
        %get3A_1453 = vector.shape_cast %get3A_1452 : vector<1x16xf32> to vector<16xf32>
        %add3A_1454 = arith.addf %scan3A_1435, %get3A_1453 : vector<16xf32>
        %add3A_1455 = arith.constant 0 : i32
        %add3A_1456 = arith.addi %mul3A_1444, %add3A_1455 : i32
        %get3A_1457 = arith.constant 0 : i32
        %get3A_1458 = arith.constant 0 : i32
        %get3A_1459 = tpu.memref_slice %arg6[%scan3A_426, %get3A_1457, %get3A_1458] : memref<4x400x32xf32, #tpu.memory_space<vmem>> -> memref<1x100x32xf32, #tpu.memory_space<vmem>>
        %get3A_1460 = tpu.memref_squeeze %get3A_1459 : memref<1x100x32xf32, #tpu.memory_space<vmem>> -> memref<100x32xf32, #tpu.memory_space<vmem>>
        %get3A_1461 = arith.index_cast %add3A_1456 : i32 to index
        %get3A_1462 = arith.constant 16 : index
        %get3A_1463 = tpu.vector_load %get3A_1460[%get3A_1461, %get3A_1462] {strides = array<i32>} : memref<100x32xf32, #tpu.memory_space<vmem>>, vector<1x16xf32>,
        %get3A_1464 = vector.shape_cast %get3A_1463 : vector<1x16xf32> to vector<16xf32>
        %add3A_1465 = arith.addf %scan3A_1436, %get3A_1464 : vector<16xf32>
        %add3A_1466 = arith.constant 1 : i32
        %add3A_1467 = arith.addi %mul3A_1444, %add3A_1466 : i32
        %get3A_1468 = arith.constant 0 : i32
        %get3A_1469 = arith.constant 0 : i32
        %get3A_1470 = tpu.memref_slice %arg6[%scan3A_426, %get3A_1468, %get3A_1469] : memref<4x400x32xf32, #tpu.memory_space<vmem>> -> memref<1x100x32xf32, #tpu.memory_space<vmem>>
        %get3A_1471 = tpu.memref_squeeze %get3A_1470 : memref<1x100x32xf32, #tpu.memory_space<vmem>> -> memref<100x32xf32, #tpu.memory_space<vmem>>
        %get3A_1472 = arith.index_cast %add3A_1467 : i32 to index
        %get3A_1473 = arith.constant 0 : index
        %get3A_1474 = tpu.vector_load %get3A_1471[%get3A_1472, %get3A_1473] {strides = array<i32>} : memref<100x32xf32, #tpu.memory_space<vmem>>, vector<1x16xf32>,
        %get3A_1475 = vector.shape_cast %get3A_1474 : vector<1x16xf32> to vector<16xf32>
        %add3A_1476 = arith.addf %scan3A_1437, %get3A_1475 : vector<16xf32>
        %add3A_1477 = arith.constant 1 : i32
        %add3A_1478 = arith.addi %mul3A_1444, %add3A_1477 : i32
        %get3A_1479 = arith.constant 0 : i32
        %get3A_1480 = arith.constant 0 : i32
        %get3A_1481 = tpu.memref_slice %arg6[%scan3A_426, %get3A_1479, %get3A_1480] : memref<4x400x32xf32, #tpu.memory_space<vmem>> -> memref<1x100x32xf32, #tpu.memory_space<vmem>>
        %get3A_1482 = tpu.memref_squeeze %get3A_1481 : memref<1x100x32xf32, #tpu.memory_space<vmem>> -> memref<100x32xf32, #tpu.memory_space<vmem>>
        %get3A_1483 = arith.index_cast %add3A_1478 : i32 to index
        %get3A_1484 = arith.constant 16 : index
        %get3A_1485 = tpu.vector_load %get3A_1482[%get3A_1483, %get3A_1484] {strides = array<i32>} : memref<100x32xf32, #tpu.memory_space<vmem>>, vector<1x16xf32>,
        %get3A_1486 = vector.shape_cast %get3A_1485 : vector<1x16xf32> to vector<16xf32>
        %add3A_1487 = arith.addf %scan3A_1438, %get3A_1486 : vector<16xf32>
        %add3A_1488 = arith.constant 2 : i32
        %add3A_1489 = arith.addi %mul3A_1444, %add3A_1488 : i32
        %get3A_1490 = arith.constant 0 : i32
        %get3A_1491 = arith.constant 0 : i32
        %get3A_1492 = tpu.memref_slice %arg6[%scan3A_426, %get3A_1490, %get3A_1491] : memref<4x400x32xf32, #tpu.memory_space<vmem>> -> memref<1x100x32xf32, #tpu.memory_space<vmem>>
        %get3A_1493 = tpu.memref_squeeze %get3A_1492 : memref<1x100x32xf32, #tpu.memory_space<vmem>> -> memref<100x32xf32, #tpu.memory_space<vmem>>
        %get3A_1494 = arith.index_cast %add3A_1489 : i32 to index
        %get3A_1495 = arith.constant 0 : index
        %get3A_1496 = tpu.vector_load %get3A_1493[%get3A_1494, %get3A_1495] {strides = array<i32>} : memref<100x32xf32, #tpu.memory_space<vmem>>, vector<1x16xf32>,
        %get3A_1497 = vector.shape_cast %get3A_1496 : vector<1x16xf32> to vector<16xf32>
        %add3A_1498 = arith.addf %scan3A_1439, %get3A_1497 : vector<16xf32>
        %add3A_1499 = arith.constant 2 : i32
        %add3A_1500 = arith.addi %mul3A_1444, %add3A_1499 : i32
        %get3A_1501 = arith.constant 0 : i32
        %get3A_1502 = arith.constant 0 : i32
        %get3A_1503 = tpu.memref_slice %arg6[%scan3A_426, %get3A_1501, %get3A_1502] : memref<4x400x32xf32, #tpu.memory_space<vmem>> -> memref<1x100x32xf32, #tpu.memory_space<vmem>>
        %get3A_1504 = tpu.memref_squeeze %get3A_1503 : memref<1x100x32xf32, #tpu.memory_space<vmem>> -> memref<100x32xf32, #tpu.memory_space<vmem>>
        %get3A_1505 = arith.index_cast %add3A_1500 : i32 to index
        %get3A_1506 = arith.constant 16 : index
        %get3A_1507 = tpu.vector_load %get3A_1504[%get3A_1505, %get3A_1506] {strides = array<i32>} : memref<100x32xf32, #tpu.memory_space<vmem>>, vector<1x16xf32>,
        %get3A_1508 = vector.shape_cast %get3A_1507 : vector<1x16xf32> to vector<16xf32>
        %add3A_1509 = arith.addf %scan3A_1440, %get3A_1508 : vector<16xf32>
        %add3A_1510 = arith.constant 3 : i32
        %add3A_1511 = arith.addi %mul3A_1444, %add3A_1510 : i32
        %get3A_1512 = arith.constant 0 : i32
        %get3A_1513 = arith.constant 0 : i32
        %get3A_1514 = tpu.memref_slice %arg6[%scan3A_426, %get3A_1512, %get3A_1513] : memref<4x400x32xf32, #tpu.memory_space<vmem>> -> memref<1x100x32xf32, #tpu.memory_space<vmem>>
        %get3A_1515 = tpu.memref_squeeze %get3A_1514 : memref<1x100x32xf32, #tpu.memory_space<vmem>> -> memref<100x32xf32, #tpu.memory_space<vmem>>
        %get3A_1516 = arith.index_cast %add3A_1511 : i32 to index
        %get3A_1517 = arith.constant 0 : index
        %get3A_1518 = tpu.vector_load %get3A_1515[%get3A_1516, %get3A_1517] {strides = array<i32>} : memref<100x32xf32, #tpu.memory_space<vmem>>, vector<1x16xf32>,
        %get3A_1519 = vector.shape_cast %get3A_1518 : vector<1x16xf32> to vector<16xf32>
        %add3A_1520 = arith.addf %scan3A_1441, %get3A_1519 : vector<16xf32>
        %add3A_1521 = arith.constant 3 : i32
        %add3A_1522 = arith.addi %mul3A_1444, %add3A_1521 : i32
        %get3A_1523 = arith.constant 0 : i32
        %get3A_1524 = arith.constant 0 : i32
        %get3A_1525 = tpu.memref_slice %arg6[%scan3A_426, %get3A_1523, %get3A_1524] : memref<4x400x32xf32, #tpu.memory_space<vmem>> -> memref<1x100x32xf32, #tpu.memory_space<vmem>>
        %get3A_1526 = tpu.memref_squeeze %get3A_1525 : memref<1x100x32xf32, #tpu.memory_space<vmem>> -> memref<100x32xf32, #tpu.memory_space<vmem>>
        %get3A_1527 = arith.index_cast %add3A_1522 : i32 to index
        %get3A_1528 = arith.constant 16 : index
        %get3A_1529 = tpu.vector_load %get3A_1526[%get3A_1527, %get3A_1528] {strides = array<i32>} : memref<100x32xf32, #tpu.memory_space<vmem>>, vector<1x16xf32>,
        %get3A_1530 = vector.shape_cast %get3A_1529 : vector<1x16xf32> to vector<16xf32>
        %add3A_1531 = arith.addf %scan3A_1442, %get3A_1530 : vector<16xf32>
        scf.yield %add3A_1454, %add3A_1465, %add3A_1476, %add3A_1487, %add3A_1498, %add3A_1509, %add3A_1520, %add3A_1531 : vector<16xf32>, vector<16xf32>, vector<16xf32>, vector<16xf32>, vector<16xf32>, vector<16xf32>, vector<16xf32>, vector<16xf32>
      }
      %scan3A_432 = arith.constant 25 : i32
      %add3A_433 = arith.addf %scan3A_431#0, %scan3A_431#2 : vector<16xf32>
      %add3A_434 = arith.addf %scan3A_431#4, %scan3A_431#6 : vector<16xf32>
      %add3A_435 = arith.addf %add3A_433, %add3A_434 : vector<16xf32>
      %add3A_436 = arith.addf %scan3A_431#1, %scan3A_431#3 : vector<16xf32>
      %add3A_437 = arith.addf %scan3A_431#5, %scan3A_431#7 : vector<16xf32>
      %add3A_438 = arith.addf %add3A_436, %add3A_437 : vector<16xf32>
      %mul3A_439 = arith.constant 0.00999999977 : f32
      %mul3A_440 = vector.broadcast %mul3A_439 : f32 to vector<16xf32>
      %mul3A_441 = arith.mulf %add3A_435, %mul3A_440 : vector<16xf32>
      %mul3A_442 = arith.constant 0.00999999977 : f32
      %mul3A_443 = vector.broadcast %mul3A_442 : f32 to vector<16xf32>
      %mul3A_444 = arith.mulf %add3A_438, %mul3A_443 : vector<16xf32>
      %mul3A_445 = arith.constant 4 : i32
      %mul3A_446 = arith.muli %mul3A_445, %add3A_402 : i32
      %add3A_447 = arith.constant 0 : i32
      %add3A_448 = arith.addi %mul3A_446, %add3A_447 : i32
      %jit3A_449 = arith.constant 4 : i32
      %div3A_450 = arith.divsi %add3A_448, %jit3A_449 : i32
      %sign3A_451 = arith.constant 0 : i32
      %sign3A_452 = arith.cmpi sgt, %add3A_448, %sign3A_451 : i32
      %sign3A_453 = arith.extui %sign3A_452 : i1 to i32
      %sign3A_454 = arith.constant 0 : i32
      %sign3A_455 = arith.cmpi slt, %add3A_448, %sign3A_454 : i32
      %sign3A_456 = arith.extui %sign3A_455 : i1 to i32
      %sign3A_457 = arith.subi %sign3A_453, %sign3A_456 : i32
      %sign3A_458 = arith.constant 0 : i32
      %sign3A_459 = arith.cmpi sgt, %jit3A_449, %sign3A_458 : i32
      %sign3A_460 = arith.extui %sign3A_459 : i1 to i32
      %sign3A_461 = arith.constant 0 : i32
      %sign3A_462 = arith.cmpi slt, %jit3A_449, %sign3A_461 : i32
      %sign3A_463 = arith.extui %sign3A_462 : i1 to i32
      %sign3A_464 = arith.subi %sign3A_460, %sign3A_463 : i32
      %ne3A_465 = arith.cmpi ne, %sign3A_457, %sign3A_464 : i32
      %rem3A_466 = arith.remsi %add3A_448, %jit3A_449 : i32
      %ne3A_467 = arith.constant 0 : i32
      %ne3A_468 = arith.cmpi ne, %rem3A_466, %ne3A_467 : i32
      %and3A_469 = arith.andi %ne3A_465, %ne3A_468 : i1
      %sub3A_470 = arith.constant 1 : i32
      %sub3A_471 = arith.subi %div3A_450, %sub3A_470 : i32
      %select_n3A_472 = arith.select %and3A_469, %sub3A_471, %div3A_450 : i32
      %jit3A_473 = arith.constant 4 : i32
      %eq3A_474 = arith.constant 0 : i32
      %eq3A_475 = arith.cmpi eq, %jit3A_473, %eq3A_474 : i32
      %jit3A_476 = arith.constant 1 : i32
      %select_n3A_477 = arith.select %eq3A_475, %jit3A_476, %jit3A_473 : i32
      %rem3A_478 = arith.remsi %add3A_448, %select_n3A_477 : i32
      %ne3A_479 = arith.constant 0 : i32
      %ne3A_480 = arith.cmpi ne, %rem3A_478, %ne3A_479 : i32
      %lt3A_481 = arith.constant 0 : i32
      %lt3A_482 = arith.cmpi slt, %rem3A_478, %lt3A_481 : i32
      %lt3A_483 = arith.constant 0 : i32
      %lt3A_484 = arith.cmpi slt, %select_n3A_477, %lt3A_483 : i32
      %ne3A_485 = arith.xori %lt3A_482, %lt3A_484 : i1
      %and3A_486 = arith.andi %ne3A_485, %ne3A_480 : i1
      %add3A_487 = arith.addi %rem3A_478, %select_n3A_477 : i32
      %select_n3A_488 = arith.select %and3A_486, %add3A_487, %rem3A_478 : i32
      %mul3A_489 = arith.constant 32 : i32
      %mul3A_490 = arith.muli %select_n3A_488, %mul3A_489 : i32
      %multiple_of3A_491 = tpu.assume_multiple %mul3A_490, 32 : i32
      %swap3A_492 = arith.index_cast %select_n3A_472 : i32 to index
      %swap3A_493 = arith.index_cast %multiple_of3A_491 : i32 to index
      %swap3A_494 = tpu.vector_load %arg7[%swap3A_492, %swap3A_493] {strides = array<i32>} : memref<128x128xf32, #tpu.memory_space<vmem>>, vector<1x16xf32>,
      %swap3A_495 = vector.shape_cast %swap3A_494 : vector<1x16xf32> to vector<16xf32>
      %swap3A_496 = vector.shape_cast %mul3A_441 : vector<16xf32> to vector<1x16xf32>
      tpu.vector_store %arg7[%swap3A_492, %swap3A_493], %swap3A_496 {strides = array<i32>} : memref<128x128xf32, #tpu.memory_space<vmem>>, vector<1x16xf32>,
      %add3A_497 = arith.constant 16 : i32
      %add3A_498 = arith.addi %multiple_of3A_491, %add3A_497 : i32
      %swap3A_499 = arith.index_cast %select_n3A_472 : i32 to index
      %swap3A_500 = arith.index_cast %add3A_498 : i32 to index
      %swap3A_501 = tpu.vector_load %arg7[%swap3A_499, %swap3A_500] {strides = array<i32>} : memref<128x128xf32, #tpu.memory_space<vmem>>, vector<1x16xf32>,
      %swap3A_502 = vector.shape_cast %swap3A_501 : vector<1x16xf32> to vector<16xf32>
      %swap3A_503 = vector.shape_cast %mul3A_444 : vector<16xf32> to vector<1x16xf32>
      tpu.vector_store %arg7[%swap3A_499, %swap3A_500], %swap3A_503 {strides = array<i32>} : memref<128x128xf32, #tpu.memory_space<vmem>>, vector<1x16xf32>,
      %broadcast_in_dim3A_504 = arith.constant 0.000000e+00 : f32
      %broadcast_in_dim3A_505 = vector.broadcast %broadcast_in_dim3A_504 : f32 to vector<16xf32>
      %scan3A_506 = arith.constant 1 : i32
      %scan3A_507 = arith.constant 0 : i32
      %scan3A_508 = arith.constant 25 : i32
      %scan3A_509 = arith.addi %scan3A_507, %scan3A_508 : i32
      %scan3A_510 = arith.constant 1 : i32
      %scan3A_511:8 = scf.for %scan3A_1434 = %scan3A_507 to %scan3A_509 step %scan3A_510 iter_args(%scan3A_1435 = %broadcast_in_dim3A_505, %scan3A_1436 = %broadcast_in_dim3A_505, %scan3A_1437 = %broadcast_in_dim3A_505, %scan3A_1438 = %broadcast_in_dim3A_505, %scan3A_1439 = %broadcast_in_dim3A_505, %scan3A_1440 = %broadcast_in_dim3A_505, %scan3A_1441 = %broadcast_in_dim3A_505, %scan3A_1442 = %broadcast_in_dim3A_505) -> (vector<16xf32>, vector<16xf32>, vector<16xf32>, vector<16xf32>, vector<16xf32>, vector<16xf32>, vector<16xf32>, vector<16xf32>)  : i32 {
        %mul3A_1443 = arith.constant 4 : i32
        %mul3A_1444 = arith.muli %scan3A_1434, %mul3A_1443 : i32
        %add3A_1445 = arith.constant 0 : i32
        %add3A_1446 = arith.addi %mul3A_1444, %add3A_1445 : i32
        %get3A = arith.constant 100 : i32
        %get3A_1447 = arith.constant 0 : i32
        %get3A_1448 = tpu.memref_slice %arg6[%scan3A_506, %get3A, %get3A_1447] : memref<4x400x32xf32, #tpu.memory_space<vmem>> -> memref<1x100x32xf32, #tpu.memory_space<vmem>>
        %get3A_1449 = tpu.memref_squeeze %get3A_1448 : memref<1x100x32xf32, #tpu.memory_space<vmem>> -> memref<100x32xf32, #tpu.memory_space<vmem>>
        %get3A_1450 = arith.index_cast %add3A_1446 : i32 to index
        %get3A_1451 = arith.constant 0 : index
        %get3A_1452 = tpu.vector_load %get3A_1449[%get3A_1450, %get3A_1451] {strides = array<i32>} : memref<100x32xf32, #tpu.memory_space<vmem>>, vector<1x16xf32>,
        %get3A_1453 = vector.shape_cast %get3A_1452 : vector<1x16xf32> to vector<16xf32>
        %add3A_1454 = arith.addf %scan3A_1435, %get3A_1453 : vector<16xf32>
        %add3A_1455 = arith.constant 0 : i32
        %add3A_1456 = arith.addi %mul3A_1444, %add3A_1455 : i32
        %get3A_1457 = arith.constant 100 : i32
        %get3A_1458 = arith.constant 0 : i32
        %get3A_1459 = tpu.memref_slice %arg6[%scan3A_506, %get3A_1457, %get3A_1458] : memref<4x400x32xf32, #tpu.memory_space<vmem>> -> memref<1x100x32xf32, #tpu.memory_space<vmem>>
        %get3A_1460 = tpu.memref_squeeze %get3A_1459 : memref<1x100x32xf32, #tpu.memory_space<vmem>> -> memref<100x32xf32, #tpu.memory_space<vmem>>
        %get3A_1461 = arith.index_cast %add3A_1456 : i32 to index
        %get3A_1462 = arith.constant 16 : index
        %get3A_1463 = tpu.vector_load %get3A_1460[%get3A_1461, %get3A_1462] {strides = array<i32>} : memref<100x32xf32, #tpu.memory_space<vmem>>, vector<1x16xf32>,
        %get3A_1464 = vector.shape_cast %get3A_1463 : vector<1x16xf32> to vector<16xf32>
        %add3A_1465 = arith.addf %scan3A_1436, %get3A_1464 : vector<16xf32>
        %add3A_1466 = arith.constant 1 : i32
        %add3A_1467 = arith.addi %mul3A_1444, %add3A_1466 : i32
        %get3A_1468 = arith.constant 100 : i32
        %get3A_1469 = arith.constant 0 : i32
        %get3A_1470 = tpu.memref_slice %arg6[%scan3A_506, %get3A_1468, %get3A_1469] : memref<4x400x32xf32, #tpu.memory_space<vmem>> -> memref<1x100x32xf32, #tpu.memory_space<vmem>>
        %get3A_1471 = tpu.memref_squeeze %get3A_1470 : memref<1x100x32xf32, #tpu.memory_space<vmem>> -> memref<100x32xf32, #tpu.memory_space<vmem>>
        %get3A_1472 = arith.index_cast %add3A_1467 : i32 to index
        %get3A_1473 = arith.constant 0 : index
        %get3A_1474 = tpu.vector_load %get3A_1471[%get3A_1472, %get3A_1473] {strides = array<i32>} : memref<100x32xf32, #tpu.memory_space<vmem>>, vector<1x16xf32>,
        %get3A_1475 = vector.shape_cast %get3A_1474 : vector<1x16xf32> to vector<16xf32>
        %add3A_1476 = arith.addf %scan3A_1437, %get3A_1475 : vector<16xf32>
        %add3A_1477 = arith.constant 1 : i32
        %add3A_1478 = arith.addi %mul3A_1444, %add3A_1477 : i32
        %get3A_1479 = arith.constant 100 : i32
        %get3A_1480 = arith.constant 0 : i32
        %get3A_1481 = tpu.memref_slice %arg6[%scan3A_506, %get3A_1479, %get3A_1480] : memref<4x400x32xf32, #tpu.memory_space<vmem>> -> memref<1x100x32xf32, #tpu.memory_space<vmem>>
        %get3A_1482 = tpu.memref_squeeze %get3A_1481 : memref<1x100x32xf32, #tpu.memory_space<vmem>> -> memref<100x32xf32, #tpu.memory_space<vmem>>
        %get3A_1483 = arith.index_cast %add3A_1478 : i32 to index
        %get3A_1484 = arith.constant 16 : index
        %get3A_1485 = tpu.vector_load %get3A_1482[%get3A_1483, %get3A_1484] {strides = array<i32>} : memref<100x32xf32, #tpu.memory_space<vmem>>, vector<1x16xf32>,
        %get3A_1486 = vector.shape_cast %get3A_1485 : vector<1x16xf32> to vector<16xf32>
        %add3A_1487 = arith.addf %scan3A_1438, %get3A_1486 : vector<16xf32>
        %add3A_1488 = arith.constant 2 : i32
        %add3A_1489 = arith.addi %mul3A_1444, %add3A_1488 : i32
        %get3A_1490 = arith.constant 100 : i32
        %get3A_1491 = arith.constant 0 : i32
        %get3A_1492 = tpu.memref_slice %arg6[%scan3A_506, %get3A_1490, %get3A_1491] : memref<4x400x32xf32, #tpu.memory_space<vmem>> -> memref<1x100x32xf32, #tpu.memory_space<vmem>>
        %get3A_1493 = tpu.memref_squeeze %get3A_1492 : memref<1x100x32xf32, #tpu.memory_space<vmem>> -> memref<100x32xf32, #tpu.memory_space<vmem>>
        %get3A_1494 = arith.index_cast %add3A_1489 : i32 to index
        %get3A_1495 = arith.constant 0 : index
        %get3A_1496 = tpu.vector_load %get3A_1493[%get3A_1494, %get3A_1495] {strides = array<i32>} : memref<100x32xf32, #tpu.memory_space<vmem>>, vector<1x16xf32>,
        %get3A_1497 = vector.shape_cast %get3A_1496 : vector<1x16xf32> to vector<16xf32>
        %add3A_1498 = arith.addf %scan3A_1439, %get3A_1497 : vector<16xf32>
        %add3A_1499 = arith.constant 2 : i32
        %add3A_1500 = arith.addi %mul3A_1444, %add3A_1499 : i32
        %get3A_1501 = arith.constant 100 : i32
        %get3A_1502 = arith.constant 0 : i32
        %get3A_1503 = tpu.memref_slice %arg6[%scan3A_506, %get3A_1501, %get3A_1502] : memref<4x400x32xf32, #tpu.memory_space<vmem>> -> memref<1x100x32xf32, #tpu.memory_space<vmem>>
        %get3A_1504 = tpu.memref_squeeze %get3A_1503 : memref<1x100x32xf32, #tpu.memory_space<vmem>> -> memref<100x32xf32, #tpu.memory_space<vmem>>
        %get3A_1505 = arith.index_cast %add3A_1500 : i32 to index
        %get3A_1506 = arith.constant 16 : index
        %get3A_1507 = tpu.vector_load %get3A_1504[%get3A_1505, %get3A_1506] {strides = array<i32>} : memref<100x32xf32, #tpu.memory_space<vmem>>, vector<1x16xf32>,
        %get3A_1508 = vector.shape_cast %get3A_1507 : vector<1x16xf32> to vector<16xf32>
        %add3A_1509 = arith.addf %scan3A_1440, %get3A_1508 : vector<16xf32>
        %add3A_1510 = arith.constant 3 : i32
        %add3A_1511 = arith.addi %mul3A_1444, %add3A_1510 : i32
        %get3A_1512 = arith.constant 100 : i32
        %get3A_1513 = arith.constant 0 : i32
        %get3A_1514 = tpu.memref_slice %arg6[%scan3A_506, %get3A_1512, %get3A_1513] : memref<4x400x32xf32, #tpu.memory_space<vmem>> -> memref<1x100x32xf32, #tpu.memory_space<vmem>>
        %get3A_1515 = tpu.memref_squeeze %get3A_1514 : memref<1x100x32xf32, #tpu.memory_space<vmem>> -> memref<100x32xf32, #tpu.memory_space<vmem>>
        %get3A_1516 = arith.index_cast %add3A_1511 : i32 to index
        %get3A_1517 = arith.constant 0 : index
        %get3A_1518 = tpu.vector_load %get3A_1515[%get3A_1516, %get3A_1517] {strides = array<i32>} : memref<100x32xf32, #tpu.memory_space<vmem>>, vector<1x16xf32>,
        %get3A_1519 = vector.shape_cast %get3A_1518 : vector<1x16xf32> to vector<16xf32>
        %add3A_1520 = arith.addf %scan3A_1441, %get3A_1519 : vector<16xf32>
        %add3A_1521 = arith.constant 3 : i32
        %add3A_1522 = arith.addi %mul3A_1444, %add3A_1521 : i32
        %get3A_1523 = arith.constant 100 : i32
        %get3A_1524 = arith.constant 0 : i32
        %get3A_1525 = tpu.memref_slice %arg6[%scan3A_506, %get3A_1523, %get3A_1524] : memref<4x400x32xf32, #tpu.memory_space<vmem>> -> memref<1x100x32xf32, #tpu.memory_space<vmem>>
        %get3A_1526 = tpu.memref_squeeze %get3A_1525 : memref<1x100x32xf32, #tpu.memory_space<vmem>> -> memref<100x32xf32, #tpu.memory_space<vmem>>
        %get3A_1527 = arith.index_cast %add3A_1522 : i32 to index
        %get3A_1528 = arith.constant 16 : index
        %get3A_1529 = tpu.vector_load %get3A_1526[%get3A_1527, %get3A_1528] {strides = array<i32>} : memref<100x32xf32, #tpu.memory_space<vmem>>, vector<1x16xf32>,
        %get3A_1530 = vector.shape_cast %get3A_1529 : vector<1x16xf32> to vector<16xf32>
        %add3A_1531 = arith.addf %scan3A_1442, %get3A_1530 : vector<16xf32>
        scf.yield %add3A_1454, %add3A_1465, %add3A_1476, %add3A_1487, %add3A_1498, %add3A_1509, %add3A_1520, %add3A_1531 : vector<16xf32>, vector<16xf32>, vector<16xf32>, vector<16xf32>, vector<16xf32>, vector<16xf32>, vector<16xf32>, vector<16xf32>
      }
      %scan3A_512 = arith.constant 25 : i32
      %add3A_513 = arith.addf %scan3A_511#0, %scan3A_511#2 : vector<16xf32>
      %add3A_514 = arith.addf %scan3A_511#4, %scan3A_511#6 : vector<16xf32>
      %add3A_515 = arith.addf %add3A_513, %add3A_514 : vector<16xf32>
      %add3A_516 = arith.addf %scan3A_511#1, %scan3A_511#3 : vector<16xf32>
      %add3A_517 = arith.addf %scan3A_511#5, %scan3A_511#7 : vector<16xf32>
      %add3A_518 = arith.addf %add3A_516, %add3A_517 : vector<16xf32>
      %mul3A_519 = arith.constant 0.00999999977 : f32
      %mul3A_520 = vector.broadcast %mul3A_519 : f32 to vector<16xf32>
      %mul3A_521 = arith.mulf %add3A_515, %mul3A_520 : vector<16xf32>
      %mul3A_522 = arith.constant 0.00999999977 : f32
      %mul3A_523 = vector.broadcast %mul3A_522 : f32 to vector<16xf32>
      %mul3A_524 = arith.mulf %add3A_518, %mul3A_523 : vector<16xf32>
      %mul3A_525 = arith.constant 4 : i32
      %mul3A_526 = arith.muli %mul3A_525, %add3A_402 : i32
      %add3A_527 = arith.constant 1 : i32
      %add3A_528 = arith.addi %mul3A_526, %add3A_527 : i32
      %jit3A_529 = arith.constant 4 : i32
      %div3A_530 = arith.divsi %add3A_528, %jit3A_529 : i32
      %sign3A_531 = arith.constant 0 : i32
      %sign3A_532 = arith.cmpi sgt, %add3A_528, %sign3A_531 : i32
      %sign3A_533 = arith.extui %sign3A_532 : i1 to i32
      %sign3A_534 = arith.constant 0 : i32
      %sign3A_535 = arith.cmpi slt, %add3A_528, %sign3A_534 : i32
      %sign3A_536 = arith.extui %sign3A_535 : i1 to i32
      %sign3A_537 = arith.subi %sign3A_533, %sign3A_536 : i32
      %sign3A_538 = arith.constant 0 : i32
      %sign3A_539 = arith.cmpi sgt, %jit3A_529, %sign3A_538 : i32
      %sign3A_540 = arith.extui %sign3A_539 : i1 to i32
      %sign3A_541 = arith.constant 0 : i32
      %sign3A_542 = arith.cmpi slt, %jit3A_529, %sign3A_541 : i32
      %sign3A_543 = arith.extui %sign3A_542 : i1 to i32
      %sign3A_544 = arith.subi %sign3A_540, %sign3A_543 : i32
      %ne3A_545 = arith.cmpi ne, %sign3A_537, %sign3A_544 : i32
      %rem3A_546 = arith.remsi %add3A_528, %jit3A_529 : i32
      %ne3A_547 = arith.constant 0 : i32
      %ne3A_548 = arith.cmpi ne, %rem3A_546, %ne3A_547 : i32
      %and3A_549 = arith.andi %ne3A_545, %ne3A_548 : i1
      %sub3A_550 = arith.constant 1 : i32
      %sub3A_551 = arith.subi %div3A_530, %sub3A_550 : i32
      %select_n3A_552 = arith.select %and3A_549, %sub3A_551, %div3A_530 : i32
      %jit3A_553 = arith.constant 4 : i32
      %eq3A_554 = arith.constant 0 : i32
      %eq3A_555 = arith.cmpi eq, %jit3A_553, %eq3A_554 : i32
      %jit3A_556 = arith.constant 1 : i32
      %select_n3A_557 = arith.select %eq3A_555, %jit3A_556, %jit3A_553 : i32
      %rem3A_558 = arith.remsi %add3A_528, %select_n3A_557 : i32
      %ne3A_559 = arith.constant 0 : i32
      %ne3A_560 = arith.cmpi ne, %rem3A_558, %ne3A_559 : i32
      %lt3A_561 = arith.constant 0 : i32
      %lt3A_562 = arith.cmpi slt, %rem3A_558, %lt3A_561 : i32
      %lt3A_563 = arith.constant 0 : i32
      %lt3A_564 = arith.cmpi slt, %select_n3A_557, %lt3A_563 : i32
      %ne3A_565 = arith.xori %lt3A_562, %lt3A_564 : i1
      %and3A_566 = arith.andi %ne3A_565, %ne3A_560 : i1
      %add3A_567 = arith.addi %rem3A_558, %select_n3A_557 : i32
      %select_n3A_568 = arith.select %and3A_566, %add3A_567, %rem3A_558 : i32
      %mul3A_569 = arith.constant 32 : i32
      %mul3A_570 = arith.muli %select_n3A_568, %mul3A_569 : i32
      %multiple_of3A_571 = tpu.assume_multiple %mul3A_570, 32 : i32
      %swap3A_572 = arith.index_cast %select_n3A_552 : i32 to index
      %swap3A_573 = arith.index_cast %multiple_of3A_571 : i32 to index
      %swap3A_574 = tpu.vector_load %arg7[%swap3A_572, %swap3A_573] {strides = array<i32>} : memref<128x128xf32, #tpu.memory_space<vmem>>, vector<1x16xf32>,
      %swap3A_575 = vector.shape_cast %swap3A_574 : vector<1x16xf32> to vector<16xf32>
      %swap3A_576 = vector.shape_cast %mul3A_521 : vector<16xf32> to vector<1x16xf32>
      tpu.vector_store %arg7[%swap3A_572, %swap3A_573], %swap3A_576 {strides = array<i32>} : memref<128x128xf32, #tpu.memory_space<vmem>>, vector<1x16xf32>,
      %add3A_577 = arith.constant 16 : i32
      %add3A_578 = arith.addi %multiple_of3A_571, %add3A_577 : i32
      %swap3A_579 = arith.index_cast %select_n3A_552 : i32 to index
      %swap3A_580 = arith.index_cast %add3A_578 : i32 to index
      %swap3A_581 = tpu.vector_load %arg7[%swap3A_579, %swap3A_580] {strides = array<i32>} : memref<128x128xf32, #tpu.memory_space<vmem>>, vector<1x16xf32>,
      %swap3A_582 = vector.shape_cast %swap3A_581 : vector<1x16xf32> to vector<16xf32>
      %swap3A_583 = vector.shape_cast %mul3A_524 : vector<16xf32> to vector<1x16xf32>
      tpu.vector_store %arg7[%swap3A_579, %swap3A_580], %swap3A_583 {strides = array<i32>} : memref<128x128xf32, #tpu.memory_space<vmem>>, vector<1x16xf32>,
      %broadcast_in_dim3A_584 = arith.constant 0.000000e+00 : f32
      %broadcast_in_dim3A_585 = vector.broadcast %broadcast_in_dim3A_584 : f32 to vector<16xf32>
      %scan3A_586 = arith.constant 1 : i32
      %scan3A_587 = arith.constant 0 : i32
      %scan3A_588 = arith.constant 25 : i32
      %scan3A_589 = arith.addi %scan3A_587, %scan3A_588 : i32
      %scan3A_590 = arith.constant 1 : i32
      %scan3A_591:8 = scf.for %scan3A_1434 = %scan3A_587 to %scan3A_589 step %scan3A_590 iter_args(%scan3A_1435 = %broadcast_in_dim3A_585, %scan3A_1436 = %broadcast_in_dim3A_585, %scan3A_1437 = %broadcast_in_dim3A_585, %scan3A_1438 = %broadcast_in_dim3A_585, %scan3A_1439 = %broadcast_in_dim3A_585, %scan3A_1440 = %broadcast_in_dim3A_585, %scan3A_1441 = %broadcast_in_dim3A_585, %scan3A_1442 = %broadcast_in_dim3A_585) -> (vector<16xf32>, vector<16xf32>, vector<16xf32>, vector<16xf32>, vector<16xf32>, vector<16xf32>, vector<16xf32>, vector<16xf32>)  : i32 {
        %mul3A_1443 = arith.constant 4 : i32
        %mul3A_1444 = arith.muli %scan3A_1434, %mul3A_1443 : i32
        %add3A_1445 = arith.constant 0 : i32
        %add3A_1446 = arith.addi %mul3A_1444, %add3A_1445 : i32
        %get3A = arith.constant 200 : i32
        %get3A_1447 = arith.constant 0 : i32
        %get3A_1448 = tpu.memref_slice %arg6[%scan3A_586, %get3A, %get3A_1447] : memref<4x400x32xf32, #tpu.memory_space<vmem>> -> memref<1x100x32xf32, #tpu.memory_space<vmem>>
        %get3A_1449 = tpu.memref_squeeze %get3A_1448 : memref<1x100x32xf32, #tpu.memory_space<vmem>> -> memref<100x32xf32, #tpu.memory_space<vmem>>
        %get3A_1450 = arith.index_cast %add3A_1446 : i32 to index
        %get3A_1451 = arith.constant 0 : index
        %get3A_1452 = tpu.vector_load %get3A_1449[%get3A_1450, %get3A_1451] {strides = array<i32>} : memref<100x32xf32, #tpu.memory_space<vmem>>, vector<1x16xf32>,
        %get3A_1453 = vector.shape_cast %get3A_1452 : vector<1x16xf32> to vector<16xf32>
        %add3A_1454 = arith.addf %scan3A_1435, %get3A_1453 : vector<16xf32>
        %add3A_1455 = arith.constant 0 : i32
        %add3A_1456 = arith.addi %mul3A_1444, %add3A_1455 : i32
        %get3A_1457 = arith.constant 200 : i32
        %get3A_1458 = arith.constant 0 : i32
        %get3A_1459 = tpu.memref_slice %arg6[%scan3A_586, %get3A_1457, %get3A_1458] : memref<4x400x32xf32, #tpu.memory_space<vmem>> -> memref<1x100x32xf32, #tpu.memory_space<vmem>>
        %get3A_1460 = tpu.memref_squeeze %get3A_1459 : memref<1x100x32xf32, #tpu.memory_space<vmem>> -> memref<100x32xf32, #tpu.memory_space<vmem>>
        %get3A_1461 = arith.index_cast %add3A_1456 : i32 to index
        %get3A_1462 = arith.constant 16 : index
        %get3A_1463 = tpu.vector_load %get3A_1460[%get3A_1461, %get3A_1462] {strides = array<i32>} : memref<100x32xf32, #tpu.memory_space<vmem>>, vector<1x16xf32>,
        %get3A_1464 = vector.shape_cast %get3A_1463 : vector<1x16xf32> to vector<16xf32>
        %add3A_1465 = arith.addf %scan3A_1436, %get3A_1464 : vector<16xf32>
        %add3A_1466 = arith.constant 1 : i32
        %add3A_1467 = arith.addi %mul3A_1444, %add3A_1466 : i32
        %get3A_1468 = arith.constant 200 : i32
        %get3A_1469 = arith.constant 0 : i32
        %get3A_1470 = tpu.memref_slice %arg6[%scan3A_586, %get3A_1468, %get3A_1469] : memref<4x400x32xf32, #tpu.memory_space<vmem>> -> memref<1x100x32xf32, #tpu.memory_space<vmem>>
        %get3A_1471 = tpu.memref_squeeze %get3A_1470 : memref<1x100x32xf32, #tpu.memory_space<vmem>> -> memref<100x32xf32, #tpu.memory_space<vmem>>
        %get3A_1472 = arith.index_cast %add3A_1467 : i32 to index
        %get3A_1473 = arith.constant 0 : index
        %get3A_1474 = tpu.vector_load %get3A_1471[%get3A_1472, %get3A_1473] {strides = array<i32>} : memref<100x32xf32, #tpu.memory_space<vmem>>, vector<1x16xf32>,
        %get3A_1475 = vector.shape_cast %get3A_1474 : vector<1x16xf32> to vector<16xf32>
        %add3A_1476 = arith.addf %scan3A_1437, %get3A_1475 : vector<16xf32>
        %add3A_1477 = arith.constant 1 : i32
        %add3A_1478 = arith.addi %mul3A_1444, %add3A_1477 : i32
        %get3A_1479 = arith.constant 200 : i32
        %get3A_1480 = arith.constant 0 : i32
        %get3A_1481 = tpu.memref_slice %arg6[%scan3A_586, %get3A_1479, %get3A_1480] : memref<4x400x32xf32, #tpu.memory_space<vmem>> -> memref<1x100x32xf32, #tpu.memory_space<vmem>>
        %get3A_1482 = tpu.memref_squeeze %get3A_1481 : memref<1x100x32xf32, #tpu.memory_space<vmem>> -> memref<100x32xf32, #tpu.memory_space<vmem>>
        %get3A_1483 = arith.index_cast %add3A_1478 : i32 to index
        %get3A_1484 = arith.constant 16 : index
        %get3A_1485 = tpu.vector_load %get3A_1482[%get3A_1483, %get3A_1484] {strides = array<i32>} : memref<100x32xf32, #tpu.memory_space<vmem>>, vector<1x16xf32>,
        %get3A_1486 = vector.shape_cast %get3A_1485 : vector<1x16xf32> to vector<16xf32>
        %add3A_1487 = arith.addf %scan3A_1438, %get3A_1486 : vector<16xf32>
        %add3A_1488 = arith.constant 2 : i32
        %add3A_1489 = arith.addi %mul3A_1444, %add3A_1488 : i32
        %get3A_1490 = arith.constant 200 : i32
        %get3A_1491 = arith.constant 0 : i32
        %get3A_1492 = tpu.memref_slice %arg6[%scan3A_586, %get3A_1490, %get3A_1491] : memref<4x400x32xf32, #tpu.memory_space<vmem>> -> memref<1x100x32xf32, #tpu.memory_space<vmem>>
        %get3A_1493 = tpu.memref_squeeze %get3A_1492 : memref<1x100x32xf32, #tpu.memory_space<vmem>> -> memref<100x32xf32, #tpu.memory_space<vmem>>
        %get3A_1494 = arith.index_cast %add3A_1489 : i32 to index
        %get3A_1495 = arith.constant 0 : index
        %get3A_1496 = tpu.vector_load %get3A_1493[%get3A_1494, %get3A_1495] {strides = array<i32>} : memref<100x32xf32, #tpu.memory_space<vmem>>, vector<1x16xf32>,
        %get3A_1497 = vector.shape_cast %get3A_1496 : vector<1x16xf32> to vector<16xf32>
        %add3A_1498 = arith.addf %scan3A_1439, %get3A_1497 : vector<16xf32>
        %add3A_1499 = arith.constant 2 : i32
        %add3A_1500 = arith.addi %mul3A_1444, %add3A_1499 : i32
        %get3A_1501 = arith.constant 200 : i32
        %get3A_1502 = arith.constant 0 : i32
        %get3A_1503 = tpu.memref_slice %arg6[%scan3A_586, %get3A_1501, %get3A_1502] : memref<4x400x32xf32, #tpu.memory_space<vmem>> -> memref<1x100x32xf32, #tpu.memory_space<vmem>>
        %get3A_1504 = tpu.memref_squeeze %get3A_1503 : memref<1x100x32xf32, #tpu.memory_space<vmem>> -> memref<100x32xf32, #tpu.memory_space<vmem>>
        %get3A_1505 = arith.index_cast %add3A_1500 : i32 to index
        %get3A_1506 = arith.constant 16 : index
        %get3A_1507 = tpu.vector_load %get3A_1504[%get3A_1505, %get3A_1506] {strides = array<i32>} : memref<100x32xf32, #tpu.memory_space<vmem>>, vector<1x16xf32>,
        %get3A_1508 = vector.shape_cast %get3A_1507 : vector<1x16xf32> to vector<16xf32>
        %add3A_1509 = arith.addf %scan3A_1440, %get3A_1508 : vector<16xf32>
        %add3A_1510 = arith.constant 3 : i32
        %add3A_1511 = arith.addi %mul3A_1444, %add3A_1510 : i32
        %get3A_1512 = arith.constant 200 : i32
        %get3A_1513 = arith.constant 0 : i32
        %get3A_1514 = tpu.memref_slice %arg6[%scan3A_586, %get3A_1512, %get3A_1513] : memref<4x400x32xf32, #tpu.memory_space<vmem>> -> memref<1x100x32xf32, #tpu.memory_space<vmem>>
        %get3A_1515 = tpu.memref_squeeze %get3A_1514 : memref<1x100x32xf32, #tpu.memory_space<vmem>> -> memref<100x32xf32, #tpu.memory_space<vmem>>
        %get3A_1516 = arith.index_cast %add3A_1511 : i32 to index
        %get3A_1517 = arith.constant 0 : index
        %get3A_1518 = tpu.vector_load %get3A_1515[%get3A_1516, %get3A_1517] {strides = array<i32>} : memref<100x32xf32, #tpu.memory_space<vmem>>, vector<1x16xf32>,
        %get3A_1519 = vector.shape_cast %get3A_1518 : vector<1x16xf32> to vector<16xf32>
        %add3A_1520 = arith.addf %scan3A_1441, %get3A_1519 : vector<16xf32>
        %add3A_1521 = arith.constant 3 : i32
        %add3A_1522 = arith.addi %mul3A_1444, %add3A_1521 : i32
        %get3A_1523 = arith.constant 200 : i32
        %get3A_1524 = arith.constant 0 : i32
        %get3A_1525 = tpu.memref_slice %arg6[%scan3A_586, %get3A_1523, %get3A_1524] : memref<4x400x32xf32, #tpu.memory_space<vmem>> -> memref<1x100x32xf32, #tpu.memory_space<vmem>>
        %get3A_1526 = tpu.memref_squeeze %get3A_1525 : memref<1x100x32xf32, #tpu.memory_space<vmem>> -> memref<100x32xf32, #tpu.memory_space<vmem>>
        %get3A_1527 = arith.index_cast %add3A_1522 : i32 to index
        %get3A_1528 = arith.constant 16 : index
        %get3A_1529 = tpu.vector_load %get3A_1526[%get3A_1527, %get3A_1528] {strides = array<i32>} : memref<100x32xf32, #tpu.memory_space<vmem>>, vector<1x16xf32>,
        %get3A_1530 = vector.shape_cast %get3A_1529 : vector<1x16xf32> to vector<16xf32>
        %add3A_1531 = arith.addf %scan3A_1442, %get3A_1530 : vector<16xf32>
        scf.yield %add3A_1454, %add3A_1465, %add3A_1476, %add3A_1487, %add3A_1498, %add3A_1509, %add3A_1520, %add3A_1531 : vector<16xf32>, vector<16xf32>, vector<16xf32>, vector<16xf32>, vector<16xf32>, vector<16xf32>, vector<16xf32>, vector<16xf32>
      }
      %scan3A_592 = arith.constant 25 : i32
      %add3A_593 = arith.addf %scan3A_591#0, %scan3A_591#2 : vector<16xf32>
      %add3A_594 = arith.addf %scan3A_591#4, %scan3A_591#6 : vector<16xf32>
      %add3A_595 = arith.addf %add3A_593, %add3A_594 : vector<16xf32>
      %add3A_596 = arith.addf %scan3A_591#1, %scan3A_591#3 : vector<16xf32>
      %add3A_597 = arith.addf %scan3A_591#5, %scan3A_591#7 : vector<16xf32>
      %add3A_598 = arith.addf %add3A_596, %add3A_597 : vector<16xf32>
      %mul3A_599 = arith.constant 0.00999999977 : f32
      %mul3A_600 = vector.broadcast %mul3A_599 : f32 to vector<16xf32>
      %mul3A_601 = arith.mulf %add3A_595, %mul3A_600 : vector<16xf32>
      %mul3A_602 = arith.constant 0.00999999977 : f32
      %mul3A_603 = vector.broadcast %mul3A_602 : f32 to vector<16xf32>
      %mul3A_604 = arith.mulf %add3A_598, %mul3A_603 : vector<16xf32>
      %mul3A_605 = arith.constant 4 : i32
      %mul3A_606 = arith.muli %mul3A_605, %add3A_402 : i32
      %add3A_607 = arith.constant 2 : i32
      %add3A_608 = arith.addi %mul3A_606, %add3A_607 : i32
      %jit3A_609 = arith.constant 4 : i32
      %div3A_610 = arith.divsi %add3A_608, %jit3A_609 : i32
      %sign3A_611 = arith.constant 0 : i32
      %sign3A_612 = arith.cmpi sgt, %add3A_608, %sign3A_611 : i32
      %sign3A_613 = arith.extui %sign3A_612 : i1 to i32
      %sign3A_614 = arith.constant 0 : i32
      %sign3A_615 = arith.cmpi slt, %add3A_608, %sign3A_614 : i32
      %sign3A_616 = arith.extui %sign3A_615 : i1 to i32
      %sign3A_617 = arith.subi %sign3A_613, %sign3A_616 : i32
      %sign3A_618 = arith.constant 0 : i32
      %sign3A_619 = arith.cmpi sgt, %jit3A_609, %sign3A_618 : i32
      %sign3A_620 = arith.extui %sign3A_619 : i1 to i32
      %sign3A_621 = arith.constant 0 : i32
      %sign3A_622 = arith.cmpi slt, %jit3A_609, %sign3A_621 : i32
      %sign3A_623 = arith.extui %sign3A_622 : i1 to i32
      %sign3A_624 = arith.subi %sign3A_620, %sign3A_623 : i32
      %ne3A_625 = arith.cmpi ne, %sign3A_617, %sign3A_624 : i32
      %rem3A_626 = arith.remsi %add3A_608, %jit3A_609 : i32
      %ne3A_627 = arith.constant 0 : i32
      %ne3A_628 = arith.cmpi ne, %rem3A_626, %ne3A_627 : i32
      %and3A_629 = arith.andi %ne3A_625, %ne3A_628 : i1
      %sub3A_630 = arith.constant 1 : i32
      %sub3A_631 = arith.subi %div3A_610, %sub3A_630 : i32
      %select_n3A_632 = arith.select %and3A_629, %sub3A_631, %div3A_610 : i32
      %jit3A_633 = arith.constant 4 : i32
      %eq3A_634 = arith.constant 0 : i32
      %eq3A_635 = arith.cmpi eq, %jit3A_633, %eq3A_634 : i32
      %jit3A_636 = arith.constant 1 : i32
      %select_n3A_637 = arith.select %eq3A_635, %jit3A_636, %jit3A_633 : i32
      %rem3A_638 = arith.remsi %add3A_608, %select_n3A_637 : i32
      %ne3A_639 = arith.constant 0 : i32
      %ne3A_640 = arith.cmpi ne, %rem3A_638, %ne3A_639 : i32
      %lt3A_641 = arith.constant 0 : i32
      %lt3A_642 = arith.cmpi slt, %rem3A_638, %lt3A_641 : i32
      %lt3A_643 = arith.constant 0 : i32
      %lt3A_644 = arith.cmpi slt, %select_n3A_637, %lt3A_643 : i32
      %ne3A_645 = arith.xori %lt3A_642, %lt3A_644 : i1
      %and3A_646 = arith.andi %ne3A_645, %ne3A_640 : i1
      %add3A_647 = arith.addi %rem3A_638, %select_n3A_637 : i32
      %select_n3A_648 = arith.select %and3A_646, %add3A_647, %rem3A_638 : i32
      %mul3A_649 = arith.constant 32 : i32
      %mul3A_650 = arith.muli %select_n3A_648, %mul3A_649 : i32
      %multiple_of3A_651 = tpu.assume_multiple %mul3A_650, 32 : i32
      %swap3A_652 = arith.index_cast %select_n3A_632 : i32 to index
      %swap3A_653 = arith.index_cast %multiple_of3A_651 : i32 to index
      %swap3A_654 = tpu.vector_load %arg7[%swap3A_652, %swap3A_653] {strides = array<i32>} : memref<128x128xf32, #tpu.memory_space<vmem>>, vector<1x16xf32>,
      %swap3A_655 = vector.shape_cast %swap3A_654 : vector<1x16xf32> to vector<16xf32>
      %swap3A_656 = vector.shape_cast %mul3A_601 : vector<16xf32> to vector<1x16xf32>
      tpu.vector_store %arg7[%swap3A_652, %swap3A_653], %swap3A_656 {strides = array<i32>} : memref<128x128xf32, #tpu.memory_space<vmem>>, vector<1x16xf32>,
      %add3A_657 = arith.constant 16 : i32
      %add3A_658 = arith.addi %multiple_of3A_651, %add3A_657 : i32
      %swap3A_659 = arith.index_cast %select_n3A_632 : i32 to index
      %swap3A_660 = arith.index_cast %add3A_658 : i32 to index
      %swap3A_661 = tpu.vector_load %arg7[%swap3A_659, %swap3A_660] {strides = array<i32>} : memref<128x128xf32, #tpu.memory_space<vmem>>, vector<1x16xf32>,
      %swap3A_662 = vector.shape_cast %swap3A_661 : vector<1x16xf32> to vector<16xf32>
      %swap3A_663 = vector.shape_cast %mul3A_604 : vector<16xf32> to vector<1x16xf32>
      tpu.vector_store %arg7[%swap3A_659, %swap3A_660], %swap3A_663 {strides = array<i32>} : memref<128x128xf32, #tpu.memory_space<vmem>>, vector<1x16xf32>,
      %broadcast_in_dim3A_664 = arith.constant 0.000000e+00 : f32
      %broadcast_in_dim3A_665 = vector.broadcast %broadcast_in_dim3A_664 : f32 to vector<16xf32>
      %scan3A_666 = arith.constant 1 : i32
      %scan3A_667 = arith.constant 0 : i32
      %scan3A_668 = arith.constant 25 : i32
      %scan3A_669 = arith.addi %scan3A_667, %scan3A_668 : i32
      %scan3A_670 = arith.constant 1 : i32
      %scan3A_671:8 = scf.for %scan3A_1434 = %scan3A_667 to %scan3A_669 step %scan3A_670 iter_args(%scan3A_1435 = %broadcast_in_dim3A_665, %scan3A_1436 = %broadcast_in_dim3A_665, %scan3A_1437 = %broadcast_in_dim3A_665, %scan3A_1438 = %broadcast_in_dim3A_665, %scan3A_1439 = %broadcast_in_dim3A_665, %scan3A_1440 = %broadcast_in_dim3A_665, %scan3A_1441 = %broadcast_in_dim3A_665, %scan3A_1442 = %broadcast_in_dim3A_665) -> (vector<16xf32>, vector<16xf32>, vector<16xf32>, vector<16xf32>, vector<16xf32>, vector<16xf32>, vector<16xf32>, vector<16xf32>)  : i32 {
        %mul3A_1443 = arith.constant 4 : i32
        %mul3A_1444 = arith.muli %scan3A_1434, %mul3A_1443 : i32
        %add3A_1445 = arith.constant 0 : i32
        %add3A_1446 = arith.addi %mul3A_1444, %add3A_1445 : i32
        %get3A = arith.constant 300 : i32
        %get3A_1447 = arith.constant 0 : i32
        %get3A_1448 = tpu.memref_slice %arg6[%scan3A_666, %get3A, %get3A_1447] : memref<4x400x32xf32, #tpu.memory_space<vmem>> -> memref<1x100x32xf32, #tpu.memory_space<vmem>>
        %get3A_1449 = tpu.memref_squeeze %get3A_1448 : memref<1x100x32xf32, #tpu.memory_space<vmem>> -> memref<100x32xf32, #tpu.memory_space<vmem>>
        %get3A_1450 = arith.index_cast %add3A_1446 : i32 to index
        %get3A_1451 = arith.constant 0 : index
        %get3A_1452 = tpu.vector_load %get3A_1449[%get3A_1450, %get3A_1451] {strides = array<i32>} : memref<100x32xf32, #tpu.memory_space<vmem>>, vector<1x16xf32>,
        %get3A_1453 = vector.shape_cast %get3A_1452 : vector<1x16xf32> to vector<16xf32>
        %add3A_1454 = arith.addf %scan3A_1435, %get3A_1453 : vector<16xf32>
        %add3A_1455 = arith.constant 0 : i32
        %add3A_1456 = arith.addi %mul3A_1444, %add3A_1455 : i32
        %get3A_1457 = arith.constant 300 : i32
        %get3A_1458 = arith.constant 0 : i32
        %get3A_1459 = tpu.memref_slice %arg6[%scan3A_666, %get3A_1457, %get3A_1458] : memref<4x400x32xf32, #tpu.memory_space<vmem>> -> memref<1x100x32xf32, #tpu.memory_space<vmem>>
        %get3A_1460 = tpu.memref_squeeze %get3A_1459 : memref<1x100x32xf32, #tpu.memory_space<vmem>> -> memref<100x32xf32, #tpu.memory_space<vmem>>
        %get3A_1461 = arith.index_cast %add3A_1456 : i32 to index
        %get3A_1462 = arith.constant 16 : index
        %get3A_1463 = tpu.vector_load %get3A_1460[%get3A_1461, %get3A_1462] {strides = array<i32>} : memref<100x32xf32, #tpu.memory_space<vmem>>, vector<1x16xf32>,
        %get3A_1464 = vector.shape_cast %get3A_1463 : vector<1x16xf32> to vector<16xf32>
        %add3A_1465 = arith.addf %scan3A_1436, %get3A_1464 : vector<16xf32>
        %add3A_1466 = arith.constant 1 : i32
        %add3A_1467 = arith.addi %mul3A_1444, %add3A_1466 : i32
        %get3A_1468 = arith.constant 300 : i32
        %get3A_1469 = arith.constant 0 : i32
        %get3A_1470 = tpu.memref_slice %arg6[%scan3A_666, %get3A_1468, %get3A_1469] : memref<4x400x32xf32, #tpu.memory_space<vmem>> -> memref<1x100x32xf32, #tpu.memory_space<vmem>>
        %get3A_1471 = tpu.memref_squeeze %get3A_1470 : memref<1x100x32xf32, #tpu.memory_space<vmem>> -> memref<100x32xf32, #tpu.memory_space<vmem>>
        %get3A_1472 = arith.index_cast %add3A_1467 : i32 to index
        %get3A_1473 = arith.constant 0 : index
        %get3A_1474 = tpu.vector_load %get3A_1471[%get3A_1472, %get3A_1473] {strides = array<i32>} : memref<100x32xf32, #tpu.memory_space<vmem>>, vector<1x16xf32>,
        %get3A_1475 = vector.shape_cast %get3A_1474 : vector<1x16xf32> to vector<16xf32>
        %add3A_1476 = arith.addf %scan3A_1437, %get3A_1475 : vector<16xf32>
        %add3A_1477 = arith.constant 1 : i32
        %add3A_1478 = arith.addi %mul3A_1444, %add3A_1477 : i32
        %get3A_1479 = arith.constant 300 : i32
        %get3A_1480 = arith.constant 0 : i32
        %get3A_1481 = tpu.memref_slice %arg6[%scan3A_666, %get3A_1479, %get3A_1480] : memref<4x400x32xf32, #tpu.memory_space<vmem>> -> memref<1x100x32xf32, #tpu.memory_space<vmem>>
        %get3A_1482 = tpu.memref_squeeze %get3A_1481 : memref<1x100x32xf32, #tpu.memory_space<vmem>> -> memref<100x32xf32, #tpu.memory_space<vmem>>
        %get3A_1483 = arith.index_cast %add3A_1478 : i32 to index
        %get3A_1484 = arith.constant 16 : index
        %get3A_1485 = tpu.vector_load %get3A_1482[%get3A_1483, %get3A_1484] {strides = array<i32>} : memref<100x32xf32, #tpu.memory_space<vmem>>, vector<1x16xf32>,
        %get3A_1486 = vector.shape_cast %get3A_1485 : vector<1x16xf32> to vector<16xf32>
        %add3A_1487 = arith.addf %scan3A_1438, %get3A_1486 : vector<16xf32>
        %add3A_1488 = arith.constant 2 : i32
        %add3A_1489 = arith.addi %mul3A_1444, %add3A_1488 : i32
        %get3A_1490 = arith.constant 300 : i32
        %get3A_1491 = arith.constant 0 : i32
        %get3A_1492 = tpu.memref_slice %arg6[%scan3A_666, %get3A_1490, %get3A_1491] : memref<4x400x32xf32, #tpu.memory_space<vmem>> -> memref<1x100x32xf32, #tpu.memory_space<vmem>>
        %get3A_1493 = tpu.memref_squeeze %get3A_1492 : memref<1x100x32xf32, #tpu.memory_space<vmem>> -> memref<100x32xf32, #tpu.memory_space<vmem>>
        %get3A_1494 = arith.index_cast %add3A_1489 : i32 to index
        %get3A_1495 = arith.constant 0 : index
        %get3A_1496 = tpu.vector_load %get3A_1493[%get3A_1494, %get3A_1495] {strides = array<i32>} : memref<100x32xf32, #tpu.memory_space<vmem>>, vector<1x16xf32>,
        %get3A_1497 = vector.shape_cast %get3A_1496 : vector<1x16xf32> to vector<16xf32>
        %add3A_1498 = arith.addf %scan3A_1439, %get3A_1497 : vector<16xf32>
        %add3A_1499 = arith.constant 2 : i32
        %add3A_1500 = arith.addi %mul3A_1444, %add3A_1499 : i32
        %get3A_1501 = arith.constant 300 : i32
        %get3A_1502 = arith.constant 0 : i32
        %get3A_1503 = tpu.memref_slice %arg6[%scan3A_666, %get3A_1501, %get3A_1502] : memref<4x400x32xf32, #tpu.memory_space<vmem>> -> memref<1x100x32xf32, #tpu.memory_space<vmem>>
        %get3A_1504 = tpu.memref_squeeze %get3A_1503 : memref<1x100x32xf32, #tpu.memory_space<vmem>> -> memref<100x32xf32, #tpu.memory_space<vmem>>
        %get3A_1505 = arith.index_cast %add3A_1500 : i32 to index
        %get3A_1506 = arith.constant 16 : index
        %get3A_1507 = tpu.vector_load %get3A_1504[%get3A_1505, %get3A_1506] {strides = array<i32>} : memref<100x32xf32, #tpu.memory_space<vmem>>, vector<1x16xf32>,
        %get3A_1508 = vector.shape_cast %get3A_1507 : vector<1x16xf32> to vector<16xf32>
        %add3A_1509 = arith.addf %scan3A_1440, %get3A_1508 : vector<16xf32>
        %add3A_1510 = arith.constant 3 : i32
        %add3A_1511 = arith.addi %mul3A_1444, %add3A_1510 : i32
        %get3A_1512 = arith.constant 300 : i32
        %get3A_1513 = arith.constant 0 : i32
        %get3A_1514 = tpu.memref_slice %arg6[%scan3A_666, %get3A_1512, %get3A_1513] : memref<4x400x32xf32, #tpu.memory_space<vmem>> -> memref<1x100x32xf32, #tpu.memory_space<vmem>>
        %get3A_1515 = tpu.memref_squeeze %get3A_1514 : memref<1x100x32xf32, #tpu.memory_space<vmem>> -> memref<100x32xf32, #tpu.memory_space<vmem>>
        %get3A_1516 = arith.index_cast %add3A_1511 : i32 to index
        %get3A_1517 = arith.constant 0 : index
        %get3A_1518 = tpu.vector_load %get3A_1515[%get3A_1516, %get3A_1517] {strides = array<i32>} : memref<100x32xf32, #tpu.memory_space<vmem>>, vector<1x16xf32>,
        %get3A_1519 = vector.shape_cast %get3A_1518 : vector<1x16xf32> to vector<16xf32>
        %add3A_1520 = arith.addf %scan3A_1441, %get3A_1519 : vector<16xf32>
        %add3A_1521 = arith.constant 3 : i32
        %add3A_1522 = arith.addi %mul3A_1444, %add3A_1521 : i32
        %get3A_1523 = arith.constant 300 : i32
        %get3A_1524 = arith.constant 0 : i32
        %get3A_1525 = tpu.memref_slice %arg6[%scan3A_666, %get3A_1523, %get3A_1524] : memref<4x400x32xf32, #tpu.memory_space<vmem>> -> memref<1x100x32xf32, #tpu.memory_space<vmem>>
        %get3A_1526 = tpu.memref_squeeze %get3A_1525 : memref<1x100x32xf32, #tpu.memory_space<vmem>> -> memref<100x32xf32, #tpu.memory_space<vmem>>
        %get3A_1527 = arith.index_cast %add3A_1522 : i32 to index
        %get3A_1528 = arith.constant 16 : index
        %get3A_1529 = tpu.vector_load %get3A_1526[%get3A_1527, %get3A_1528] {strides = array<i32>} : memref<100x32xf32, #tpu.memory_space<vmem>>, vector<1x16xf32>,
        %get3A_1530 = vector.shape_cast %get3A_1529 : vector<1x16xf32> to vector<16xf32>
        %add3A_1531 = arith.addf %scan3A_1442, %get3A_1530 : vector<16xf32>
        scf.yield %add3A_1454, %add3A_1465, %add3A_1476, %add3A_1487, %add3A_1498, %add3A_1509, %add3A_1520, %add3A_1531 : vector<16xf32>, vector<16xf32>, vector<16xf32>, vector<16xf32>, vector<16xf32>, vector<16xf32>, vector<16xf32>, vector<16xf32>
      }
      %scan3A_672 = arith.constant 25 : i32
      %add3A_673 = arith.addf %scan3A_671#0, %scan3A_671#2 : vector<16xf32>
      %add3A_674 = arith.addf %scan3A_671#4, %scan3A_671#6 : vector<16xf32>
      %add3A_675 = arith.addf %add3A_673, %add3A_674 : vector<16xf32>
      %add3A_676 = arith.addf %scan3A_671#1, %scan3A_671#3 : vector<16xf32>
      %add3A_677 = arith.addf %scan3A_671#5, %scan3A_671#7 : vector<16xf32>
      %add3A_678 = arith.addf %add3A_676, %add3A_677 : vector<16xf32>
      %mul3A_679 = arith.constant 0.00999999977 : f32
      %mul3A_680 = vector.broadcast %mul3A_679 : f32 to vector<16xf32>
      %mul3A_681 = arith.mulf %add3A_675, %mul3A_680 : vector<16xf32>
      %mul3A_682 = arith.constant 0.00999999977 : f32
      %mul3A_683 = vector.broadcast %mul3A_682 : f32 to vector<16xf32>
      %mul3A_684 = arith.mulf %add3A_678, %mul3A_683 : vector<16xf32>
      %mul3A_685 = arith.constant 4 : i32
      %mul3A_686 = arith.muli %mul3A_685, %add3A_402 : i32
      %add3A_687 = arith.constant 3 : i32
      %add3A_688 = arith.addi %mul3A_686, %add3A_687 : i32
      %jit3A_689 = arith.constant 4 : i32
      %div3A_690 = arith.divsi %add3A_688, %jit3A_689 : i32
      %sign3A_691 = arith.constant 0 : i32
      %sign3A_692 = arith.cmpi sgt, %add3A_688, %sign3A_691 : i32
      %sign3A_693 = arith.extui %sign3A_692 : i1 to i32
      %sign3A_694 = arith.constant 0 : i32
      %sign3A_695 = arith.cmpi slt, %add3A_688, %sign3A_694 : i32
      %sign3A_696 = arith.extui %sign3A_695 : i1 to i32
      %sign3A_697 = arith.subi %sign3A_693, %sign3A_696 : i32
      %sign3A_698 = arith.constant 0 : i32
      %sign3A_699 = arith.cmpi sgt, %jit3A_689, %sign3A_698 : i32
      %sign3A_700 = arith.extui %sign3A_699 : i1 to i32
      %sign3A_701 = arith.constant 0 : i32
      %sign3A_702 = arith.cmpi slt, %jit3A_689, %sign3A_701 : i32
      %sign3A_703 = arith.extui %sign3A_702 : i1 to i32
      %sign3A_704 = arith.subi %sign3A_700, %sign3A_703 : i32
      %ne3A_705 = arith.cmpi ne, %sign3A_697, %sign3A_704 : i32
      %rem3A_706 = arith.remsi %add3A_688, %jit3A_689 : i32
      %ne3A_707 = arith.constant 0 : i32
      %ne3A_708 = arith.cmpi ne, %rem3A_706, %ne3A_707 : i32
      %and3A_709 = arith.andi %ne3A_705, %ne3A_708 : i1
      %sub3A_710 = arith.constant 1 : i32
      %sub3A_711 = arith.subi %div3A_690, %sub3A_710 : i32
      %select_n3A_712 = arith.select %and3A_709, %sub3A_711, %div3A_690 : i32
      %jit3A_713 = arith.constant 4 : i32
      %eq3A_714 = arith.constant 0 : i32
      %eq3A_715 = arith.cmpi eq, %jit3A_713, %eq3A_714 : i32
      %jit3A_716 = arith.constant 1 : i32
      %select_n3A_717 = arith.select %eq3A_715, %jit3A_716, %jit3A_713 : i32
      %rem3A_718 = arith.remsi %add3A_688, %select_n3A_717 : i32
      %ne3A_719 = arith.constant 0 : i32
      %ne3A_720 = arith.cmpi ne, %rem3A_718, %ne3A_719 : i32
      %lt3A_721 = arith.constant 0 : i32
      %lt3A_722 = arith.cmpi slt, %rem3A_718, %lt3A_721 : i32
      %lt3A_723 = arith.constant 0 : i32
      %lt3A_724 = arith.cmpi slt, %select_n3A_717, %lt3A_723 : i32
      %ne3A_725 = arith.xori %lt3A_722, %lt3A_724 : i1
      %and3A_726 = arith.andi %ne3A_725, %ne3A_720 : i1
      %add3A_727 = arith.addi %rem3A_718, %select_n3A_717 : i32
      %select_n3A_728 = arith.select %and3A_726, %add3A_727, %rem3A_718 : i32
      %mul3A_729 = arith.constant 32 : i32
      %mul3A_730 = arith.muli %select_n3A_728, %mul3A_729 : i32
      %multiple_of3A_731 = tpu.assume_multiple %mul3A_730, 32 : i32
      %swap3A_732 = arith.index_cast %select_n3A_712 : i32 to index
      %swap3A_733 = arith.index_cast %multiple_of3A_731 : i32 to index
      %swap3A_734 = tpu.vector_load %arg7[%swap3A_732, %swap3A_733] {strides = array<i32>} : memref<128x128xf32, #tpu.memory_space<vmem>>, vector<1x16xf32>,
      %swap3A_735 = vector.shape_cast %swap3A_734 : vector<1x16xf32> to vector<16xf32>
      %swap3A_736 = vector.shape_cast %mul3A_681 : vector<16xf32> to vector<1x16xf32>
      tpu.vector_store %arg7[%swap3A_732, %swap3A_733], %swap3A_736 {strides = array<i32>} : memref<128x128xf32, #tpu.memory_space<vmem>>, vector<1x16xf32>,
      %add3A_737 = arith.constant 16 : i32
      %add3A_738 = arith.addi %multiple_of3A_731, %add3A_737 : i32
      %swap3A_739 = arith.index_cast %select_n3A_712 : i32 to index
      %swap3A_740 = arith.index_cast %add3A_738 : i32 to index
      %swap3A_741 = tpu.vector_load %arg7[%swap3A_739, %swap3A_740] {strides = array<i32>} : memref<128x128xf32, #tpu.memory_space<vmem>>, vector<1x16xf32>,
      %swap3A_742 = vector.shape_cast %swap3A_741 : vector<1x16xf32> to vector<16xf32>
      %swap3A_743 = vector.shape_cast %mul3A_684 : vector<16xf32> to vector<1x16xf32>
      tpu.vector_store %arg7[%swap3A_739, %swap3A_740], %swap3A_743 {strides = array<i32>} : memref<128x128xf32, #tpu.memory_space<vmem>>, vector<1x16xf32>,
      %mul3A_744 = arith.constant 4 : i32
      %mul3A_745 = arith.muli %scan3A_69, %mul3A_744 : i32
      %add3A_746 = arith.constant 2 : i32
      %add3A_747 = arith.addi %mul3A_745, %add3A_746 : i32
      %dma_wait3A_748 = arith.constant 2 : i32
      %dma_wait3A_749 = arith.constant 2 : i32
      %dma_wait3A_750 = arith.constant 0 : i32
      %dma_wait3A_751 = arith.constant 0 : i32
      %dma_wait3A_752 = tpu.memref_slice %arg6[%dma_wait3A_748, %dma_wait3A_750, %dma_wait3A_751] : memref<4x400x32xf32, #tpu.memory_space<vmem>> -> memref<1x400x32xf32, #tpu.memory_space<vmem>>
      %dma_wait3A_753 = tpu.memref_squeeze %dma_wait3A_752 : memref<1x400x32xf32, #tpu.memory_space<vmem>> -> memref<400x32xf32, #tpu.memory_space<vmem>>
      %dma_wait3A_754 = arith.constant 0 : i32
      %dma_wait3A_755 = tpu.memref_slice %arg5[%add3A_747, %dma_wait3A_754] : memref<128x400xi32, #tpu.memory_space<vmem>> -> memref<1x400xi32, #tpu.memory_space<vmem>>
      %dma_wait3A_756 = tpu.memref_squeeze %dma_wait3A_755 : memref<1x400xi32, #tpu.memory_space<vmem>> -> memref<400xi32, #tpu.memory_space<vmem>>
      %dma_wait3A_757 = arith.constant 0 : i32
      %dma_wait3A_758 = arith.constant 0 : i32
      %dma_wait3A_759 = tpu.memref_slice %arg3[%dma_wait3A_757, %dma_wait3A_758] : memref<100000x32xf32, #tpu.memory_space<hbm>> -> memref<100000x32xf32, #tpu.memory_space<hbm>>
      %dma_wait3A_760 = tpu.memref_slice %arg8[%dma_wait3A_749] : memref<4x!tpu.dma_semaphore, #tpu.memory_space<semaphore_mem>> -> memref<1x!tpu.dma_semaphore, #tpu.memory_space<semaphore_mem>>
      %dma_wait3A_761 = tpu.memref_squeeze %dma_wait3A_760 : memref<1x!tpu.dma_semaphore, #tpu.memory_space<semaphore_mem>> -> memref<!tpu.dma_semaphore, #tpu.memory_space<semaphore_mem>>
      tpu.wait_indirect_dma semaphore(%dma_wait3A_761 : memref<!tpu.dma_semaphore, #tpu.memory_space<semaphore_mem>>) src(%dma_wait3A_759 : memref<100000x32xf32, #tpu.memory_space<hbm>>) dst(%dma_wait3A_753 : memref<400x32xf32, #tpu.memory_space<vmem>>)
      %add3A_762 = arith.constant 4 : i32
      %add3A_763 = arith.addi %add3A_747, %add3A_762 : i32
      %lt3A_764 = arith.constant 128 : i32
      %lt3A_765 = arith.cmpi slt, %add3A_763, %lt3A_764 : i32
      %convert_element_type3A_766 = arith.extui %lt3A_765 : i1 to i32
      %cond3A_767 = arith.constant 0 : i32
      %cond3A_768 = arith.cmpi ne, %convert_element_type3A_766, %cond3A_767 : i32
      scf.if %cond3A_768 {
        %dma_start3A_1434 = arith.constant 2 : i32
        %dma_start3A_1435 = arith.constant 2 : i32
        %dma_start3A_1436 = arith.constant 0 : i32
        %dma_start3A_1437 = arith.constant 0 : i32
        %dma_start3A_1438 = tpu.memref_slice %arg6[%dma_start3A_1434, %dma_start3A_1436, %dma_start3A_1437] : memref<4x400x32xf32, #tpu.memory_space<vmem>> -> memref<1x400x32xf32, #tpu.memory_space<vmem>>
        %dma_start3A_1439 = tpu.memref_squeeze %dma_start3A_1438 : memref<1x400x32xf32, #tpu.memory_space<vmem>> -> memref<400x32xf32, #tpu.memory_space<vmem>>
        %dma_start3A_1440 = arith.constant 0 : i32
        %dma_start3A_1441 = tpu.memref_slice %arg5[%add3A_763, %dma_start3A_1440] : memref<128x400xi32, #tpu.memory_space<vmem>> -> memref<1x400xi32, #tpu.memory_space<vmem>>
        %dma_start3A_1442 = tpu.memref_squeeze %dma_start3A_1441 : memref<1x400xi32, #tpu.memory_space<vmem>> -> memref<400xi32, #tpu.memory_space<vmem>>
        %dma_start3A_1443 = arith.constant 0 : i32
        %dma_start3A_1444 = arith.constant 0 : i32
        %dma_start3A_1445 = tpu.memref_slice %arg3[%dma_start3A_1443, %dma_start3A_1444] : memref<100000x32xf32, #tpu.memory_space<hbm>> -> memref<100000x32xf32, #tpu.memory_space<hbm>>
        %dma_start3A_1446 = tpu.memref_slice %arg8[%dma_start3A_1435] : memref<4x!tpu.dma_semaphore, #tpu.memory_space<semaphore_mem>> -> memref<1x!tpu.dma_semaphore, #tpu.memory_space<semaphore_mem>>
        %dma_start3A_1447 = tpu.memref_squeeze %dma_start3A_1446 : memref<1x!tpu.dma_semaphore, #tpu.memory_space<semaphore_mem>> -> memref<!tpu.dma_semaphore, #tpu.memory_space<semaphore_mem>>
        tpu.enqueue_indirect_dma source(%dma_start3A_1445 : memref<100000x32xf32, #tpu.memory_space<hbm>>) target(%dma_start3A_1439 : memref<400x32xf32, #tpu.memory_space<vmem>>) offsets(%dma_start3A_1442 : memref<400xi32, #tpu.memory_space<vmem>>) semaphore(%dma_start3A_1447 : memref<!tpu.dma_semaphore, #tpu.memory_space<semaphore_mem>>)
      } else {
      }
      %broadcast_in_dim3A_769 = arith.constant 0.000000e+00 : f32
      %broadcast_in_dim3A_770 = vector.broadcast %broadcast_in_dim3A_769 : f32 to vector<16xf32>
      %scan3A_771 = arith.constant 2 : i32
      %scan3A_772 = arith.constant 0 : i32
      %scan3A_773 = arith.constant 25 : i32
      %scan3A_774 = arith.addi %scan3A_772, %scan3A_773 : i32
      %scan3A_775 = arith.constant 1 : i32
      %scan3A_776:8 = scf.for %scan3A_1434 = %scan3A_772 to %scan3A_774 step %scan3A_775 iter_args(%scan3A_1435 = %broadcast_in_dim3A_770, %scan3A_1436 = %broadcast_in_dim3A_770, %scan3A_1437 = %broadcast_in_dim3A_770, %scan3A_1438 = %broadcast_in_dim3A_770, %scan3A_1439 = %broadcast_in_dim3A_770, %scan3A_1440 = %broadcast_in_dim3A_770, %scan3A_1441 = %broadcast_in_dim3A_770, %scan3A_1442 = %broadcast_in_dim3A_770) -> (vector<16xf32>, vector<16xf32>, vector<16xf32>, vector<16xf32>, vector<16xf32>, vector<16xf32>, vector<16xf32>, vector<16xf32>)  : i32 {
        %mul3A_1443 = arith.constant 4 : i32
        %mul3A_1444 = arith.muli %scan3A_1434, %mul3A_1443 : i32
        %add3A_1445 = arith.constant 0 : i32
        %add3A_1446 = arith.addi %mul3A_1444, %add3A_1445 : i32
        %get3A = arith.constant 0 : i32
        %get3A_1447 = arith.constant 0 : i32
        %get3A_1448 = tpu.memref_slice %arg6[%scan3A_771, %get3A, %get3A_1447] : memref<4x400x32xf32, #tpu.memory_space<vmem>> -> memref<1x100x32xf32, #tpu.memory_space<vmem>>
        %get3A_1449 = tpu.memref_squeeze %get3A_1448 : memref<1x100x32xf32, #tpu.memory_space<vmem>> -> memref<100x32xf32, #tpu.memory_space<vmem>>
        %get3A_1450 = arith.index_cast %add3A_1446 : i32 to index
        %get3A_1451 = arith.constant 0 : index
        %get3A_1452 = tpu.vector_load %get3A_1449[%get3A_1450, %get3A_1451] {strides = array<i32>} : memref<100x32xf32, #tpu.memory_space<vmem>>, vector<1x16xf32>,
        %get3A_1453 = vector.shape_cast %get3A_1452 : vector<1x16xf32> to vector<16xf32>
        %add3A_1454 = arith.addf %scan3A_1435, %get3A_1453 : vector<16xf32>
        %add3A_1455 = arith.constant 0 : i32
        %add3A_1456 = arith.addi %mul3A_1444, %add3A_1455 : i32
        %get3A_1457 = arith.constant 0 : i32
        %get3A_1458 = arith.constant 0 : i32
        %get3A_1459 = tpu.memref_slice %arg6[%scan3A_771, %get3A_1457, %get3A_1458] : memref<4x400x32xf32, #tpu.memory_space<vmem>> -> memref<1x100x32xf32, #tpu.memory_space<vmem>>
        %get3A_1460 = tpu.memref_squeeze %get3A_1459 : memref<1x100x32xf32, #tpu.memory_space<vmem>> -> memref<100x32xf32, #tpu.memory_space<vmem>>
        %get3A_1461 = arith.index_cast %add3A_1456 : i32 to index
        %get3A_1462 = arith.constant 16 : index
        %get3A_1463 = tpu.vector_load %get3A_1460[%get3A_1461, %get3A_1462] {strides = array<i32>} : memref<100x32xf32, #tpu.memory_space<vmem>>, vector<1x16xf32>,
        %get3A_1464 = vector.shape_cast %get3A_1463 : vector<1x16xf32> to vector<16xf32>
        %add3A_1465 = arith.addf %scan3A_1436, %get3A_1464 : vector<16xf32>
        %add3A_1466 = arith.constant 1 : i32
        %add3A_1467 = arith.addi %mul3A_1444, %add3A_1466 : i32
        %get3A_1468 = arith.constant 0 : i32
        %get3A_1469 = arith.constant 0 : i32
        %get3A_1470 = tpu.memref_slice %arg6[%scan3A_771, %get3A_1468, %get3A_1469] : memref<4x400x32xf32, #tpu.memory_space<vmem>> -> memref<1x100x32xf32, #tpu.memory_space<vmem>>
        %get3A_1471 = tpu.memref_squeeze %get3A_1470 : memref<1x100x32xf32, #tpu.memory_space<vmem>> -> memref<100x32xf32, #tpu.memory_space<vmem>>
        %get3A_1472 = arith.index_cast %add3A_1467 : i32 to index
        %get3A_1473 = arith.constant 0 : index
        %get3A_1474 = tpu.vector_load %get3A_1471[%get3A_1472, %get3A_1473] {strides = array<i32>} : memref<100x32xf32, #tpu.memory_space<vmem>>, vector<1x16xf32>,
        %get3A_1475 = vector.shape_cast %get3A_1474 : vector<1x16xf32> to vector<16xf32>
        %add3A_1476 = arith.addf %scan3A_1437, %get3A_1475 : vector<16xf32>
        %add3A_1477 = arith.constant 1 : i32
        %add3A_1478 = arith.addi %mul3A_1444, %add3A_1477 : i32
        %get3A_1479 = arith.constant 0 : i32
        %get3A_1480 = arith.constant 0 : i32
        %get3A_1481 = tpu.memref_slice %arg6[%scan3A_771, %get3A_1479, %get3A_1480] : memref<4x400x32xf32, #tpu.memory_space<vmem>> -> memref<1x100x32xf32, #tpu.memory_space<vmem>>
        %get3A_1482 = tpu.memref_squeeze %get3A_1481 : memref<1x100x32xf32, #tpu.memory_space<vmem>> -> memref<100x32xf32, #tpu.memory_space<vmem>>
        %get3A_1483 = arith.index_cast %add3A_1478 : i32 to index
        %get3A_1484 = arith.constant 16 : index
        %get3A_1485 = tpu.vector_load %get3A_1482[%get3A_1483, %get3A_1484] {strides = array<i32>} : memref<100x32xf32, #tpu.memory_space<vmem>>, vector<1x16xf32>,
        %get3A_1486 = vector.shape_cast %get3A_1485 : vector<1x16xf32> to vector<16xf32>
        %add3A_1487 = arith.addf %scan3A_1438, %get3A_1486 : vector<16xf32>
        %add3A_1488 = arith.constant 2 : i32
        %add3A_1489 = arith.addi %mul3A_1444, %add3A_1488 : i32
        %get3A_1490 = arith.constant 0 : i32
        %get3A_1491 = arith.constant 0 : i32
        %get3A_1492 = tpu.memref_slice %arg6[%scan3A_771, %get3A_1490, %get3A_1491] : memref<4x400x32xf32, #tpu.memory_space<vmem>> -> memref<1x100x32xf32, #tpu.memory_space<vmem>>
        %get3A_1493 = tpu.memref_squeeze %get3A_1492 : memref<1x100x32xf32, #tpu.memory_space<vmem>> -> memref<100x32xf32, #tpu.memory_space<vmem>>
        %get3A_1494 = arith.index_cast %add3A_1489 : i32 to index
        %get3A_1495 = arith.constant 0 : index
        %get3A_1496 = tpu.vector_load %get3A_1493[%get3A_1494, %get3A_1495] {strides = array<i32>} : memref<100x32xf32, #tpu.memory_space<vmem>>, vector<1x16xf32>,
        %get3A_1497 = vector.shape_cast %get3A_1496 : vector<1x16xf32> to vector<16xf32>
        %add3A_1498 = arith.addf %scan3A_1439, %get3A_1497 : vector<16xf32>
        %add3A_1499 = arith.constant 2 : i32
        %add3A_1500 = arith.addi %mul3A_1444, %add3A_1499 : i32
        %get3A_1501 = arith.constant 0 : i32
        %get3A_1502 = arith.constant 0 : i32
        %get3A_1503 = tpu.memref_slice %arg6[%scan3A_771, %get3A_1501, %get3A_1502] : memref<4x400x32xf32, #tpu.memory_space<vmem>> -> memref<1x100x32xf32, #tpu.memory_space<vmem>>
        %get3A_1504 = tpu.memref_squeeze %get3A_1503 : memref<1x100x32xf32, #tpu.memory_space<vmem>> -> memref<100x32xf32, #tpu.memory_space<vmem>>
        %get3A_1505 = arith.index_cast %add3A_1500 : i32 to index
        %get3A_1506 = arith.constant 16 : index
        %get3A_1507 = tpu.vector_load %get3A_1504[%get3A_1505, %get3A_1506] {strides = array<i32>} : memref<100x32xf32, #tpu.memory_space<vmem>>, vector<1x16xf32>,
        %get3A_1508 = vector.shape_cast %get3A_1507 : vector<1x16xf32> to vector<16xf32>
        %add3A_1509 = arith.addf %scan3A_1440, %get3A_1508 : vector<16xf32>
        %add3A_1510 = arith.constant 3 : i32
        %add3A_1511 = arith.addi %mul3A_1444, %add3A_1510 : i32
        %get3A_1512 = arith.constant 0 : i32
        %get3A_1513 = arith.constant 0 : i32
        %get3A_1514 = tpu.memref_slice %arg6[%scan3A_771, %get3A_1512, %get3A_1513] : memref<4x400x32xf32, #tpu.memory_space<vmem>> -> memref<1x100x32xf32, #tpu.memory_space<vmem>>
        %get3A_1515 = tpu.memref_squeeze %get3A_1514 : memref<1x100x32xf32, #tpu.memory_space<vmem>> -> memref<100x32xf32, #tpu.memory_space<vmem>>
        %get3A_1516 = arith.index_cast %add3A_1511 : i32 to index
        %get3A_1517 = arith.constant 0 : index
        %get3A_1518 = tpu.vector_load %get3A_1515[%get3A_1516, %get3A_1517] {strides = array<i32>} : memref<100x32xf32, #tpu.memory_space<vmem>>, vector<1x16xf32>,
        %get3A_1519 = vector.shape_cast %get3A_1518 : vector<1x16xf32> to vector<16xf32>
        %add3A_1520 = arith.addf %scan3A_1441, %get3A_1519 : vector<16xf32>
        %add3A_1521 = arith.constant 3 : i32
        %add3A_1522 = arith.addi %mul3A_1444, %add3A_1521 : i32
        %get3A_1523 = arith.constant 0 : i32
        %get3A_1524 = arith.constant 0 : i32
        %get3A_1525 = tpu.memref_slice %arg6[%scan3A_771, %get3A_1523, %get3A_1524] : memref<4x400x32xf32, #tpu.memory_space<vmem>> -> memref<1x100x32xf32, #tpu.memory_space<vmem>>
        %get3A_1526 = tpu.memref_squeeze %get3A_1525 : memref<1x100x32xf32, #tpu.memory_space<vmem>> -> memref<100x32xf32, #tpu.memory_space<vmem>>
        %get3A_1527 = arith.index_cast %add3A_1522 : i32 to index
        %get3A_1528 = arith.constant 16 : index
        %get3A_1529 = tpu.vector_load %get3A_1526[%get3A_1527, %get3A_1528] {strides = array<i32>} : memref<100x32xf32, #tpu.memory_space<vmem>>, vector<1x16xf32>,
        %get3A_1530 = vector.shape_cast %get3A_1529 : vector<1x16xf32> to vector<16xf32>
        %add3A_1531 = arith.addf %scan3A_1442, %get3A_1530 : vector<16xf32>
        scf.yield %add3A_1454, %add3A_1465, %add3A_1476, %add3A_1487, %add3A_1498, %add3A_1509, %add3A_1520, %add3A_1531 : vector<16xf32>, vector<16xf32>, vector<16xf32>, vector<16xf32>, vector<16xf32>, vector<16xf32>, vector<16xf32>, vector<16xf32>
      }
      %scan3A_777 = arith.constant 25 : i32
      %add3A_778 = arith.addf %scan3A_776#0, %scan3A_776#2 : vector<16xf32>
      %add3A_779 = arith.addf %scan3A_776#4, %scan3A_776#6 : vector<16xf32>
      %add3A_780 = arith.addf %add3A_778, %add3A_779 : vector<16xf32>
      %add3A_781 = arith.addf %scan3A_776#1, %scan3A_776#3 : vector<16xf32>
      %add3A_782 = arith.addf %scan3A_776#5, %scan3A_776#7 : vector<16xf32>
      %add3A_783 = arith.addf %add3A_781, %add3A_782 : vector<16xf32>
      %mul3A_784 = arith.constant 0.00999999977 : f32
      %mul3A_785 = vector.broadcast %mul3A_784 : f32 to vector<16xf32>
      %mul3A_786 = arith.mulf %add3A_780, %mul3A_785 : vector<16xf32>
      %mul3A_787 = arith.constant 0.00999999977 : f32
      %mul3A_788 = vector.broadcast %mul3A_787 : f32 to vector<16xf32>
      %mul3A_789 = arith.mulf %add3A_783, %mul3A_788 : vector<16xf32>
      %mul3A_790 = arith.constant 4 : i32
      %mul3A_791 = arith.muli %mul3A_790, %add3A_747 : i32
      %add3A_792 = arith.constant 0 : i32
      %add3A_793 = arith.addi %mul3A_791, %add3A_792 : i32
      %jit3A_794 = arith.constant 4 : i32
      %div3A_795 = arith.divsi %add3A_793, %jit3A_794 : i32
      %sign3A_796 = arith.constant 0 : i32
      %sign3A_797 = arith.cmpi sgt, %add3A_793, %sign3A_796 : i32
      %sign3A_798 = arith.extui %sign3A_797 : i1 to i32
      %sign3A_799 = arith.constant 0 : i32
      %sign3A_800 = arith.cmpi slt, %add3A_793, %sign3A_799 : i32
      %sign3A_801 = arith.extui %sign3A_800 : i1 to i32
      %sign3A_802 = arith.subi %sign3A_798, %sign3A_801 : i32
      %sign3A_803 = arith.constant 0 : i32
      %sign3A_804 = arith.cmpi sgt, %jit3A_794, %sign3A_803 : i32
      %sign3A_805 = arith.extui %sign3A_804 : i1 to i32
      %sign3A_806 = arith.constant 0 : i32
      %sign3A_807 = arith.cmpi slt, %jit3A_794, %sign3A_806 : i32
      %sign3A_808 = arith.extui %sign3A_807 : i1 to i32
      %sign3A_809 = arith.subi %sign3A_805, %sign3A_808 : i32
      %ne3A_810 = arith.cmpi ne, %sign3A_802, %sign3A_809 : i32
      %rem3A_811 = arith.remsi %add3A_793, %jit3A_794 : i32
      %ne3A_812 = arith.constant 0 : i32
      %ne3A_813 = arith.cmpi ne, %rem3A_811, %ne3A_812 : i32
      %and3A_814 = arith.andi %ne3A_810, %ne3A_813 : i1
      %sub3A_815 = arith.constant 1 : i32
      %sub3A_816 = arith.subi %div3A_795, %sub3A_815 : i32
      %select_n3A_817 = arith.select %and3A_814, %sub3A_816, %div3A_795 : i32
      %jit3A_818 = arith.constant 4 : i32
      %eq3A_819 = arith.constant 0 : i32
      %eq3A_820 = arith.cmpi eq, %jit3A_818, %eq3A_819 : i32
      %jit3A_821 = arith.constant 1 : i32
      %select_n3A_822 = arith.select %eq3A_820, %jit3A_821, %jit3A_818 : i32
      %rem3A_823 = arith.remsi %add3A_793, %select_n3A_822 : i32
      %ne3A_824 = arith.constant 0 : i32
      %ne3A_825 = arith.cmpi ne, %rem3A_823, %ne3A_824 : i32
      %lt3A_826 = arith.constant 0 : i32
      %lt3A_827 = arith.cmpi slt, %rem3A_823, %lt3A_826 : i32
      %lt3A_828 = arith.constant 0 : i32
      %lt3A_829 = arith.cmpi slt, %select_n3A_822, %lt3A_828 : i32
      %ne3A_830 = arith.xori %lt3A_827, %lt3A_829 : i1
      %and3A_831 = arith.andi %ne3A_830, %ne3A_825 : i1
      %add3A_832 = arith.addi %rem3A_823, %select_n3A_822 : i32
      %select_n3A_833 = arith.select %and3A_831, %add3A_832, %rem3A_823 : i32
      %mul3A_834 = arith.constant 32 : i32
      %mul3A_835 = arith.muli %select_n3A_833, %mul3A_834 : i32
      %multiple_of3A_836 = tpu.assume_multiple %mul3A_835, 32 : i32
      %swap3A_837 = arith.index_cast %select_n3A_817 : i32 to index
      %swap3A_838 = arith.index_cast %multiple_of3A_836 : i32 to index
      %swap3A_839 = tpu.vector_load %arg7[%swap3A_837, %swap3A_838] {strides = array<i32>} : memref<128x128xf32, #tpu.memory_space<vmem>>, vector<1x16xf32>,
      %swap3A_840 = vector.shape_cast %swap3A_839 : vector<1x16xf32> to vector<16xf32>
      %swap3A_841 = vector.shape_cast %mul3A_786 : vector<16xf32> to vector<1x16xf32>
      tpu.vector_store %arg7[%swap3A_837, %swap3A_838], %swap3A_841 {strides = array<i32>} : memref<128x128xf32, #tpu.memory_space<vmem>>, vector<1x16xf32>,
      %add3A_842 = arith.constant 16 : i32
      %add3A_843 = arith.addi %multiple_of3A_836, %add3A_842 : i32
      %swap3A_844 = arith.index_cast %select_n3A_817 : i32 to index
      %swap3A_845 = arith.index_cast %add3A_843 : i32 to index
      %swap3A_846 = tpu.vector_load %arg7[%swap3A_844, %swap3A_845] {strides = array<i32>} : memref<128x128xf32, #tpu.memory_space<vmem>>, vector<1x16xf32>,
      %swap3A_847 = vector.shape_cast %swap3A_846 : vector<1x16xf32> to vector<16xf32>
      %swap3A_848 = vector.shape_cast %mul3A_789 : vector<16xf32> to vector<1x16xf32>
      tpu.vector_store %arg7[%swap3A_844, %swap3A_845], %swap3A_848 {strides = array<i32>} : memref<128x128xf32, #tpu.memory_space<vmem>>, vector<1x16xf32>,
      %broadcast_in_dim3A_849 = arith.constant 0.000000e+00 : f32
      %broadcast_in_dim3A_850 = vector.broadcast %broadcast_in_dim3A_849 : f32 to vector<16xf32>
      %scan3A_851 = arith.constant 2 : i32
      %scan3A_852 = arith.constant 0 : i32
      %scan3A_853 = arith.constant 25 : i32
      %scan3A_854 = arith.addi %scan3A_852, %scan3A_853 : i32
      %scan3A_855 = arith.constant 1 : i32
      %scan3A_856:8 = scf.for %scan3A_1434 = %scan3A_852 to %scan3A_854 step %scan3A_855 iter_args(%scan3A_1435 = %broadcast_in_dim3A_850, %scan3A_1436 = %broadcast_in_dim3A_850, %scan3A_1437 = %broadcast_in_dim3A_850, %scan3A_1438 = %broadcast_in_dim3A_850, %scan3A_1439 = %broadcast_in_dim3A_850, %scan3A_1440 = %broadcast_in_dim3A_850, %scan3A_1441 = %broadcast_in_dim3A_850, %scan3A_1442 = %broadcast_in_dim3A_850) -> (vector<16xf32>, vector<16xf32>, vector<16xf32>, vector<16xf32>, vector<16xf32>, vector<16xf32>, vector<16xf32>, vector<16xf32>)  : i32 {
        %mul3A_1443 = arith.constant 4 : i32
        %mul3A_1444 = arith.muli %scan3A_1434, %mul3A_1443 : i32
        %add3A_1445 = arith.constant 0 : i32
        %add3A_1446 = arith.addi %mul3A_1444, %add3A_1445 : i32
        %get3A = arith.constant 100 : i32
        %get3A_1447 = arith.constant 0 : i32
        %get3A_1448 = tpu.memref_slice %arg6[%scan3A_851, %get3A, %get3A_1447] : memref<4x400x32xf32, #tpu.memory_space<vmem>> -> memref<1x100x32xf32, #tpu.memory_space<vmem>>
        %get3A_1449 = tpu.memref_squeeze %get3A_1448 : memref<1x100x32xf32, #tpu.memory_space<vmem>> -> memref<100x32xf32, #tpu.memory_space<vmem>>
        %get3A_1450 = arith.index_cast %add3A_1446 : i32 to index
        %get3A_1451 = arith.constant 0 : index
        %get3A_1452 = tpu.vector_load %get3A_1449[%get3A_1450, %get3A_1451] {strides = array<i32>} : memref<100x32xf32, #tpu.memory_space<vmem>>, vector<1x16xf32>,
        %get3A_1453 = vector.shape_cast %get3A_1452 : vector<1x16xf32> to vector<16xf32>
        %add3A_1454 = arith.addf %scan3A_1435, %get3A_1453 : vector<16xf32>
        %add3A_1455 = arith.constant 0 : i32
        %add3A_1456 = arith.addi %mul3A_1444, %add3A_1455 : i32
        %get3A_1457 = arith.constant 100 : i32
        %get3A_1458 = arith.constant 0 : i32
        %get3A_1459 = tpu.memref_slice %arg6[%scan3A_851, %get3A_1457, %get3A_1458] : memref<4x400x32xf32, #tpu.memory_space<vmem>> -> memref<1x100x32xf32, #tpu.memory_space<vmem>>
        %get3A_1460 = tpu.memref_squeeze %get3A_1459 : memref<1x100x32xf32, #tpu.memory_space<vmem>> -> memref<100x32xf32, #tpu.memory_space<vmem>>
        %get3A_1461 = arith.index_cast %add3A_1456 : i32 to index
        %get3A_1462 = arith.constant 16 : index
        %get3A_1463 = tpu.vector_load %get3A_1460[%get3A_1461, %get3A_1462] {strides = array<i32>} : memref<100x32xf32, #tpu.memory_space<vmem>>, vector<1x16xf32>,
        %get3A_1464 = vector.shape_cast %get3A_1463 : vector<1x16xf32> to vector<16xf32>
        %add3A_1465 = arith.addf %scan3A_1436, %get3A_1464 : vector<16xf32>
        %add3A_1466 = arith.constant 1 : i32
        %add3A_1467 = arith.addi %mul3A_1444, %add3A_1466 : i32
        %get3A_1468 = arith.constant 100 : i32
        %get3A_1469 = arith.constant 0 : i32
        %get3A_1470 = tpu.memref_slice %arg6[%scan3A_851, %get3A_1468, %get3A_1469] : memref<4x400x32xf32, #tpu.memory_space<vmem>> -> memref<1x100x32xf32, #tpu.memory_space<vmem>>
        %get3A_1471 = tpu.memref_squeeze %get3A_1470 : memref<1x100x32xf32, #tpu.memory_space<vmem>> -> memref<100x32xf32, #tpu.memory_space<vmem>>
        %get3A_1472 = arith.index_cast %add3A_1467 : i32 to index
        %get3A_1473 = arith.constant 0 : index
        %get3A_1474 = tpu.vector_load %get3A_1471[%get3A_1472, %get3A_1473] {strides = array<i32>} : memref<100x32xf32, #tpu.memory_space<vmem>>, vector<1x16xf32>,
        %get3A_1475 = vector.shape_cast %get3A_1474 : vector<1x16xf32> to vector<16xf32>
        %add3A_1476 = arith.addf %scan3A_1437, %get3A_1475 : vector<16xf32>
        %add3A_1477 = arith.constant 1 : i32
        %add3A_1478 = arith.addi %mul3A_1444, %add3A_1477 : i32
        %get3A_1479 = arith.constant 100 : i32
        %get3A_1480 = arith.constant 0 : i32
        %get3A_1481 = tpu.memref_slice %arg6[%scan3A_851, %get3A_1479, %get3A_1480] : memref<4x400x32xf32, #tpu.memory_space<vmem>> -> memref<1x100x32xf32, #tpu.memory_space<vmem>>
        %get3A_1482 = tpu.memref_squeeze %get3A_1481 : memref<1x100x32xf32, #tpu.memory_space<vmem>> -> memref<100x32xf32, #tpu.memory_space<vmem>>
        %get3A_1483 = arith.index_cast %add3A_1478 : i32 to index
        %get3A_1484 = arith.constant 16 : index
        %get3A_1485 = tpu.vector_load %get3A_1482[%get3A_1483, %get3A_1484] {strides = array<i32>} : memref<100x32xf32, #tpu.memory_space<vmem>>, vector<1x16xf32>,
        %get3A_1486 = vector.shape_cast %get3A_1485 : vector<1x16xf32> to vector<16xf32>
        %add3A_1487 = arith.addf %scan3A_1438, %get3A_1486 : vector<16xf32>
        %add3A_1488 = arith.constant 2 : i32
        %add3A_1489 = arith.addi %mul3A_1444, %add3A_1488 : i32
        %get3A_1490 = arith.constant 100 : i32
        %get3A_1491 = arith.constant 0 : i32
        %get3A_1492 = tpu.memref_slice %arg6[%scan3A_851, %get3A_1490, %get3A_1491] : memref<4x400x32xf32, #tpu.memory_space<vmem>> -> memref<1x100x32xf32, #tpu.memory_space<vmem>>
        %get3A_1493 = tpu.memref_squeeze %get3A_1492 : memref<1x100x32xf32, #tpu.memory_space<vmem>> -> memref<100x32xf32, #tpu.memory_space<vmem>>
        %get3A_1494 = arith.index_cast %add3A_1489 : i32 to index
        %get3A_1495 = arith.constant 0 : index
        %get3A_1496 = tpu.vector_load %get3A_1493[%get3A_1494, %get3A_1495] {strides = array<i32>} : memref<100x32xf32, #tpu.memory_space<vmem>>, vector<1x16xf32>,
        %get3A_1497 = vector.shape_cast %get3A_1496 : vector<1x16xf32> to vector<16xf32>
        %add3A_1498 = arith.addf %scan3A_1439, %get3A_1497 : vector<16xf32>
        %add3A_1499 = arith.constant 2 : i32
        %add3A_1500 = arith.addi %mul3A_1444, %add3A_1499 : i32
        %get3A_1501 = arith.constant 100 : i32
        %get3A_1502 = arith.constant 0 : i32
        %get3A_1503 = tpu.memref_slice %arg6[%scan3A_851, %get3A_1501, %get3A_1502] : memref<4x400x32xf32, #tpu.memory_space<vmem>> -> memref<1x100x32xf32, #tpu.memory_space<vmem>>
        %get3A_1504 = tpu.memref_squeeze %get3A_1503 : memref<1x100x32xf32, #tpu.memory_space<vmem>> -> memref<100x32xf32, #tpu.memory_space<vmem>>
        %get3A_1505 = arith.index_cast %add3A_1500 : i32 to index
        %get3A_1506 = arith.constant 16 : index
        %get3A_1507 = tpu.vector_load %get3A_1504[%get3A_1505, %get3A_1506] {strides = array<i32>} : memref<100x32xf32, #tpu.memory_space<vmem>>, vector<1x16xf32>,
        %get3A_1508 = vector.shape_cast %get3A_1507 : vector<1x16xf32> to vector<16xf32>
        %add3A_1509 = arith.addf %scan3A_1440, %get3A_1508 : vector<16xf32>
        %add3A_1510 = arith.constant 3 : i32
        %add3A_1511 = arith.addi %mul3A_1444, %add3A_1510 : i32
        %get3A_1512 = arith.constant 100 : i32
        %get3A_1513 = arith.constant 0 : i32
        %get3A_1514 = tpu.memref_slice %arg6[%scan3A_851, %get3A_1512, %get3A_1513] : memref<4x400x32xf32, #tpu.memory_space<vmem>> -> memref<1x100x32xf32, #tpu.memory_space<vmem>>
        %get3A_1515 = tpu.memref_squeeze %get3A_1514 : memref<1x100x32xf32, #tpu.memory_space<vmem>> -> memref<100x32xf32, #tpu.memory_space<vmem>>
        %get3A_1516 = arith.index_cast %add3A_1511 : i32 to index
        %get3A_1517 = arith.constant 0 : index
        %get3A_1518 = tpu.vector_load %get3A_1515[%get3A_1516, %get3A_1517] {strides = array<i32>} : memref<100x32xf32, #tpu.memory_space<vmem>>, vector<1x16xf32>,
        %get3A_1519 = vector.shape_cast %get3A_1518 : vector<1x16xf32> to vector<16xf32>
        %add3A_1520 = arith.addf %scan3A_1441, %get3A_1519 : vector<16xf32>
        %add3A_1521 = arith.constant 3 : i32
        %add3A_1522 = arith.addi %mul3A_1444, %add3A_1521 : i32
        %get3A_1523 = arith.constant 100 : i32
        %get3A_1524 = arith.constant 0 : i32
        %get3A_1525 = tpu.memref_slice %arg6[%scan3A_851, %get3A_1523, %get3A_1524] : memref<4x400x32xf32, #tpu.memory_space<vmem>> -> memref<1x100x32xf32, #tpu.memory_space<vmem>>
        %get3A_1526 = tpu.memref_squeeze %get3A_1525 : memref<1x100x32xf32, #tpu.memory_space<vmem>> -> memref<100x32xf32, #tpu.memory_space<vmem>>
        %get3A_1527 = arith.index_cast %add3A_1522 : i32 to index
        %get3A_1528 = arith.constant 16 : index
        %get3A_1529 = tpu.vector_load %get3A_1526[%get3A_1527, %get3A_1528] {strides = array<i32>} : memref<100x32xf32, #tpu.memory_space<vmem>>, vector<1x16xf32>,
        %get3A_1530 = vector.shape_cast %get3A_1529 : vector<1x16xf32> to vector<16xf32>
        %add3A_1531 = arith.addf %scan3A_1442, %get3A_1530 : vector<16xf32>
        scf.yield %add3A_1454, %add3A_1465, %add3A_1476, %add3A_1487, %add3A_1498, %add3A_1509, %add3A_1520, %add3A_1531 : vector<16xf32>, vector<16xf32>, vector<16xf32>, vector<16xf32>, vector<16xf32>, vector<16xf32>, vector<16xf32>, vector<16xf32>
      }
      %scan3A_857 = arith.constant 25 : i32
      %add3A_858 = arith.addf %scan3A_856#0, %scan3A_856#2 : vector<16xf32>
      %add3A_859 = arith.addf %scan3A_856#4, %scan3A_856#6 : vector<16xf32>
      %add3A_860 = arith.addf %add3A_858, %add3A_859 : vector<16xf32>
      %add3A_861 = arith.addf %scan3A_856#1, %scan3A_856#3 : vector<16xf32>
      %add3A_862 = arith.addf %scan3A_856#5, %scan3A_856#7 : vector<16xf32>
      %add3A_863 = arith.addf %add3A_861, %add3A_862 : vector<16xf32>
      %mul3A_864 = arith.constant 0.00999999977 : f32
      %mul3A_865 = vector.broadcast %mul3A_864 : f32 to vector<16xf32>
      %mul3A_866 = arith.mulf %add3A_860, %mul3A_865 : vector<16xf32>
      %mul3A_867 = arith.constant 0.00999999977 : f32
      %mul3A_868 = vector.broadcast %mul3A_867 : f32 to vector<16xf32>
      %mul3A_869 = arith.mulf %add3A_863, %mul3A_868 : vector<16xf32>
      %mul3A_870 = arith.constant 4 : i32
      %mul3A_871 = arith.muli %mul3A_870, %add3A_747 : i32
      %add3A_872 = arith.constant 1 : i32
      %add3A_873 = arith.addi %mul3A_871, %add3A_872 : i32
      %jit3A_874 = arith.constant 4 : i32
      %div3A_875 = arith.divsi %add3A_873, %jit3A_874 : i32
      %sign3A_876 = arith.constant 0 : i32
      %sign3A_877 = arith.cmpi sgt, %add3A_873, %sign3A_876 : i32
      %sign3A_878 = arith.extui %sign3A_877 : i1 to i32
      %sign3A_879 = arith.constant 0 : i32
      %sign3A_880 = arith.cmpi slt, %add3A_873, %sign3A_879 : i32
      %sign3A_881 = arith.extui %sign3A_880 : i1 to i32
      %sign3A_882 = arith.subi %sign3A_878, %sign3A_881 : i32
      %sign3A_883 = arith.constant 0 : i32
      %sign3A_884 = arith.cmpi sgt, %jit3A_874, %sign3A_883 : i32
      %sign3A_885 = arith.extui %sign3A_884 : i1 to i32
      %sign3A_886 = arith.constant 0 : i32
      %sign3A_887 = arith.cmpi slt, %jit3A_874, %sign3A_886 : i32
      %sign3A_888 = arith.extui %sign3A_887 : i1 to i32
      %sign3A_889 = arith.subi %sign3A_885, %sign3A_888 : i32
      %ne3A_890 = arith.cmpi ne, %sign3A_882, %sign3A_889 : i32
      %rem3A_891 = arith.remsi %add3A_873, %jit3A_874 : i32
      %ne3A_892 = arith.constant 0 : i32
      %ne3A_893 = arith.cmpi ne, %rem3A_891, %ne3A_892 : i32
      %and3A_894 = arith.andi %ne3A_890, %ne3A_893 : i1
      %sub3A_895 = arith.constant 1 : i32
      %sub3A_896 = arith.subi %div3A_875, %sub3A_895 : i32
      %select_n3A_897 = arith.select %and3A_894, %sub3A_896, %div3A_875 : i32
      %jit3A_898 = arith.constant 4 : i32
      %eq3A_899 = arith.constant 0 : i32
      %eq3A_900 = arith.cmpi eq, %jit3A_898, %eq3A_899 : i32
      %jit3A_901 = arith.constant 1 : i32
      %select_n3A_902 = arith.select %eq3A_900, %jit3A_901, %jit3A_898 : i32
      %rem3A_903 = arith.remsi %add3A_873, %select_n3A_902 : i32
      %ne3A_904 = arith.constant 0 : i32
      %ne3A_905 = arith.cmpi ne, %rem3A_903, %ne3A_904 : i32
      %lt3A_906 = arith.constant 0 : i32
      %lt3A_907 = arith.cmpi slt, %rem3A_903, %lt3A_906 : i32
      %lt3A_908 = arith.constant 0 : i32
      %lt3A_909 = arith.cmpi slt, %select_n3A_902, %lt3A_908 : i32
      %ne3A_910 = arith.xori %lt3A_907, %lt3A_909 : i1
      %and3A_911 = arith.andi %ne3A_910, %ne3A_905 : i1
      %add3A_912 = arith.addi %rem3A_903, %select_n3A_902 : i32
      %select_n3A_913 = arith.select %and3A_911, %add3A_912, %rem3A_903 : i32
      %mul3A_914 = arith.constant 32 : i32
      %mul3A_915 = arith.muli %select_n3A_913, %mul3A_914 : i32
      %multiple_of3A_916 = tpu.assume_multiple %mul3A_915, 32 : i32
      %swap3A_917 = arith.index_cast %select_n3A_897 : i32 to index
      %swap3A_918 = arith.index_cast %multiple_of3A_916 : i32 to index
      %swap3A_919 = tpu.vector_load %arg7[%swap3A_917, %swap3A_918] {strides = array<i32>} : memref<128x128xf32, #tpu.memory_space<vmem>>, vector<1x16xf32>,
      %swap3A_920 = vector.shape_cast %swap3A_919 : vector<1x16xf32> to vector<16xf32>
      %swap3A_921 = vector.shape_cast %mul3A_866 : vector<16xf32> to vector<1x16xf32>
      tpu.vector_store %arg7[%swap3A_917, %swap3A_918], %swap3A_921 {strides = array<i32>} : memref<128x128xf32, #tpu.memory_space<vmem>>, vector<1x16xf32>,
      %add3A_922 = arith.constant 16 : i32
      %add3A_923 = arith.addi %multiple_of3A_916, %add3A_922 : i32
      %swap3A_924 = arith.index_cast %select_n3A_897 : i32 to index
      %swap3A_925 = arith.index_cast %add3A_923 : i32 to index
      %swap3A_926 = tpu.vector_load %arg7[%swap3A_924, %swap3A_925] {strides = array<i32>} : memref<128x128xf32, #tpu.memory_space<vmem>>, vector<1x16xf32>,
      %swap3A_927 = vector.shape_cast %swap3A_926 : vector<1x16xf32> to vector<16xf32>
      %swap3A_928 = vector.shape_cast %mul3A_869 : vector<16xf32> to vector<1x16xf32>
      tpu.vector_store %arg7[%swap3A_924, %swap3A_925], %swap3A_928 {strides = array<i32>} : memref<128x128xf32, #tpu.memory_space<vmem>>, vector<1x16xf32>,
      %broadcast_in_dim3A_929 = arith.constant 0.000000e+00 : f32
      %broadcast_in_dim3A_930 = vector.broadcast %broadcast_in_dim3A_929 : f32 to vector<16xf32>
      %scan3A_931 = arith.constant 2 : i32
      %scan3A_932 = arith.constant 0 : i32
      %scan3A_933 = arith.constant 25 : i32
      %scan3A_934 = arith.addi %scan3A_932, %scan3A_933 : i32
      %scan3A_935 = arith.constant 1 : i32
      %scan3A_936:8 = scf.for %scan3A_1434 = %scan3A_932 to %scan3A_934 step %scan3A_935 iter_args(%scan3A_1435 = %broadcast_in_dim3A_930, %scan3A_1436 = %broadcast_in_dim3A_930, %scan3A_1437 = %broadcast_in_dim3A_930, %scan3A_1438 = %broadcast_in_dim3A_930, %scan3A_1439 = %broadcast_in_dim3A_930, %scan3A_1440 = %broadcast_in_dim3A_930, %scan3A_1441 = %broadcast_in_dim3A_930, %scan3A_1442 = %broadcast_in_dim3A_930) -> (vector<16xf32>, vector<16xf32>, vector<16xf32>, vector<16xf32>, vector<16xf32>, vector<16xf32>, vector<16xf32>, vector<16xf32>)  : i32 {
        %mul3A_1443 = arith.constant 4 : i32
        %mul3A_1444 = arith.muli %scan3A_1434, %mul3A_1443 : i32
        %add3A_1445 = arith.constant 0 : i32
        %add3A_1446 = arith.addi %mul3A_1444, %add3A_1445 : i32
        %get3A = arith.constant 200 : i32
        %get3A_1447 = arith.constant 0 : i32
        %get3A_1448 = tpu.memref_slice %arg6[%scan3A_931, %get3A, %get3A_1447] : memref<4x400x32xf32, #tpu.memory_space<vmem>> -> memref<1x100x32xf32, #tpu.memory_space<vmem>>
        %get3A_1449 = tpu.memref_squeeze %get3A_1448 : memref<1x100x32xf32, #tpu.memory_space<vmem>> -> memref<100x32xf32, #tpu.memory_space<vmem>>
        %get3A_1450 = arith.index_cast %add3A_1446 : i32 to index
        %get3A_1451 = arith.constant 0 : index
        %get3A_1452 = tpu.vector_load %get3A_1449[%get3A_1450, %get3A_1451] {strides = array<i32>} : memref<100x32xf32, #tpu.memory_space<vmem>>, vector<1x16xf32>,
        %get3A_1453 = vector.shape_cast %get3A_1452 : vector<1x16xf32> to vector<16xf32>
        %add3A_1454 = arith.addf %scan3A_1435, %get3A_1453 : vector<16xf32>
        %add3A_1455 = arith.constant 0 : i32
        %add3A_1456 = arith.addi %mul3A_1444, %add3A_1455 : i32
        %get3A_1457 = arith.constant 200 : i32
        %get3A_1458 = arith.constant 0 : i32
        %get3A_1459 = tpu.memref_slice %arg6[%scan3A_931, %get3A_1457, %get3A_1458] : memref<4x400x32xf32, #tpu.memory_space<vmem>> -> memref<1x100x32xf32, #tpu.memory_space<vmem>>
        %get3A_1460 = tpu.memref_squeeze %get3A_1459 : memref<1x100x32xf32, #tpu.memory_space<vmem>> -> memref<100x32xf32, #tpu.memory_space<vmem>>
        %get3A_1461 = arith.index_cast %add3A_1456 : i32 to index
        %get3A_1462 = arith.constant 16 : index
        %get3A_1463 = tpu.vector_load %get3A_1460[%get3A_1461, %get3A_1462] {strides = array<i32>} : memref<100x32xf32, #tpu.memory_space<vmem>>, vector<1x16xf32>,
        %get3A_1464 = vector.shape_cast %get3A_1463 : vector<1x16xf32> to vector<16xf32>
        %add3A_1465 = arith.addf %scan3A_1436, %get3A_1464 : vector<16xf32>
        %add3A_1466 = arith.constant 1 : i32
        %add3A_1467 = arith.addi %mul3A_1444, %add3A_1466 : i32
        %get3A_1468 = arith.constant 200 : i32
        %get3A_1469 = arith.constant 0 : i32
        %get3A_1470 = tpu.memref_slice %arg6[%scan3A_931, %get3A_1468, %get3A_1469] : memref<4x400x32xf32, #tpu.memory_space<vmem>> -> memref<1x100x32xf32, #tpu.memory_space<vmem>>
        %get3A_1471 = tpu.memref_squeeze %get3A_1470 : memref<1x100x32xf32, #tpu.memory_space<vmem>> -> memref<100x32xf32, #tpu.memory_space<vmem>>
        %get3A_1472 = arith.index_cast %add3A_1467 : i32 to index
        %get3A_1473 = arith.constant 0 : index
        %get3A_1474 = tpu.vector_load %get3A_1471[%get3A_1472, %get3A_1473] {strides = array<i32>} : memref<100x32xf32, #tpu.memory_space<vmem>>, vector<1x16xf32>,
        %get3A_1475 = vector.shape_cast %get3A_1474 : vector<1x16xf32> to vector<16xf32>
        %add3A_1476 = arith.addf %scan3A_1437, %get3A_1475 : vector<16xf32>
        %add3A_1477 = arith.constant 1 : i32
        %add3A_1478 = arith.addi %mul3A_1444, %add3A_1477 : i32
        %get3A_1479 = arith.constant 200 : i32
        %get3A_1480 = arith.constant 0 : i32
        %get3A_1481 = tpu.memref_slice %arg6[%scan3A_931, %get3A_1479, %get3A_1480] : memref<4x400x32xf32, #tpu.memory_space<vmem>> -> memref<1x100x32xf32, #tpu.memory_space<vmem>>
        %get3A_1482 = tpu.memref_squeeze %get3A_1481 : memref<1x100x32xf32, #tpu.memory_space<vmem>> -> memref<100x32xf32, #tpu.memory_space<vmem>>
        %get3A_1483 = arith.index_cast %add3A_1478 : i32 to index
        %get3A_1484 = arith.constant 16 : index
        %get3A_1485 = tpu.vector_load %get3A_1482[%get3A_1483, %get3A_1484] {strides = array<i32>} : memref<100x32xf32, #tpu.memory_space<vmem>>, vector<1x16xf32>,
        %get3A_1486 = vector.shape_cast %get3A_1485 : vector<1x16xf32> to vector<16xf32>
        %add3A_1487 = arith.addf %scan3A_1438, %get3A_1486 : vector<16xf32>
        %add3A_1488 = arith.constant 2 : i32
        %add3A_1489 = arith.addi %mul3A_1444, %add3A_1488 : i32
        %get3A_1490 = arith.constant 200 : i32
        %get3A_1491 = arith.constant 0 : i32
        %get3A_1492 = tpu.memref_slice %arg6[%scan3A_931, %get3A_1490, %get3A_1491] : memref<4x400x32xf32, #tpu.memory_space<vmem>> -> memref<1x100x32xf32, #tpu.memory_space<vmem>>
        %get3A_1493 = tpu.memref_squeeze %get3A_1492 : memref<1x100x32xf32, #tpu.memory_space<vmem>> -> memref<100x32xf32, #tpu.memory_space<vmem>>
        %get3A_1494 = arith.index_cast %add3A_1489 : i32 to index
        %get3A_1495 = arith.constant 0 : index
        %get3A_1496 = tpu.vector_load %get3A_1493[%get3A_1494, %get3A_1495] {strides = array<i32>} : memref<100x32xf32, #tpu.memory_space<vmem>>, vector<1x16xf32>,
        %get3A_1497 = vector.shape_cast %get3A_1496 : vector<1x16xf32> to vector<16xf32>
        %add3A_1498 = arith.addf %scan3A_1439, %get3A_1497 : vector<16xf32>
        %add3A_1499 = arith.constant 2 : i32
        %add3A_1500 = arith.addi %mul3A_1444, %add3A_1499 : i32
        %get3A_1501 = arith.constant 200 : i32
        %get3A_1502 = arith.constant 0 : i32
        %get3A_1503 = tpu.memref_slice %arg6[%scan3A_931, %get3A_1501, %get3A_1502] : memref<4x400x32xf32, #tpu.memory_space<vmem>> -> memref<1x100x32xf32, #tpu.memory_space<vmem>>
        %get3A_1504 = tpu.memref_squeeze %get3A_1503 : memref<1x100x32xf32, #tpu.memory_space<vmem>> -> memref<100x32xf32, #tpu.memory_space<vmem>>
        %get3A_1505 = arith.index_cast %add3A_1500 : i32 to index
        %get3A_1506 = arith.constant 16 : index
        %get3A_1507 = tpu.vector_load %get3A_1504[%get3A_1505, %get3A_1506] {strides = array<i32>} : memref<100x32xf32, #tpu.memory_space<vmem>>, vector<1x16xf32>,
        %get3A_1508 = vector.shape_cast %get3A_1507 : vector<1x16xf32> to vector<16xf32>
        %add3A_1509 = arith.addf %scan3A_1440, %get3A_1508 : vector<16xf32>
        %add3A_1510 = arith.constant 3 : i32
        %add3A_1511 = arith.addi %mul3A_1444, %add3A_1510 : i32
        %get3A_1512 = arith.constant 200 : i32
        %get3A_1513 = arith.constant 0 : i32
        %get3A_1514 = tpu.memref_slice %arg6[%scan3A_931, %get3A_1512, %get3A_1513] : memref<4x400x32xf32, #tpu.memory_space<vmem>> -> memref<1x100x32xf32, #tpu.memory_space<vmem>>
        %get3A_1515 = tpu.memref_squeeze %get3A_1514 : memref<1x100x32xf32, #tpu.memory_space<vmem>> -> memref<100x32xf32, #tpu.memory_space<vmem>>
        %get3A_1516 = arith.index_cast %add3A_1511 : i32 to index
        %get3A_1517 = arith.constant 0 : index
        %get3A_1518 = tpu.vector_load %get3A_1515[%get3A_1516, %get3A_1517] {strides = array<i32>} : memref<100x32xf32, #tpu.memory_space<vmem>>, vector<1x16xf32>,
        %get3A_1519 = vector.shape_cast %get3A_1518 : vector<1x16xf32> to vector<16xf32>
        %add3A_1520 = arith.addf %scan3A_1441, %get3A_1519 : vector<16xf32>
        %add3A_1521 = arith.constant 3 : i32
        %add3A_1522 = arith.addi %mul3A_1444, %add3A_1521 : i32
        %get3A_1523 = arith.constant 200 : i32
        %get3A_1524 = arith.constant 0 : i32
        %get3A_1525 = tpu.memref_slice %arg6[%scan3A_931, %get3A_1523, %get3A_1524] : memref<4x400x32xf32, #tpu.memory_space<vmem>> -> memref<1x100x32xf32, #tpu.memory_space<vmem>>
        %get3A_1526 = tpu.memref_squeeze %get3A_1525 : memref<1x100x32xf32, #tpu.memory_space<vmem>> -> memref<100x32xf32, #tpu.memory_space<vmem>>
        %get3A_1527 = arith.index_cast %add3A_1522 : i32 to index
        %get3A_1528 = arith.constant 16 : index
        %get3A_1529 = tpu.vector_load %get3A_1526[%get3A_1527, %get3A_1528] {strides = array<i32>} : memref<100x32xf32, #tpu.memory_space<vmem>>, vector<1x16xf32>,
        %get3A_1530 = vector.shape_cast %get3A_1529 : vector<1x16xf32> to vector<16xf32>
        %add3A_1531 = arith.addf %scan3A_1442, %get3A_1530 : vector<16xf32>
        scf.yield %add3A_1454, %add3A_1465, %add3A_1476, %add3A_1487, %add3A_1498, %add3A_1509, %add3A_1520, %add3A_1531 : vector<16xf32>, vector<16xf32>, vector<16xf32>, vector<16xf32>, vector<16xf32>, vector<16xf32>, vector<16xf32>, vector<16xf32>
      }
      %scan3A_937 = arith.constant 25 : i32
      %add3A_938 = arith.addf %scan3A_936#0, %scan3A_936#2 : vector<16xf32>
      %add3A_939 = arith.addf %scan3A_936#4, %scan3A_936#6 : vector<16xf32>
      %add3A_940 = arith.addf %add3A_938, %add3A_939 : vector<16xf32>
      %add3A_941 = arith.addf %scan3A_936#1, %scan3A_936#3 : vector<16xf32>
      %add3A_942 = arith.addf %scan3A_936#5, %scan3A_936#7 : vector<16xf32>
      %add3A_943 = arith.addf %add3A_941, %add3A_942 : vector<16xf32>
      %mul3A_944 = arith.constant 0.00999999977 : f32
      %mul3A_945 = vector.broadcast %mul3A_944 : f32 to vector<16xf32>
      %mul3A_946 = arith.mulf %add3A_940, %mul3A_945 : vector<16xf32>
      %mul3A_947 = arith.constant 0.00999999977 : f32
      %mul3A_948 = vector.broadcast %mul3A_947 : f32 to vector<16xf32>
      %mul3A_949 = arith.mulf %add3A_943, %mul3A_948 : vector<16xf32>
      %mul3A_950 = arith.constant 4 : i32
      %mul3A_951 = arith.muli %mul3A_950, %add3A_747 : i32
      %add3A_952 = arith.constant 2 : i32
      %add3A_953 = arith.addi %mul3A_951, %add3A_952 : i32
      %jit3A_954 = arith.constant 4 : i32
      %div3A_955 = arith.divsi %add3A_953, %jit3A_954 : i32
      %sign3A_956 = arith.constant 0 : i32
      %sign3A_957 = arith.cmpi sgt, %add3A_953, %sign3A_956 : i32
      %sign3A_958 = arith.extui %sign3A_957 : i1 to i32
      %sign3A_959 = arith.constant 0 : i32
      %sign3A_960 = arith.cmpi slt, %add3A_953, %sign3A_959 : i32
      %sign3A_961 = arith.extui %sign3A_960 : i1 to i32
      %sign3A_962 = arith.subi %sign3A_958, %sign3A_961 : i32
      %sign3A_963 = arith.constant 0 : i32
      %sign3A_964 = arith.cmpi sgt, %jit3A_954, %sign3A_963 : i32
      %sign3A_965 = arith.extui %sign3A_964 : i1 to i32
      %sign3A_966 = arith.constant 0 : i32
      %sign3A_967 = arith.cmpi slt, %jit3A_954, %sign3A_966 : i32
      %sign3A_968 = arith.extui %sign3A_967 : i1 to i32
      %sign3A_969 = arith.subi %sign3A_965, %sign3A_968 : i32
      %ne3A_970 = arith.cmpi ne, %sign3A_962, %sign3A_969 : i32
      %rem3A_971 = arith.remsi %add3A_953, %jit3A_954 : i32
      %ne3A_972 = arith.constant 0 : i32
      %ne3A_973 = arith.cmpi ne, %rem3A_971, %ne3A_972 : i32
      %and3A_974 = arith.andi %ne3A_970, %ne3A_973 : i1
      %sub3A_975 = arith.constant 1 : i32
      %sub3A_976 = arith.subi %div3A_955, %sub3A_975 : i32
      %select_n3A_977 = arith.select %and3A_974, %sub3A_976, %div3A_955 : i32
      %jit3A_978 = arith.constant 4 : i32
      %eq3A_979 = arith.constant 0 : i32
      %eq3A_980 = arith.cmpi eq, %jit3A_978, %eq3A_979 : i32
      %jit3A_981 = arith.constant 1 : i32
      %select_n3A_982 = arith.select %eq3A_980, %jit3A_981, %jit3A_978 : i32
      %rem3A_983 = arith.remsi %add3A_953, %select_n3A_982 : i32
      %ne3A_984 = arith.constant 0 : i32
      %ne3A_985 = arith.cmpi ne, %rem3A_983, %ne3A_984 : i32
      %lt3A_986 = arith.constant 0 : i32
      %lt3A_987 = arith.cmpi slt, %rem3A_983, %lt3A_986 : i32
      %lt3A_988 = arith.constant 0 : i32
      %lt3A_989 = arith.cmpi slt, %select_n3A_982, %lt3A_988 : i32
      %ne3A_990 = arith.xori %lt3A_987, %lt3A_989 : i1
      %and3A_991 = arith.andi %ne3A_990, %ne3A_985 : i1
      %add3A_992 = arith.addi %rem3A_983, %select_n3A_982 : i32
      %select_n3A_993 = arith.select %and3A_991, %add3A_992, %rem3A_983 : i32
      %mul3A_994 = arith.constant 32 : i32
      %mul3A_995 = arith.muli %select_n3A_993, %mul3A_994 : i32
      %multiple_of3A_996 = tpu.assume_multiple %mul3A_995, 32 : i32
      %swap3A_997 = arith.index_cast %select_n3A_977 : i32 to index
      %swap3A_998 = arith.index_cast %multiple_of3A_996 : i32 to index
      %swap3A_999 = tpu.vector_load %arg7[%swap3A_997, %swap3A_998] {strides = array<i32>} : memref<128x128xf32, #tpu.memory_space<vmem>>, vector<1x16xf32>,
      %swap3A_1000 = vector.shape_cast %swap3A_999 : vector<1x16xf32> to vector<16xf32>
      %swap3A_1001 = vector.shape_cast %mul3A_946 : vector<16xf32> to vector<1x16xf32>
      tpu.vector_store %arg7[%swap3A_997, %swap3A_998], %swap3A_1001 {strides = array<i32>} : memref<128x128xf32, #tpu.memory_space<vmem>>, vector<1x16xf32>,
      %add3A_1002 = arith.constant 16 : i32
      %add3A_1003 = arith.addi %multiple_of3A_996, %add3A_1002 : i32
      %swap3A_1004 = arith.index_cast %select_n3A_977 : i32 to index
      %swap3A_1005 = arith.index_cast %add3A_1003 : i32 to index
      %swap3A_1006 = tpu.vector_load %arg7[%swap3A_1004, %swap3A_1005] {strides = array<i32>} : memref<128x128xf32, #tpu.memory_space<vmem>>, vector<1x16xf32>,
      %swap3A_1007 = vector.shape_cast %swap3A_1006 : vector<1x16xf32> to vector<16xf32>
      %swap3A_1008 = vector.shape_cast %mul3A_949 : vector<16xf32> to vector<1x16xf32>
      tpu.vector_store %arg7[%swap3A_1004, %swap3A_1005], %swap3A_1008 {strides = array<i32>} : memref<128x128xf32, #tpu.memory_space<vmem>>, vector<1x16xf32>,
      %broadcast_in_dim3A_1009 = arith.constant 0.000000e+00 : f32
      %broadcast_in_dim3A_1010 = vector.broadcast %broadcast_in_dim3A_1009 : f32 to vector<16xf32>
      %scan3A_1011 = arith.constant 2 : i32
      %scan3A_1012 = arith.constant 0 : i32
      %scan3A_1013 = arith.constant 25 : i32
      %scan3A_1014 = arith.addi %scan3A_1012, %scan3A_1013 : i32
      %scan3A_1015 = arith.constant 1 : i32
      %scan3A_1016:8 = scf.for %scan3A_1434 = %scan3A_1012 to %scan3A_1014 step %scan3A_1015 iter_args(%scan3A_1435 = %broadcast_in_dim3A_1010, %scan3A_1436 = %broadcast_in_dim3A_1010, %scan3A_1437 = %broadcast_in_dim3A_1010, %scan3A_1438 = %broadcast_in_dim3A_1010, %scan3A_1439 = %broadcast_in_dim3A_1010, %scan3A_1440 = %broadcast_in_dim3A_1010, %scan3A_1441 = %broadcast_in_dim3A_1010, %scan3A_1442 = %broadcast_in_dim3A_1010) -> (vector<16xf32>, vector<16xf32>, vector<16xf32>, vector<16xf32>, vector<16xf32>, vector<16xf32>, vector<16xf32>, vector<16xf32>)  : i32 {
        %mul3A_1443 = arith.constant 4 : i32
        %mul3A_1444 = arith.muli %scan3A_1434, %mul3A_1443 : i32
        %add3A_1445 = arith.constant 0 : i32
        %add3A_1446 = arith.addi %mul3A_1444, %add3A_1445 : i32
        %get3A = arith.constant 300 : i32
        %get3A_1447 = arith.constant 0 : i32
        %get3A_1448 = tpu.memref_slice %arg6[%scan3A_1011, %get3A, %get3A_1447] : memref<4x400x32xf32, #tpu.memory_space<vmem>> -> memref<1x100x32xf32, #tpu.memory_space<vmem>>
        %get3A_1449 = tpu.memref_squeeze %get3A_1448 : memref<1x100x32xf32, #tpu.memory_space<vmem>> -> memref<100x32xf32, #tpu.memory_space<vmem>>
        %get3A_1450 = arith.index_cast %add3A_1446 : i32 to index
        %get3A_1451 = arith.constant 0 : index
        %get3A_1452 = tpu.vector_load %get3A_1449[%get3A_1450, %get3A_1451] {strides = array<i32>} : memref<100x32xf32, #tpu.memory_space<vmem>>, vector<1x16xf32>,
        %get3A_1453 = vector.shape_cast %get3A_1452 : vector<1x16xf32> to vector<16xf32>
        %add3A_1454 = arith.addf %scan3A_1435, %get3A_1453 : vector<16xf32>
        %add3A_1455 = arith.constant 0 : i32
        %add3A_1456 = arith.addi %mul3A_1444, %add3A_1455 : i32
        %get3A_1457 = arith.constant 300 : i32
        %get3A_1458 = arith.constant 0 : i32
        %get3A_1459 = tpu.memref_slice %arg6[%scan3A_1011, %get3A_1457, %get3A_1458] : memref<4x400x32xf32, #tpu.memory_space<vmem>> -> memref<1x100x32xf32, #tpu.memory_space<vmem>>
        %get3A_1460 = tpu.memref_squeeze %get3A_1459 : memref<1x100x32xf32, #tpu.memory_space<vmem>> -> memref<100x32xf32, #tpu.memory_space<vmem>>
        %get3A_1461 = arith.index_cast %add3A_1456 : i32 to index
        %get3A_1462 = arith.constant 16 : index
        %get3A_1463 = tpu.vector_load %get3A_1460[%get3A_1461, %get3A_1462] {strides = array<i32>} : memref<100x32xf32, #tpu.memory_space<vmem>>, vector<1x16xf32>,
        %get3A_1464 = vector.shape_cast %get3A_1463 : vector<1x16xf32> to vector<16xf32>
        %add3A_1465 = arith.addf %scan3A_1436, %get3A_1464 : vector<16xf32>
        %add3A_1466 = arith.constant 1 : i32
        %add3A_1467 = arith.addi %mul3A_1444, %add3A_1466 : i32
        %get3A_1468 = arith.constant 300 : i32
        %get3A_1469 = arith.constant 0 : i32
        %get3A_1470 = tpu.memref_slice %arg6[%scan3A_1011, %get3A_1468, %get3A_1469] : memref<4x400x32xf32, #tpu.memory_space<vmem>> -> memref<1x100x32xf32, #tpu.memory_space<vmem>>
        %get3A_1471 = tpu.memref_squeeze %get3A_1470 : memref<1x100x32xf32, #tpu.memory_space<vmem>> -> memref<100x32xf32, #tpu.memory_space<vmem>>
        %get3A_1472 = arith.index_cast %add3A_1467 : i32 to index
        %get3A_1473 = arith.constant 0 : index
        %get3A_1474 = tpu.vector_load %get3A_1471[%get3A_1472, %get3A_1473] {strides = array<i32>} : memref<100x32xf32, #tpu.memory_space<vmem>>, vector<1x16xf32>,
        %get3A_1475 = vector.shape_cast %get3A_1474 : vector<1x16xf32> to vector<16xf32>
        %add3A_1476 = arith.addf %scan3A_1437, %get3A_1475 : vector<16xf32>
        %add3A_1477 = arith.constant 1 : i32
        %add3A_1478 = arith.addi %mul3A_1444, %add3A_1477 : i32
        %get3A_1479 = arith.constant 300 : i32
        %get3A_1480 = arith.constant 0 : i32
        %get3A_1481 = tpu.memref_slice %arg6[%scan3A_1011, %get3A_1479, %get3A_1480] : memref<4x400x32xf32, #tpu.memory_space<vmem>> -> memref<1x100x32xf32, #tpu.memory_space<vmem>>
        %get3A_1482 = tpu.memref_squeeze %get3A_1481 : memref<1x100x32xf32, #tpu.memory_space<vmem>> -> memref<100x32xf32, #tpu.memory_space<vmem>>
        %get3A_1483 = arith.index_cast %add3A_1478 : i32 to index
        %get3A_1484 = arith.constant 16 : index
        %get3A_1485 = tpu.vector_load %get3A_1482[%get3A_1483, %get3A_1484] {strides = array<i32>} : memref<100x32xf32, #tpu.memory_space<vmem>>, vector<1x16xf32>,
        %get3A_1486 = vector.shape_cast %get3A_1485 : vector<1x16xf32> to vector<16xf32>
        %add3A_1487 = arith.addf %scan3A_1438, %get3A_1486 : vector<16xf32>
        %add3A_1488 = arith.constant 2 : i32
        %add3A_1489 = arith.addi %mul3A_1444, %add3A_1488 : i32
        %get3A_1490 = arith.constant 300 : i32
        %get3A_1491 = arith.constant 0 : i32
        %get3A_1492 = tpu.memref_slice %arg6[%scan3A_1011, %get3A_1490, %get3A_1491] : memref<4x400x32xf32, #tpu.memory_space<vmem>> -> memref<1x100x32xf32, #tpu.memory_space<vmem>>
        %get3A_1493 = tpu.memref_squeeze %get3A_1492 : memref<1x100x32xf32, #tpu.memory_space<vmem>> -> memref<100x32xf32, #tpu.memory_space<vmem>>
        %get3A_1494 = arith.index_cast %add3A_1489 : i32 to index
        %get3A_1495 = arith.constant 0 : index
        %get3A_1496 = tpu.vector_load %get3A_1493[%get3A_1494, %get3A_1495] {strides = array<i32>} : memref<100x32xf32, #tpu.memory_space<vmem>>, vector<1x16xf32>,
        %get3A_1497 = vector.shape_cast %get3A_1496 : vector<1x16xf32> to vector<16xf32>
        %add3A_1498 = arith.addf %scan3A_1439, %get3A_1497 : vector<16xf32>
        %add3A_1499 = arith.constant 2 : i32
        %add3A_1500 = arith.addi %mul3A_1444, %add3A_1499 : i32
        %get3A_1501 = arith.constant 300 : i32
        %get3A_1502 = arith.constant 0 : i32
        %get3A_1503 = tpu.memref_slice %arg6[%scan3A_1011, %get3A_1501, %get3A_1502] : memref<4x400x32xf32, #tpu.memory_space<vmem>> -> memref<1x100x32xf32, #tpu.memory_space<vmem>>
        %get3A_1504 = tpu.memref_squeeze %get3A_1503 : memref<1x100x32xf32, #tpu.memory_space<vmem>> -> memref<100x32xf32, #tpu.memory_space<vmem>>
        %get3A_1505 = arith.index_cast %add3A_1500 : i32 to index
        %get3A_1506 = arith.constant 16 : index
        %get3A_1507 = tpu.vector_load %get3A_1504[%get3A_1505, %get3A_1506] {strides = array<i32>} : memref<100x32xf32, #tpu.memory_space<vmem>>, vector<1x16xf32>,
        %get3A_1508 = vector.shape_cast %get3A_1507 : vector<1x16xf32> to vector<16xf32>
        %add3A_1509 = arith.addf %scan3A_1440, %get3A_1508 : vector<16xf32>
        %add3A_1510 = arith.constant 3 : i32
        %add3A_1511 = arith.addi %mul3A_1444, %add3A_1510 : i32
        %get3A_1512 = arith.constant 300 : i32
        %get3A_1513 = arith.constant 0 : i32
        %get3A_1514 = tpu.memref_slice %arg6[%scan3A_1011, %get3A_1512, %get3A_1513] : memref<4x400x32xf32, #tpu.memory_space<vmem>> -> memref<1x100x32xf32, #tpu.memory_space<vmem>>
        %get3A_1515 = tpu.memref_squeeze %get3A_1514 : memref<1x100x32xf32, #tpu.memory_space<vmem>> -> memref<100x32xf32, #tpu.memory_space<vmem>>
        %get3A_1516 = arith.index_cast %add3A_1511 : i32 to index
        %get3A_1517 = arith.constant 0 : index
        %get3A_1518 = tpu.vector_load %get3A_1515[%get3A_1516, %get3A_1517] {strides = array<i32>} : memref<100x32xf32, #tpu.memory_space<vmem>>, vector<1x16xf32>,
        %get3A_1519 = vector.shape_cast %get3A_1518 : vector<1x16xf32> to vector<16xf32>
        %add3A_1520 = arith.addf %scan3A_1441, %get3A_1519 : vector<16xf32>
        %add3A_1521 = arith.constant 3 : i32
        %add3A_1522 = arith.addi %mul3A_1444, %add3A_1521 : i32
        %get3A_1523 = arith.constant 300 : i32
        %get3A_1524 = arith.constant 0 : i32
        %get3A_1525 = tpu.memref_slice %arg6[%scan3A_1011, %get3A_1523, %get3A_1524] : memref<4x400x32xf32, #tpu.memory_space<vmem>> -> memref<1x100x32xf32, #tpu.memory_space<vmem>>
        %get3A_1526 = tpu.memref_squeeze %get3A_1525 : memref<1x100x32xf32, #tpu.memory_space<vmem>> -> memref<100x32xf32, #tpu.memory_space<vmem>>
        %get3A_1527 = arith.index_cast %add3A_1522 : i32 to index
        %get3A_1528 = arith.constant 16 : index
        %get3A_1529 = tpu.vector_load %get3A_1526[%get3A_1527, %get3A_1528] {strides = array<i32>} : memref<100x32xf32, #tpu.memory_space<vmem>>, vector<1x16xf32>,
        %get3A_1530 = vector.shape_cast %get3A_1529 : vector<1x16xf32> to vector<16xf32>
        %add3A_1531 = arith.addf %scan3A_1442, %get3A_1530 : vector<16xf32>
        scf.yield %add3A_1454, %add3A_1465, %add3A_1476, %add3A_1487, %add3A_1498, %add3A_1509, %add3A_1520, %add3A_1531 : vector<16xf32>, vector<16xf32>, vector<16xf32>, vector<16xf32>, vector<16xf32>, vector<16xf32>, vector<16xf32>, vector<16xf32>
      }
      %scan3A_1017 = arith.constant 25 : i32
      %add3A_1018 = arith.addf %scan3A_1016#0, %scan3A_1016#2 : vector<16xf32>
      %add3A_1019 = arith.addf %scan3A_1016#4, %scan3A_1016#6 : vector<16xf32>
      %add3A_1020 = arith.addf %add3A_1018, %add3A_1019 : vector<16xf32>
      %add3A_1021 = arith.addf %scan3A_1016#1, %scan3A_1016#3 : vector<16xf32>
      %add3A_1022 = arith.addf %scan3A_1016#5, %scan3A_1016#7 : vector<16xf32>
      %add3A_1023 = arith.addf %add3A_1021, %add3A_1022 : vector<16xf32>
      %mul3A_1024 = arith.constant 0.00999999977 : f32
      %mul3A_1025 = vector.broadcast %mul3A_1024 : f32 to vector<16xf32>
      %mul3A_1026 = arith.mulf %add3A_1020, %mul3A_1025 : vector<16xf32>
      %mul3A_1027 = arith.constant 0.00999999977 : f32
      %mul3A_1028 = vector.broadcast %mul3A_1027 : f32 to vector<16xf32>
      %mul3A_1029 = arith.mulf %add3A_1023, %mul3A_1028 : vector<16xf32>
      %mul3A_1030 = arith.constant 4 : i32
      %mul3A_1031 = arith.muli %mul3A_1030, %add3A_747 : i32
      %add3A_1032 = arith.constant 3 : i32
      %add3A_1033 = arith.addi %mul3A_1031, %add3A_1032 : i32
      %jit3A_1034 = arith.constant 4 : i32
      %div3A_1035 = arith.divsi %add3A_1033, %jit3A_1034 : i32
      %sign3A_1036 = arith.constant 0 : i32
      %sign3A_1037 = arith.cmpi sgt, %add3A_1033, %sign3A_1036 : i32
      %sign3A_1038 = arith.extui %sign3A_1037 : i1 to i32
      %sign3A_1039 = arith.constant 0 : i32
      %sign3A_1040 = arith.cmpi slt, %add3A_1033, %sign3A_1039 : i32
      %sign3A_1041 = arith.extui %sign3A_1040 : i1 to i32
      %sign3A_1042 = arith.subi %sign3A_1038, %sign3A_1041 : i32
      %sign3A_1043 = arith.constant 0 : i32
      %sign3A_1044 = arith.cmpi sgt, %jit3A_1034, %sign3A_1043 : i32
      %sign3A_1045 = arith.extui %sign3A_1044 : i1 to i32
      %sign3A_1046 = arith.constant 0 : i32
      %sign3A_1047 = arith.cmpi slt, %jit3A_1034, %sign3A_1046 : i32
      %sign3A_1048 = arith.extui %sign3A_1047 : i1 to i32
      %sign3A_1049 = arith.subi %sign3A_1045, %sign3A_1048 : i32
      %ne3A_1050 = arith.cmpi ne, %sign3A_1042, %sign3A_1049 : i32
      %rem3A_1051 = arith.remsi %add3A_1033, %jit3A_1034 : i32
      %ne3A_1052 = arith.constant 0 : i32
      %ne3A_1053 = arith.cmpi ne, %rem3A_1051, %ne3A_1052 : i32
      %and3A_1054 = arith.andi %ne3A_1050, %ne3A_1053 : i1
      %sub3A_1055 = arith.constant 1 : i32
      %sub3A_1056 = arith.subi %div3A_1035, %sub3A_1055 : i32
      %select_n3A_1057 = arith.select %and3A_1054, %sub3A_1056, %div3A_1035 : i32
      %jit3A_1058 = arith.constant 4 : i32
      %eq3A_1059 = arith.constant 0 : i32
      %eq3A_1060 = arith.cmpi eq, %jit3A_1058, %eq3A_1059 : i32
      %jit3A_1061 = arith.constant 1 : i32
      %select_n3A_1062 = arith.select %eq3A_1060, %jit3A_1061, %jit3A_1058 : i32
      %rem3A_1063 = arith.remsi %add3A_1033, %select_n3A_1062 : i32
      %ne3A_1064 = arith.constant 0 : i32
      %ne3A_1065 = arith.cmpi ne, %rem3A_1063, %ne3A_1064 : i32
      %lt3A_1066 = arith.constant 0 : i32
      %lt3A_1067 = arith.cmpi slt, %rem3A_1063, %lt3A_1066 : i32
      %lt3A_1068 = arith.constant 0 : i32
      %lt3A_1069 = arith.cmpi slt, %select_n3A_1062, %lt3A_1068 : i32
      %ne3A_1070 = arith.xori %lt3A_1067, %lt3A_1069 : i1
      %and3A_1071 = arith.andi %ne3A_1070, %ne3A_1065 : i1
      %add3A_1072 = arith.addi %rem3A_1063, %select_n3A_1062 : i32
      %select_n3A_1073 = arith.select %and3A_1071, %add3A_1072, %rem3A_1063 : i32
      %mul3A_1074 = arith.constant 32 : i32
      %mul3A_1075 = arith.muli %select_n3A_1073, %mul3A_1074 : i32
      %multiple_of3A_1076 = tpu.assume_multiple %mul3A_1075, 32 : i32
      %swap3A_1077 = arith.index_cast %select_n3A_1057 : i32 to index
      %swap3A_1078 = arith.index_cast %multiple_of3A_1076 : i32 to index
      %swap3A_1079 = tpu.vector_load %arg7[%swap3A_1077, %swap3A_1078] {strides = array<i32>} : memref<128x128xf32, #tpu.memory_space<vmem>>, vector<1x16xf32>,
      %swap3A_1080 = vector.shape_cast %swap3A_1079 : vector<1x16xf32> to vector<16xf32>
      %swap3A_1081 = vector.shape_cast %mul3A_1026 : vector<16xf32> to vector<1x16xf32>
      tpu.vector_store %arg7[%swap3A_1077, %swap3A_1078], %swap3A_1081 {strides = array<i32>} : memref<128x128xf32, #tpu.memory_space<vmem>>, vector<1x16xf32>,
      %add3A_1082 = arith.constant 16 : i32
      %add3A_1083 = arith.addi %multiple_of3A_1076, %add3A_1082 : i32
      %swap3A_1084 = arith.index_cast %select_n3A_1057 : i32 to index
      %swap3A_1085 = arith.index_cast %add3A_1083 : i32 to index
      %swap3A_1086 = tpu.vector_load %arg7[%swap3A_1084, %swap3A_1085] {strides = array<i32>} : memref<128x128xf32, #tpu.memory_space<vmem>>, vector<1x16xf32>,
      %swap3A_1087 = vector.shape_cast %swap3A_1086 : vector<1x16xf32> to vector<16xf32>
      %swap3A_1088 = vector.shape_cast %mul3A_1029 : vector<16xf32> to vector<1x16xf32>
      tpu.vector_store %arg7[%swap3A_1084, %swap3A_1085], %swap3A_1088 {strides = array<i32>} : memref<128x128xf32, #tpu.memory_space<vmem>>, vector<1x16xf32>,
      %mul3A_1089 = arith.constant 4 : i32
      %mul3A_1090 = arith.muli %scan3A_69, %mul3A_1089 : i32
      %add3A_1091 = arith.constant 3 : i32
      %add3A_1092 = arith.addi %mul3A_1090, %add3A_1091 : i32
      %dma_wait3A_1093 = arith.constant 3 : i32
      %dma_wait3A_1094 = arith.constant 3 : i32
      %dma_wait3A_1095 = arith.constant 0 : i32
      %dma_wait3A_1096 = arith.constant 0 : i32
      %dma_wait3A_1097 = tpu.memref_slice %arg6[%dma_wait3A_1093, %dma_wait3A_1095, %dma_wait3A_1096] : memref<4x400x32xf32, #tpu.memory_space<vmem>> -> memref<1x400x32xf32, #tpu.memory_space<vmem>>
      %dma_wait3A_1098 = tpu.memref_squeeze %dma_wait3A_1097 : memref<1x400x32xf32, #tpu.memory_space<vmem>> -> memref<400x32xf32, #tpu.memory_space<vmem>>
      %dma_wait3A_1099 = arith.constant 0 : i32
      %dma_wait3A_1100 = tpu.memref_slice %arg5[%add3A_1092, %dma_wait3A_1099] : memref<128x400xi32, #tpu.memory_space<vmem>> -> memref<1x400xi32, #tpu.memory_space<vmem>>
      %dma_wait3A_1101 = tpu.memref_squeeze %dma_wait3A_1100 : memref<1x400xi32, #tpu.memory_space<vmem>> -> memref<400xi32, #tpu.memory_space<vmem>>
      %dma_wait3A_1102 = arith.constant 0 : i32
      %dma_wait3A_1103 = arith.constant 0 : i32
      %dma_wait3A_1104 = tpu.memref_slice %arg3[%dma_wait3A_1102, %dma_wait3A_1103] : memref<100000x32xf32, #tpu.memory_space<hbm>> -> memref<100000x32xf32, #tpu.memory_space<hbm>>
      %dma_wait3A_1105 = tpu.memref_slice %arg8[%dma_wait3A_1094] : memref<4x!tpu.dma_semaphore, #tpu.memory_space<semaphore_mem>> -> memref<1x!tpu.dma_semaphore, #tpu.memory_space<semaphore_mem>>
      %dma_wait3A_1106 = tpu.memref_squeeze %dma_wait3A_1105 : memref<1x!tpu.dma_semaphore, #tpu.memory_space<semaphore_mem>> -> memref<!tpu.dma_semaphore, #tpu.memory_space<semaphore_mem>>
      tpu.wait_indirect_dma semaphore(%dma_wait3A_1106 : memref<!tpu.dma_semaphore, #tpu.memory_space<semaphore_mem>>) src(%dma_wait3A_1104 : memref<100000x32xf32, #tpu.memory_space<hbm>>) dst(%dma_wait3A_1098 : memref<400x32xf32, #tpu.memory_space<vmem>>)
      %add3A_1107 = arith.constant 4 : i32
      %add3A_1108 = arith.addi %add3A_1092, %add3A_1107 : i32
      %lt3A_1109 = arith.constant 128 : i32
      %lt3A_1110 = arith.cmpi slt, %add3A_1108, %lt3A_1109 : i32
      %convert_element_type3A_1111 = arith.extui %lt3A_1110 : i1 to i32
      %cond3A_1112 = arith.constant 0 : i32
      %cond3A_1113 = arith.cmpi ne, %convert_element_type3A_1111, %cond3A_1112 : i32
      scf.if %cond3A_1113 {
        %dma_start3A_1434 = arith.constant 3 : i32
        %dma_start3A_1435 = arith.constant 3 : i32
        %dma_start3A_1436 = arith.constant 0 : i32
        %dma_start3A_1437 = arith.constant 0 : i32
        %dma_start3A_1438 = tpu.memref_slice %arg6[%dma_start3A_1434, %dma_start3A_1436, %dma_start3A_1437] : memref<4x400x32xf32, #tpu.memory_space<vmem>> -> memref<1x400x32xf32, #tpu.memory_space<vmem>>
        %dma_start3A_1439 = tpu.memref_squeeze %dma_start3A_1438 : memref<1x400x32xf32, #tpu.memory_space<vmem>> -> memref<400x32xf32, #tpu.memory_space<vmem>>
        %dma_start3A_1440 = arith.constant 0 : i32
        %dma_start3A_1441 = tpu.memref_slice %arg5[%add3A_1108, %dma_start3A_1440] : memref<128x400xi32, #tpu.memory_space<vmem>> -> memref<1x400xi32, #tpu.memory_space<vmem>>
        %dma_start3A_1442 = tpu.memref_squeeze %dma_start3A_1441 : memref<1x400xi32, #tpu.memory_space<vmem>> -> memref<400xi32, #tpu.memory_space<vmem>>
        %dma_start3A_1443 = arith.constant 0 : i32
        %dma_start3A_1444 = arith.constant 0 : i32
        %dma_start3A_1445 = tpu.memref_slice %arg3[%dma_start3A_1443, %dma_start3A_1444] : memref<100000x32xf32, #tpu.memory_space<hbm>> -> memref<100000x32xf32, #tpu.memory_space<hbm>>
        %dma_start3A_1446 = tpu.memref_slice %arg8[%dma_start3A_1435] : memref<4x!tpu.dma_semaphore, #tpu.memory_space<semaphore_mem>> -> memref<1x!tpu.dma_semaphore, #tpu.memory_space<semaphore_mem>>
        %dma_start3A_1447 = tpu.memref_squeeze %dma_start3A_1446 : memref<1x!tpu.dma_semaphore, #tpu.memory_space<semaphore_mem>> -> memref<!tpu.dma_semaphore, #tpu.memory_space<semaphore_mem>>
        tpu.enqueue_indirect_dma source(%dma_start3A_1445 : memref<100000x32xf32, #tpu.memory_space<hbm>>) target(%dma_start3A_1439 : memref<400x32xf32, #tpu.memory_space<vmem>>) offsets(%dma_start3A_1442 : memref<400xi32, #tpu.memory_space<vmem>>) semaphore(%dma_start3A_1447 : memref<!tpu.dma_semaphore, #tpu.memory_space<semaphore_mem>>)
      } else {
      }
      %broadcast_in_dim3A_1114 = arith.constant 0.000000e+00 : f32
      %broadcast_in_dim3A_1115 = vector.broadcast %broadcast_in_dim3A_1114 : f32 to vector<16xf32>
      %scan3A_1116 = arith.constant 3 : i32
      %scan3A_1117 = arith.constant 0 : i32
      %scan3A_1118 = arith.constant 25 : i32
      %scan3A_1119 = arith.addi %scan3A_1117, %scan3A_1118 : i32
      %scan3A_1120 = arith.constant 1 : i32
      %scan3A_1121:8 = scf.for %scan3A_1434 = %scan3A_1117 to %scan3A_1119 step %scan3A_1120 iter_args(%scan3A_1435 = %broadcast_in_dim3A_1115, %scan3A_1436 = %broadcast_in_dim3A_1115, %scan3A_1437 = %broadcast_in_dim3A_1115, %scan3A_1438 = %broadcast_in_dim3A_1115, %scan3A_1439 = %broadcast_in_dim3A_1115, %scan3A_1440 = %broadcast_in_dim3A_1115, %scan3A_1441 = %broadcast_in_dim3A_1115, %scan3A_1442 = %broadcast_in_dim3A_1115) -> (vector<16xf32>, vector<16xf32>, vector<16xf32>, vector<16xf32>, vector<16xf32>, vector<16xf32>, vector<16xf32>, vector<16xf32>)  : i32 {
        %mul3A_1443 = arith.constant 4 : i32
        %mul3A_1444 = arith.muli %scan3A_1434, %mul3A_1443 : i32
        %add3A_1445 = arith.constant 0 : i32
        %add3A_1446 = arith.addi %mul3A_1444, %add3A_1445 : i32
        %get3A = arith.constant 0 : i32
        %get3A_1447 = arith.constant 0 : i32
        %get3A_1448 = tpu.memref_slice %arg6[%scan3A_1116, %get3A, %get3A_1447] : memref<4x400x32xf32, #tpu.memory_space<vmem>> -> memref<1x100x32xf32, #tpu.memory_space<vmem>>
        %get3A_1449 = tpu.memref_squeeze %get3A_1448 : memref<1x100x32xf32, #tpu.memory_space<vmem>> -> memref<100x32xf32, #tpu.memory_space<vmem>>
        %get3A_1450 = arith.index_cast %add3A_1446 : i32 to index
        %get3A_1451 = arith.constant 0 : index
        %get3A_1452 = tpu.vector_load %get3A_1449[%get3A_1450, %get3A_1451] {strides = array<i32>} : memref<100x32xf32, #tpu.memory_space<vmem>>, vector<1x16xf32>,
        %get3A_1453 = vector.shape_cast %get3A_1452 : vector<1x16xf32> to vector<16xf32>
        %add3A_1454 = arith.addf %scan3A_1435, %get3A_1453 : vector<16xf32>
        %add3A_1455 = arith.constant 0 : i32
        %add3A_1456 = arith.addi %mul3A_1444, %add3A_1455 : i32
        %get3A_1457 = arith.constant 0 : i32
        %get3A_1458 = arith.constant 0 : i32
        %get3A_1459 = tpu.memref_slice %arg6[%scan3A_1116, %get3A_1457, %get3A_1458] : memref<4x400x32xf32, #tpu.memory_space<vmem>> -> memref<1x100x32xf32, #tpu.memory_space<vmem>>
        %get3A_1460 = tpu.memref_squeeze %get3A_1459 : memref<1x100x32xf32, #tpu.memory_space<vmem>> -> memref<100x32xf32, #tpu.memory_space<vmem>>
        %get3A_1461 = arith.index_cast %add3A_1456 : i32 to index
        %get3A_1462 = arith.constant 16 : index
        %get3A_1463 = tpu.vector_load %get3A_1460[%get3A_1461, %get3A_1462] {strides = array<i32>} : memref<100x32xf32, #tpu.memory_space<vmem>>, vector<1x16xf32>,
        %get3A_1464 = vector.shape_cast %get3A_1463 : vector<1x16xf32> to vector<16xf32>
        %add3A_1465 = arith.addf %scan3A_1436, %get3A_1464 : vector<16xf32>
        %add3A_1466 = arith.constant 1 : i32
        %add3A_1467 = arith.addi %mul3A_1444, %add3A_1466 : i32
        %get3A_1468 = arith.constant 0 : i32
        %get3A_1469 = arith.constant 0 : i32
        %get3A_1470 = tpu.memref_slice %arg6[%scan3A_1116, %get3A_1468, %get3A_1469] : memref<4x400x32xf32, #tpu.memory_space<vmem>> -> memref<1x100x32xf32, #tpu.memory_space<vmem>>
        %get3A_1471 = tpu.memref_squeeze %get3A_1470 : memref<1x100x32xf32, #tpu.memory_space<vmem>> -> memref<100x32xf32, #tpu.memory_space<vmem>>
        %get3A_1472 = arith.index_cast %add3A_1467 : i32 to index
        %get3A_1473 = arith.constant 0 : index
        %get3A_1474 = tpu.vector_load %get3A_1471[%get3A_1472, %get3A_1473] {strides = array<i32>} : memref<100x32xf32, #tpu.memory_space<vmem>>, vector<1x16xf32>,
        %get3A_1475 = vector.shape_cast %get3A_1474 : vector<1x16xf32> to vector<16xf32>
        %add3A_1476 = arith.addf %scan3A_1437, %get3A_1475 : vector<16xf32>
        %add3A_1477 = arith.constant 1 : i32
        %add3A_1478 = arith.addi %mul3A_1444, %add3A_1477 : i32
        %get3A_1479 = arith.constant 0 : i32
        %get3A_1480 = arith.constant 0 : i32
        %get3A_1481 = tpu.memref_slice %arg6[%scan3A_1116, %get3A_1479, %get3A_1480] : memref<4x400x32xf32, #tpu.memory_space<vmem>> -> memref<1x100x32xf32, #tpu.memory_space<vmem>>
        %get3A_1482 = tpu.memref_squeeze %get3A_1481 : memref<1x100x32xf32, #tpu.memory_space<vmem>> -> memref<100x32xf32, #tpu.memory_space<vmem>>
        %get3A_1483 = arith.index_cast %add3A_1478 : i32 to index
        %get3A_1484 = arith.constant 16 : index
        %get3A_1485 = tpu.vector_load %get3A_1482[%get3A_1483, %get3A_1484] {strides = array<i32>} : memref<100x32xf32, #tpu.memory_space<vmem>>, vector<1x16xf32>,
        %get3A_1486 = vector.shape_cast %get3A_1485 : vector<1x16xf32> to vector<16xf32>
        %add3A_1487 = arith.addf %scan3A_1438, %get3A_1486 : vector<16xf32>
        %add3A_1488 = arith.constant 2 : i32
        %add3A_1489 = arith.addi %mul3A_1444, %add3A_1488 : i32
        %get3A_1490 = arith.constant 0 : i32
        %get3A_1491 = arith.constant 0 : i32
        %get3A_1492 = tpu.memref_slice %arg6[%scan3A_1116, %get3A_1490, %get3A_1491] : memref<4x400x32xf32, #tpu.memory_space<vmem>> -> memref<1x100x32xf32, #tpu.memory_space<vmem>>
        %get3A_1493 = tpu.memref_squeeze %get3A_1492 : memref<1x100x32xf32, #tpu.memory_space<vmem>> -> memref<100x32xf32, #tpu.memory_space<vmem>>
        %get3A_1494 = arith.index_cast %add3A_1489 : i32 to index
        %get3A_1495 = arith.constant 0 : index
        %get3A_1496 = tpu.vector_load %get3A_1493[%get3A_1494, %get3A_1495] {strides = array<i32>} : memref<100x32xf32, #tpu.memory_space<vmem>>, vector<1x16xf32>,
        %get3A_1497 = vector.shape_cast %get3A_1496 : vector<1x16xf32> to vector<16xf32>
        %add3A_1498 = arith.addf %scan3A_1439, %get3A_1497 : vector<16xf32>
        %add3A_1499 = arith.constant 2 : i32
        %add3A_1500 = arith.addi %mul3A_1444, %add3A_1499 : i32
        %get3A_1501 = arith.constant 0 : i32
        %get3A_1502 = arith.constant 0 : i32
        %get3A_1503 = tpu.memref_slice %arg6[%scan3A_1116, %get3A_1501, %get3A_1502] : memref<4x400x32xf32, #tpu.memory_space<vmem>> -> memref<1x100x32xf32, #tpu.memory_space<vmem>>
        %get3A_1504 = tpu.memref_squeeze %get3A_1503 : memref<1x100x32xf32, #tpu.memory_space<vmem>> -> memref<100x32xf32, #tpu.memory_space<vmem>>
        %get3A_1505 = arith.index_cast %add3A_1500 : i32 to index
        %get3A_1506 = arith.constant 16 : index
        %get3A_1507 = tpu.vector_load %get3A_1504[%get3A_1505, %get3A_1506] {strides = array<i32>} : memref<100x32xf32, #tpu.memory_space<vmem>>, vector<1x16xf32>,
        %get3A_1508 = vector.shape_cast %get3A_1507 : vector<1x16xf32> to vector<16xf32>
        %add3A_1509 = arith.addf %scan3A_1440, %get3A_1508 : vector<16xf32>
        %add3A_1510 = arith.constant 3 : i32
        %add3A_1511 = arith.addi %mul3A_1444, %add3A_1510 : i32
        %get3A_1512 = arith.constant 0 : i32
        %get3A_1513 = arith.constant 0 : i32
        %get3A_1514 = tpu.memref_slice %arg6[%scan3A_1116, %get3A_1512, %get3A_1513] : memref<4x400x32xf32, #tpu.memory_space<vmem>> -> memref<1x100x32xf32, #tpu.memory_space<vmem>>
        %get3A_1515 = tpu.memref_squeeze %get3A_1514 : memref<1x100x32xf32, #tpu.memory_space<vmem>> -> memref<100x32xf32, #tpu.memory_space<vmem>>
        %get3A_1516 = arith.index_cast %add3A_1511 : i32 to index
        %get3A_1517 = arith.constant 0 : index
        %get3A_1518 = tpu.vector_load %get3A_1515[%get3A_1516, %get3A_1517] {strides = array<i32>} : memref<100x32xf32, #tpu.memory_space<vmem>>, vector<1x16xf32>,
        %get3A_1519 = vector.shape_cast %get3A_1518 : vector<1x16xf32> to vector<16xf32>
        %add3A_1520 = arith.addf %scan3A_1441, %get3A_1519 : vector<16xf32>
        %add3A_1521 = arith.constant 3 : i32
        %add3A_1522 = arith.addi %mul3A_1444, %add3A_1521 : i32
        %get3A_1523 = arith.constant 0 : i32
        %get3A_1524 = arith.constant 0 : i32
        %get3A_1525 = tpu.memref_slice %arg6[%scan3A_1116, %get3A_1523, %get3A_1524] : memref<4x400x32xf32, #tpu.memory_space<vmem>> -> memref<1x100x32xf32, #tpu.memory_space<vmem>>
        %get3A_1526 = tpu.memref_squeeze %get3A_1525 : memref<1x100x32xf32, #tpu.memory_space<vmem>> -> memref<100x32xf32, #tpu.memory_space<vmem>>
        %get3A_1527 = arith.index_cast %add3A_1522 : i32 to index
        %get3A_1528 = arith.constant 16 : index
        %get3A_1529 = tpu.vector_load %get3A_1526[%get3A_1527, %get3A_1528] {strides = array<i32>} : memref<100x32xf32, #tpu.memory_space<vmem>>, vector<1x16xf32>,
        %get3A_1530 = vector.shape_cast %get3A_1529 : vector<1x16xf32> to vector<16xf32>
        %add3A_1531 = arith.addf %scan3A_1442, %get3A_1530 : vector<16xf32>
        scf.yield %add3A_1454, %add3A_1465, %add3A_1476, %add3A_1487, %add3A_1498, %add3A_1509, %add3A_1520, %add3A_1531 : vector<16xf32>, vector<16xf32>, vector<16xf32>, vector<16xf32>, vector<16xf32>, vector<16xf32>, vector<16xf32>, vector<16xf32>
      }
      %scan3A_1122 = arith.constant 25 : i32
      %add3A_1123 = arith.addf %scan3A_1121#0, %scan3A_1121#2 : vector<16xf32>
      %add3A_1124 = arith.addf %scan3A_1121#4, %scan3A_1121#6 : vector<16xf32>
      %add3A_1125 = arith.addf %add3A_1123, %add3A_1124 : vector<16xf32>
      %add3A_1126 = arith.addf %scan3A_1121#1, %scan3A_1121#3 : vector<16xf32>
      %add3A_1127 = arith.addf %scan3A_1121#5, %scan3A_1121#7 : vector<16xf32>
      %add3A_1128 = arith.addf %add3A_1126, %add3A_1127 : vector<16xf32>
      %mul3A_1129 = arith.constant 0.00999999977 : f32
      %mul3A_1130 = vector.broadcast %mul3A_1129 : f32 to vector<16xf32>
      %mul3A_1131 = arith.mulf %add3A_1125, %mul3A_1130 : vector<16xf32>
      %mul3A_1132 = arith.constant 0.00999999977 : f32
      %mul3A_1133 = vector.broadcast %mul3A_1132 : f32 to vector<16xf32>
      %mul3A_1134 = arith.mulf %add3A_1128, %mul3A_1133 : vector<16xf32>
      %mul3A_1135 = arith.constant 4 : i32
      %mul3A_1136 = arith.muli %mul3A_1135, %add3A_1092 : i32
      %add3A_1137 = arith.constant 0 : i32
      %add3A_1138 = arith.addi %mul3A_1136, %add3A_1137 : i32
      %jit3A_1139 = arith.constant 4 : i32
      %div3A_1140 = arith.divsi %add3A_1138, %jit3A_1139 : i32
      %sign3A_1141 = arith.constant 0 : i32
      %sign3A_1142 = arith.cmpi sgt, %add3A_1138, %sign3A_1141 : i32
      %sign3A_1143 = arith.extui %sign3A_1142 : i1 to i32
      %sign3A_1144 = arith.constant 0 : i32
      %sign3A_1145 = arith.cmpi slt, %add3A_1138, %sign3A_1144 : i32
      %sign3A_1146 = arith.extui %sign3A_1145 : i1 to i32
      %sign3A_1147 = arith.subi %sign3A_1143, %sign3A_1146 : i32
      %sign3A_1148 = arith.constant 0 : i32
      %sign3A_1149 = arith.cmpi sgt, %jit3A_1139, %sign3A_1148 : i32
      %sign3A_1150 = arith.extui %sign3A_1149 : i1 to i32
      %sign3A_1151 = arith.constant 0 : i32
      %sign3A_1152 = arith.cmpi slt, %jit3A_1139, %sign3A_1151 : i32
      %sign3A_1153 = arith.extui %sign3A_1152 : i1 to i32
      %sign3A_1154 = arith.subi %sign3A_1150, %sign3A_1153 : i32
      %ne3A_1155 = arith.cmpi ne, %sign3A_1147, %sign3A_1154 : i32
      %rem3A_1156 = arith.remsi %add3A_1138, %jit3A_1139 : i32
      %ne3A_1157 = arith.constant 0 : i32
      %ne3A_1158 = arith.cmpi ne, %rem3A_1156, %ne3A_1157 : i32
      %and3A_1159 = arith.andi %ne3A_1155, %ne3A_1158 : i1
      %sub3A_1160 = arith.constant 1 : i32
      %sub3A_1161 = arith.subi %div3A_1140, %sub3A_1160 : i32
      %select_n3A_1162 = arith.select %and3A_1159, %sub3A_1161, %div3A_1140 : i32
      %jit3A_1163 = arith.constant 4 : i32
      %eq3A_1164 = arith.constant 0 : i32
      %eq3A_1165 = arith.cmpi eq, %jit3A_1163, %eq3A_1164 : i32
      %jit3A_1166 = arith.constant 1 : i32
      %select_n3A_1167 = arith.select %eq3A_1165, %jit3A_1166, %jit3A_1163 : i32
      %rem3A_1168 = arith.remsi %add3A_1138, %select_n3A_1167 : i32
      %ne3A_1169 = arith.constant 0 : i32
      %ne3A_1170 = arith.cmpi ne, %rem3A_1168, %ne3A_1169 : i32
      %lt3A_1171 = arith.constant 0 : i32
      %lt3A_1172 = arith.cmpi slt, %rem3A_1168, %lt3A_1171 : i32
      %lt3A_1173 = arith.constant 0 : i32
      %lt3A_1174 = arith.cmpi slt, %select_n3A_1167, %lt3A_1173 : i32
      %ne3A_1175 = arith.xori %lt3A_1172, %lt3A_1174 : i1
      %and3A_1176 = arith.andi %ne3A_1175, %ne3A_1170 : i1
      %add3A_1177 = arith.addi %rem3A_1168, %select_n3A_1167 : i32
      %select_n3A_1178 = arith.select %and3A_1176, %add3A_1177, %rem3A_1168 : i32
      %mul3A_1179 = arith.constant 32 : i32
      %mul3A_1180 = arith.muli %select_n3A_1178, %mul3A_1179 : i32
      %multiple_of3A_1181 = tpu.assume_multiple %mul3A_1180, 32 : i32
      %swap3A_1182 = arith.index_cast %select_n3A_1162 : i32 to index
      %swap3A_1183 = arith.index_cast %multiple_of3A_1181 : i32 to index
      %swap3A_1184 = tpu.vector_load %arg7[%swap3A_1182, %swap3A_1183] {strides = array<i32>} : memref<128x128xf32, #tpu.memory_space<vmem>>, vector<1x16xf32>,
      %swap3A_1185 = vector.shape_cast %swap3A_1184 : vector<1x16xf32> to vector<16xf32>
      %swap3A_1186 = vector.shape_cast %mul3A_1131 : vector<16xf32> to vector<1x16xf32>
      tpu.vector_store %arg7[%swap3A_1182, %swap3A_1183], %swap3A_1186 {strides = array<i32>} : memref<128x128xf32, #tpu.memory_space<vmem>>, vector<1x16xf32>,
      %add3A_1187 = arith.constant 16 : i32
      %add3A_1188 = arith.addi %multiple_of3A_1181, %add3A_1187 : i32
      %swap3A_1189 = arith.index_cast %select_n3A_1162 : i32 to index
      %swap3A_1190 = arith.index_cast %add3A_1188 : i32 to index
      %swap3A_1191 = tpu.vector_load %arg7[%swap3A_1189, %swap3A_1190] {strides = array<i32>} : memref<128x128xf32, #tpu.memory_space<vmem>>, vector<1x16xf32>,
      %swap3A_1192 = vector.shape_cast %swap3A_1191 : vector<1x16xf32> to vector<16xf32>
      %swap3A_1193 = vector.shape_cast %mul3A_1134 : vector<16xf32> to vector<1x16xf32>
      tpu.vector_store %arg7[%swap3A_1189, %swap3A_1190], %swap3A_1193 {strides = array<i32>} : memref<128x128xf32, #tpu.memory_space<vmem>>, vector<1x16xf32>,
      %broadcast_in_dim3A_1194 = arith.constant 0.000000e+00 : f32
      %broadcast_in_dim3A_1195 = vector.broadcast %broadcast_in_dim3A_1194 : f32 to vector<16xf32>
      %scan3A_1196 = arith.constant 3 : i32
      %scan3A_1197 = arith.constant 0 : i32
      %scan3A_1198 = arith.constant 25 : i32
      %scan3A_1199 = arith.addi %scan3A_1197, %scan3A_1198 : i32
      %scan3A_1200 = arith.constant 1 : i32
      %scan3A_1201:8 = scf.for %scan3A_1434 = %scan3A_1197 to %scan3A_1199 step %scan3A_1200 iter_args(%scan3A_1435 = %broadcast_in_dim3A_1195, %scan3A_1436 = %broadcast_in_dim3A_1195, %scan3A_1437 = %broadcast_in_dim3A_1195, %scan3A_1438 = %broadcast_in_dim3A_1195, %scan3A_1439 = %broadcast_in_dim3A_1195, %scan3A_1440 = %broadcast_in_dim3A_1195, %scan3A_1441 = %broadcast_in_dim3A_1195, %scan3A_1442 = %broadcast_in_dim3A_1195) -> (vector<16xf32>, vector<16xf32>, vector<16xf32>, vector<16xf32>, vector<16xf32>, vector<16xf32>, vector<16xf32>, vector<16xf32>)  : i32 {
        %mul3A_1443 = arith.constant 4 : i32
        %mul3A_1444 = arith.muli %scan3A_1434, %mul3A_1443 : i32
        %add3A_1445 = arith.constant 0 : i32
        %add3A_1446 = arith.addi %mul3A_1444, %add3A_1445 : i32
        %get3A = arith.constant 100 : i32
        %get3A_1447 = arith.constant 0 : i32
        %get3A_1448 = tpu.memref_slice %arg6[%scan3A_1196, %get3A, %get3A_1447] : memref<4x400x32xf32, #tpu.memory_space<vmem>> -> memref<1x100x32xf32, #tpu.memory_space<vmem>>
        %get3A_1449 = tpu.memref_squeeze %get3A_1448 : memref<1x100x32xf32, #tpu.memory_space<vmem>> -> memref<100x32xf32, #tpu.memory_space<vmem>>
        %get3A_1450 = arith.index_cast %add3A_1446 : i32 to index
        %get3A_1451 = arith.constant 0 : index
        %get3A_1452 = tpu.vector_load %get3A_1449[%get3A_1450, %get3A_1451] {strides = array<i32>} : memref<100x32xf32, #tpu.memory_space<vmem>>, vector<1x16xf32>,
        %get3A_1453 = vector.shape_cast %get3A_1452 : vector<1x16xf32> to vector<16xf32>
        %add3A_1454 = arith.addf %scan3A_1435, %get3A_1453 : vector<16xf32>
        %add3A_1455 = arith.constant 0 : i32
        %add3A_1456 = arith.addi %mul3A_1444, %add3A_1455 : i32
        %get3A_1457 = arith.constant 100 : i32
        %get3A_1458 = arith.constant 0 : i32
        %get3A_1459 = tpu.memref_slice %arg6[%scan3A_1196, %get3A_1457, %get3A_1458] : memref<4x400x32xf32, #tpu.memory_space<vmem>> -> memref<1x100x32xf32, #tpu.memory_space<vmem>>
        %get3A_1460 = tpu.memref_squeeze %get3A_1459 : memref<1x100x32xf32, #tpu.memory_space<vmem>> -> memref<100x32xf32, #tpu.memory_space<vmem>>
        %get3A_1461 = arith.index_cast %add3A_1456 : i32 to index
        %get3A_1462 = arith.constant 16 : index
        %get3A_1463 = tpu.vector_load %get3A_1460[%get3A_1461, %get3A_1462] {strides = array<i32>} : memref<100x32xf32, #tpu.memory_space<vmem>>, vector<1x16xf32>,
        %get3A_1464 = vector.shape_cast %get3A_1463 : vector<1x16xf32> to vector<16xf32>
        %add3A_1465 = arith.addf %scan3A_1436, %get3A_1464 : vector<16xf32>
        %add3A_1466 = arith.constant 1 : i32
        %add3A_1467 = arith.addi %mul3A_1444, %add3A_1466 : i32
        %get3A_1468 = arith.constant 100 : i32
        %get3A_1469 = arith.constant 0 : i32
        %get3A_1470 = tpu.memref_slice %arg6[%scan3A_1196, %get3A_1468, %get3A_1469] : memref<4x400x32xf32, #tpu.memory_space<vmem>> -> memref<1x100x32xf32, #tpu.memory_space<vmem>>
        %get3A_1471 = tpu.memref_squeeze %get3A_1470 : memref<1x100x32xf32, #tpu.memory_space<vmem>> -> memref<100x32xf32, #tpu.memory_space<vmem>>
        %get3A_1472 = arith.index_cast %add3A_1467 : i32 to index
        %get3A_1473 = arith.constant 0 : index
        %get3A_1474 = tpu.vector_load %get3A_1471[%get3A_1472, %get3A_1473] {strides = array<i32>} : memref<100x32xf32, #tpu.memory_space<vmem>>, vector<1x16xf32>,
        %get3A_1475 = vector.shape_cast %get3A_1474 : vector<1x16xf32> to vector<16xf32>
        %add3A_1476 = arith.addf %scan3A_1437, %get3A_1475 : vector<16xf32>
        %add3A_1477 = arith.constant 1 : i32
        %add3A_1478 = arith.addi %mul3A_1444, %add3A_1477 : i32
        %get3A_1479 = arith.constant 100 : i32
        %get3A_1480 = arith.constant 0 : i32
        %get3A_1481 = tpu.memref_slice %arg6[%scan3A_1196, %get3A_1479, %get3A_1480] : memref<4x400x32xf32, #tpu.memory_space<vmem>> -> memref<1x100x32xf32, #tpu.memory_space<vmem>>
        %get3A_1482 = tpu.memref_squeeze %get3A_1481 : memref<1x100x32xf32, #tpu.memory_space<vmem>> -> memref<100x32xf32, #tpu.memory_space<vmem>>
        %get3A_1483 = arith.index_cast %add3A_1478 : i32 to index
        %get3A_1484 = arith.constant 16 : index
        %get3A_1485 = tpu.vector_load %get3A_1482[%get3A_1483, %get3A_1484] {strides = array<i32>} : memref<100x32xf32, #tpu.memory_space<vmem>>, vector<1x16xf32>,
        %get3A_1486 = vector.shape_cast %get3A_1485 : vector<1x16xf32> to vector<16xf32>
        %add3A_1487 = arith.addf %scan3A_1438, %get3A_1486 : vector<16xf32>
        %add3A_1488 = arith.constant 2 : i32
        %add3A_1489 = arith.addi %mul3A_1444, %add3A_1488 : i32
        %get3A_1490 = arith.constant 100 : i32
        %get3A_1491 = arith.constant 0 : i32
        %get3A_1492 = tpu.memref_slice %arg6[%scan3A_1196, %get3A_1490, %get3A_1491] : memref<4x400x32xf32, #tpu.memory_space<vmem>> -> memref<1x100x32xf32, #tpu.memory_space<vmem>>
        %get3A_1493 = tpu.memref_squeeze %get3A_1492 : memref<1x100x32xf32, #tpu.memory_space<vmem>> -> memref<100x32xf32, #tpu.memory_space<vmem>>
        %get3A_1494 = arith.index_cast %add3A_1489 : i32 to index
        %get3A_1495 = arith.constant 0 : index
        %get3A_1496 = tpu.vector_load %get3A_1493[%get3A_1494, %get3A_1495] {strides = array<i32>} : memref<100x32xf32, #tpu.memory_space<vmem>>, vector<1x16xf32>,
        %get3A_1497 = vector.shape_cast %get3A_1496 : vector<1x16xf32> to vector<16xf32>
        %add3A_1498 = arith.addf %scan3A_1439, %get3A_1497 : vector<16xf32>
        %add3A_1499 = arith.constant 2 : i32
        %add3A_1500 = arith.addi %mul3A_1444, %add3A_1499 : i32
        %get3A_1501 = arith.constant 100 : i32
        %get3A_1502 = arith.constant 0 : i32
        %get3A_1503 = tpu.memref_slice %arg6[%scan3A_1196, %get3A_1501, %get3A_1502] : memref<4x400x32xf32, #tpu.memory_space<vmem>> -> memref<1x100x32xf32, #tpu.memory_space<vmem>>
        %get3A_1504 = tpu.memref_squeeze %get3A_1503 : memref<1x100x32xf32, #tpu.memory_space<vmem>> -> memref<100x32xf32, #tpu.memory_space<vmem>>
        %get3A_1505 = arith.index_cast %add3A_1500 : i32 to index
        %get3A_1506 = arith.constant 16 : index
        %get3A_1507 = tpu.vector_load %get3A_1504[%get3A_1505, %get3A_1506] {strides = array<i32>} : memref<100x32xf32, #tpu.memory_space<vmem>>, vector<1x16xf32>,
        %get3A_1508 = vector.shape_cast %get3A_1507 : vector<1x16xf32> to vector<16xf32>
        %add3A_1509 = arith.addf %scan3A_1440, %get3A_1508 : vector<16xf32>
        %add3A_1510 = arith.constant 3 : i32
        %add3A_1511 = arith.addi %mul3A_1444, %add3A_1510 : i32
        %get3A_1512 = arith.constant 100 : i32
        %get3A_1513 = arith.constant 0 : i32
        %get3A_1514 = tpu.memref_slice %arg6[%scan3A_1196, %get3A_1512, %get3A_1513] : memref<4x400x32xf32, #tpu.memory_space<vmem>> -> memref<1x100x32xf32, #tpu.memory_space<vmem>>
        %get3A_1515 = tpu.memref_squeeze %get3A_1514 : memref<1x100x32xf32, #tpu.memory_space<vmem>> -> memref<100x32xf32, #tpu.memory_space<vmem>>
        %get3A_1516 = arith.index_cast %add3A_1511 : i32 to index
        %get3A_1517 = arith.constant 0 : index
        %get3A_1518 = tpu.vector_load %get3A_1515[%get3A_1516, %get3A_1517] {strides = array<i32>} : memref<100x32xf32, #tpu.memory_space<vmem>>, vector<1x16xf32>,
        %get3A_1519 = vector.shape_cast %get3A_1518 : vector<1x16xf32> to vector<16xf32>
        %add3A_1520 = arith.addf %scan3A_1441, %get3A_1519 : vector<16xf32>
        %add3A_1521 = arith.constant 3 : i32
        %add3A_1522 = arith.addi %mul3A_1444, %add3A_1521 : i32
        %get3A_1523 = arith.constant 100 : i32
        %get3A_1524 = arith.constant 0 : i32
        %get3A_1525 = tpu.memref_slice %arg6[%scan3A_1196, %get3A_1523, %get3A_1524] : memref<4x400x32xf32, #tpu.memory_space<vmem>> -> memref<1x100x32xf32, #tpu.memory_space<vmem>>
        %get3A_1526 = tpu.memref_squeeze %get3A_1525 : memref<1x100x32xf32, #tpu.memory_space<vmem>> -> memref<100x32xf32, #tpu.memory_space<vmem>>
        %get3A_1527 = arith.index_cast %add3A_1522 : i32 to index
        %get3A_1528 = arith.constant 16 : index
        %get3A_1529 = tpu.vector_load %get3A_1526[%get3A_1527, %get3A_1528] {strides = array<i32>} : memref<100x32xf32, #tpu.memory_space<vmem>>, vector<1x16xf32>,
        %get3A_1530 = vector.shape_cast %get3A_1529 : vector<1x16xf32> to vector<16xf32>
        %add3A_1531 = arith.addf %scan3A_1442, %get3A_1530 : vector<16xf32>
        scf.yield %add3A_1454, %add3A_1465, %add3A_1476, %add3A_1487, %add3A_1498, %add3A_1509, %add3A_1520, %add3A_1531 : vector<16xf32>, vector<16xf32>, vector<16xf32>, vector<16xf32>, vector<16xf32>, vector<16xf32>, vector<16xf32>, vector<16xf32>
      }
      %scan3A_1202 = arith.constant 25 : i32
      %add3A_1203 = arith.addf %scan3A_1201#0, %scan3A_1201#2 : vector<16xf32>
      %add3A_1204 = arith.addf %scan3A_1201#4, %scan3A_1201#6 : vector<16xf32>
      %add3A_1205 = arith.addf %add3A_1203, %add3A_1204 : vector<16xf32>
      %add3A_1206 = arith.addf %scan3A_1201#1, %scan3A_1201#3 : vector<16xf32>
      %add3A_1207 = arith.addf %scan3A_1201#5, %scan3A_1201#7 : vector<16xf32>
      %add3A_1208 = arith.addf %add3A_1206, %add3A_1207 : vector<16xf32>
      %mul3A_1209 = arith.constant 0.00999999977 : f32
      %mul3A_1210 = vector.broadcast %mul3A_1209 : f32 to vector<16xf32>
      %mul3A_1211 = arith.mulf %add3A_1205, %mul3A_1210 : vector<16xf32>
      %mul3A_1212 = arith.constant 0.00999999977 : f32
      %mul3A_1213 = vector.broadcast %mul3A_1212 : f32 to vector<16xf32>
      %mul3A_1214 = arith.mulf %add3A_1208, %mul3A_1213 : vector<16xf32>
      %mul3A_1215 = arith.constant 4 : i32
      %mul3A_1216 = arith.muli %mul3A_1215, %add3A_1092 : i32
      %add3A_1217 = arith.constant 1 : i32
      %add3A_1218 = arith.addi %mul3A_1216, %add3A_1217 : i32
      %jit3A_1219 = arith.constant 4 : i32
      %div3A_1220 = arith.divsi %add3A_1218, %jit3A_1219 : i32
      %sign3A_1221 = arith.constant 0 : i32
      %sign3A_1222 = arith.cmpi sgt, %add3A_1218, %sign3A_1221 : i32
      %sign3A_1223 = arith.extui %sign3A_1222 : i1 to i32
      %sign3A_1224 = arith.constant 0 : i32
      %sign3A_1225 = arith.cmpi slt, %add3A_1218, %sign3A_1224 : i32
      %sign3A_1226 = arith.extui %sign3A_1225 : i1 to i32
      %sign3A_1227 = arith.subi %sign3A_1223, %sign3A_1226 : i32
      %sign3A_1228 = arith.constant 0 : i32
      %sign3A_1229 = arith.cmpi sgt, %jit3A_1219, %sign3A_1228 : i32
      %sign3A_1230 = arith.extui %sign3A_1229 : i1 to i32
      %sign3A_1231 = arith.constant 0 : i32
      %sign3A_1232 = arith.cmpi slt, %jit3A_1219, %sign3A_1231 : i32
      %sign3A_1233 = arith.extui %sign3A_1232 : i1 to i32
      %sign3A_1234 = arith.subi %sign3A_1230, %sign3A_1233 : i32
      %ne3A_1235 = arith.cmpi ne, %sign3A_1227, %sign3A_1234 : i32
      %rem3A_1236 = arith.remsi %add3A_1218, %jit3A_1219 : i32
      %ne3A_1237 = arith.constant 0 : i32
      %ne3A_1238 = arith.cmpi ne, %rem3A_1236, %ne3A_1237 : i32
      %and3A_1239 = arith.andi %ne3A_1235, %ne3A_1238 : i1
      %sub3A_1240 = arith.constant 1 : i32
      %sub3A_1241 = arith.subi %div3A_1220, %sub3A_1240 : i32
      %select_n3A_1242 = arith.select %and3A_1239, %sub3A_1241, %div3A_1220 : i32
      %jit3A_1243 = arith.constant 4 : i32
      %eq3A_1244 = arith.constant 0 : i32
      %eq3A_1245 = arith.cmpi eq, %jit3A_1243, %eq3A_1244 : i32
      %jit3A_1246 = arith.constant 1 : i32
      %select_n3A_1247 = arith.select %eq3A_1245, %jit3A_1246, %jit3A_1243 : i32
      %rem3A_1248 = arith.remsi %add3A_1218, %select_n3A_1247 : i32
      %ne3A_1249 = arith.constant 0 : i32
      %ne3A_1250 = arith.cmpi ne, %rem3A_1248, %ne3A_1249 : i32
      %lt3A_1251 = arith.constant 0 : i32
      %lt3A_1252 = arith.cmpi slt, %rem3A_1248, %lt3A_1251 : i32
      %lt3A_1253 = arith.constant 0 : i32
      %lt3A_1254 = arith.cmpi slt, %select_n3A_1247, %lt3A_1253 : i32
      %ne3A_1255 = arith.xori %lt3A_1252, %lt3A_1254 : i1
      %and3A_1256 = arith.andi %ne3A_1255, %ne3A_1250 : i1
      %add3A_1257 = arith.addi %rem3A_1248, %select_n3A_1247 : i32
      %select_n3A_1258 = arith.select %and3A_1256, %add3A_1257, %rem3A_1248 : i32
      %mul3A_1259 = arith.constant 32 : i32
      %mul3A_1260 = arith.muli %select_n3A_1258, %mul3A_1259 : i32
      %multiple_of3A_1261 = tpu.assume_multiple %mul3A_1260, 32 : i32
      %swap3A_1262 = arith.index_cast %select_n3A_1242 : i32 to index
      %swap3A_1263 = arith.index_cast %multiple_of3A_1261 : i32 to index
      %swap3A_1264 = tpu.vector_load %arg7[%swap3A_1262, %swap3A_1263] {strides = array<i32>} : memref<128x128xf32, #tpu.memory_space<vmem>>, vector<1x16xf32>,
      %swap3A_1265 = vector.shape_cast %swap3A_1264 : vector<1x16xf32> to vector<16xf32>
      %swap3A_1266 = vector.shape_cast %mul3A_1211 : vector<16xf32> to vector<1x16xf32>
      tpu.vector_store %arg7[%swap3A_1262, %swap3A_1263], %swap3A_1266 {strides = array<i32>} : memref<128x128xf32, #tpu.memory_space<vmem>>, vector<1x16xf32>,
      %add3A_1267 = arith.constant 16 : i32
      %add3A_1268 = arith.addi %multiple_of3A_1261, %add3A_1267 : i32
      %swap3A_1269 = arith.index_cast %select_n3A_1242 : i32 to index
      %swap3A_1270 = arith.index_cast %add3A_1268 : i32 to index
      %swap3A_1271 = tpu.vector_load %arg7[%swap3A_1269, %swap3A_1270] {strides = array<i32>} : memref<128x128xf32, #tpu.memory_space<vmem>>, vector<1x16xf32>,
      %swap3A_1272 = vector.shape_cast %swap3A_1271 : vector<1x16xf32> to vector<16xf32>
      %swap3A_1273 = vector.shape_cast %mul3A_1214 : vector<16xf32> to vector<1x16xf32>
      tpu.vector_store %arg7[%swap3A_1269, %swap3A_1270], %swap3A_1273 {strides = array<i32>} : memref<128x128xf32, #tpu.memory_space<vmem>>, vector<1x16xf32>,
      %broadcast_in_dim3A_1274 = arith.constant 0.000000e+00 : f32
      %broadcast_in_dim3A_1275 = vector.broadcast %broadcast_in_dim3A_1274 : f32 to vector<16xf32>
      %scan3A_1276 = arith.constant 3 : i32
      %scan3A_1277 = arith.constant 0 : i32
      %scan3A_1278 = arith.constant 25 : i32
      %scan3A_1279 = arith.addi %scan3A_1277, %scan3A_1278 : i32
      %scan3A_1280 = arith.constant 1 : i32
      %scan3A_1281:8 = scf.for %scan3A_1434 = %scan3A_1277 to %scan3A_1279 step %scan3A_1280 iter_args(%scan3A_1435 = %broadcast_in_dim3A_1275, %scan3A_1436 = %broadcast_in_dim3A_1275, %scan3A_1437 = %broadcast_in_dim3A_1275, %scan3A_1438 = %broadcast_in_dim3A_1275, %scan3A_1439 = %broadcast_in_dim3A_1275, %scan3A_1440 = %broadcast_in_dim3A_1275, %scan3A_1441 = %broadcast_in_dim3A_1275, %scan3A_1442 = %broadcast_in_dim3A_1275) -> (vector<16xf32>, vector<16xf32>, vector<16xf32>, vector<16xf32>, vector<16xf32>, vector<16xf32>, vector<16xf32>, vector<16xf32>)  : i32 {
        %mul3A_1443 = arith.constant 4 : i32
        %mul3A_1444 = arith.muli %scan3A_1434, %mul3A_1443 : i32
        %add3A_1445 = arith.constant 0 : i32
        %add3A_1446 = arith.addi %mul3A_1444, %add3A_1445 : i32
        %get3A = arith.constant 200 : i32
        %get3A_1447 = arith.constant 0 : i32
        %get3A_1448 = tpu.memref_slice %arg6[%scan3A_1276, %get3A, %get3A_1447] : memref<4x400x32xf32, #tpu.memory_space<vmem>> -> memref<1x100x32xf32, #tpu.memory_space<vmem>>
        %get3A_1449 = tpu.memref_squeeze %get3A_1448 : memref<1x100x32xf32, #tpu.memory_space<vmem>> -> memref<100x32xf32, #tpu.memory_space<vmem>>
        %get3A_1450 = arith.index_cast %add3A_1446 : i32 to index
        %get3A_1451 = arith.constant 0 : index
        %get3A_1452 = tpu.vector_load %get3A_1449[%get3A_1450, %get3A_1451] {strides = array<i32>} : memref<100x32xf32, #tpu.memory_space<vmem>>, vector<1x16xf32>,
        %get3A_1453 = vector.shape_cast %get3A_1452 : vector<1x16xf32> to vector<16xf32>
        %add3A_1454 = arith.addf %scan3A_1435, %get3A_1453 : vector<16xf32>
        %add3A_1455 = arith.constant 0 : i32
        %add3A_1456 = arith.addi %mul3A_1444, %add3A_1455 : i32
        %get3A_1457 = arith.constant 200 : i32
        %get3A_1458 = arith.constant 0 : i32
        %get3A_1459 = tpu.memref_slice %arg6[%scan3A_1276, %get3A_1457, %get3A_1458] : memref<4x400x32xf32, #tpu.memory_space<vmem>> -> memref<1x100x32xf32, #tpu.memory_space<vmem>>
        %get3A_1460 = tpu.memref_squeeze %get3A_1459 : memref<1x100x32xf32, #tpu.memory_space<vmem>> -> memref<100x32xf32, #tpu.memory_space<vmem>>
        %get3A_1461 = arith.index_cast %add3A_1456 : i32 to index
        %get3A_1462 = arith.constant 16 : index
        %get3A_1463 = tpu.vector_load %get3A_1460[%get3A_1461, %get3A_1462] {strides = array<i32>} : memref<100x32xf32, #tpu.memory_space<vmem>>, vector<1x16xf32>,
        %get3A_1464 = vector.shape_cast %get3A_1463 : vector<1x16xf32> to vector<16xf32>
        %add3A_1465 = arith.addf %scan3A_1436, %get3A_1464 : vector<16xf32>
        %add3A_1466 = arith.constant 1 : i32
        %add3A_1467 = arith.addi %mul3A_1444, %add3A_1466 : i32
        %get3A_1468 = arith.constant 200 : i32
        %get3A_1469 = arith.constant 0 : i32
        %get3A_1470 = tpu.memref_slice %arg6[%scan3A_1276, %get3A_1468, %get3A_1469] : memref<4x400x32xf32, #tpu.memory_space<vmem>> -> memref<1x100x32xf32, #tpu.memory_space<vmem>>
        %get3A_1471 = tpu.memref_squeeze %get3A_1470 : memref<1x100x32xf32, #tpu.memory_space<vmem>> -> memref<100x32xf32, #tpu.memory_space<vmem>>
        %get3A_1472 = arith.index_cast %add3A_1467 : i32 to index
        %get3A_1473 = arith.constant 0 : index
        %get3A_1474 = tpu.vector_load %get3A_1471[%get3A_1472, %get3A_1473] {strides = array<i32>} : memref<100x32xf32, #tpu.memory_space<vmem>>, vector<1x16xf32>,
        %get3A_1475 = vector.shape_cast %get3A_1474 : vector<1x16xf32> to vector<16xf32>
        %add3A_1476 = arith.addf %scan3A_1437, %get3A_1475 : vector<16xf32>
        %add3A_1477 = arith.constant 1 : i32
        %add3A_1478 = arith.addi %mul3A_1444, %add3A_1477 : i32
        %get3A_1479 = arith.constant 200 : i32
        %get3A_1480 = arith.constant 0 : i32
        %get3A_1481 = tpu.memref_slice %arg6[%scan3A_1276, %get3A_1479, %get3A_1480] : memref<4x400x32xf32, #tpu.memory_space<vmem>> -> memref<1x100x32xf32, #tpu.memory_space<vmem>>
        %get3A_1482 = tpu.memref_squeeze %get3A_1481 : memref<1x100x32xf32, #tpu.memory_space<vmem>> -> memref<100x32xf32, #tpu.memory_space<vmem>>
        %get3A_1483 = arith.index_cast %add3A_1478 : i32 to index
        %get3A_1484 = arith.constant 16 : index
        %get3A_1485 = tpu.vector_load %get3A_1482[%get3A_1483, %get3A_1484] {strides = array<i32>} : memref<100x32xf32, #tpu.memory_space<vmem>>, vector<1x16xf32>,
        %get3A_1486 = vector.shape_cast %get3A_1485 : vector<1x16xf32> to vector<16xf32>
        %add3A_1487 = arith.addf %scan3A_1438, %get3A_1486 : vector<16xf32>
        %add3A_1488 = arith.constant 2 : i32
        %add3A_1489 = arith.addi %mul3A_1444, %add3A_1488 : i32
        %get3A_1490 = arith.constant 200 : i32
        %get3A_1491 = arith.constant 0 : i32
        %get3A_1492 = tpu.memref_slice %arg6[%scan3A_1276, %get3A_1490, %get3A_1491] : memref<4x400x32xf32, #tpu.memory_space<vmem>> -> memref<1x100x32xf32, #tpu.memory_space<vmem>>
        %get3A_1493 = tpu.memref_squeeze %get3A_1492 : memref<1x100x32xf32, #tpu.memory_space<vmem>> -> memref<100x32xf32, #tpu.memory_space<vmem>>
        %get3A_1494 = arith.index_cast %add3A_1489 : i32 to index
        %get3A_1495 = arith.constant 0 : index
        %get3A_1496 = tpu.vector_load %get3A_1493[%get3A_1494, %get3A_1495] {strides = array<i32>} : memref<100x32xf32, #tpu.memory_space<vmem>>, vector<1x16xf32>,
        %get3A_1497 = vector.shape_cast %get3A_1496 : vector<1x16xf32> to vector<16xf32>
        %add3A_1498 = arith.addf %scan3A_1439, %get3A_1497 : vector<16xf32>
        %add3A_1499 = arith.constant 2 : i32
        %add3A_1500 = arith.addi %mul3A_1444, %add3A_1499 : i32
        %get3A_1501 = arith.constant 200 : i32
        %get3A_1502 = arith.constant 0 : i32
        %get3A_1503 = tpu.memref_slice %arg6[%scan3A_1276, %get3A_1501, %get3A_1502] : memref<4x400x32xf32, #tpu.memory_space<vmem>> -> memref<1x100x32xf32, #tpu.memory_space<vmem>>
        %get3A_1504 = tpu.memref_squeeze %get3A_1503 : memref<1x100x32xf32, #tpu.memory_space<vmem>> -> memref<100x32xf32, #tpu.memory_space<vmem>>
        %get3A_1505 = arith.index_cast %add3A_1500 : i32 to index
        %get3A_1506 = arith.constant 16 : index
        %get3A_1507 = tpu.vector_load %get3A_1504[%get3A_1505, %get3A_1506] {strides = array<i32>} : memref<100x32xf32, #tpu.memory_space<vmem>>, vector<1x16xf32>,
        %get3A_1508 = vector.shape_cast %get3A_1507 : vector<1x16xf32> to vector<16xf32>
        %add3A_1509 = arith.addf %scan3A_1440, %get3A_1508 : vector<16xf32>
        %add3A_1510 = arith.constant 3 : i32
        %add3A_1511 = arith.addi %mul3A_1444, %add3A_1510 : i32
        %get3A_1512 = arith.constant 200 : i32
        %get3A_1513 = arith.constant 0 : i32
        %get3A_1514 = tpu.memref_slice %arg6[%scan3A_1276, %get3A_1512, %get3A_1513] : memref<4x400x32xf32, #tpu.memory_space<vmem>> -> memref<1x100x32xf32, #tpu.memory_space<vmem>>
        %get3A_1515 = tpu.memref_squeeze %get3A_1514 : memref<1x100x32xf32, #tpu.memory_space<vmem>> -> memref<100x32xf32, #tpu.memory_space<vmem>>
        %get3A_1516 = arith.index_cast %add3A_1511 : i32 to index
        %get3A_1517 = arith.constant 0 : index
        %get3A_1518 = tpu.vector_load %get3A_1515[%get3A_1516, %get3A_1517] {strides = array<i32>} : memref<100x32xf32, #tpu.memory_space<vmem>>, vector<1x16xf32>,
        %get3A_1519 = vector.shape_cast %get3A_1518 : vector<1x16xf32> to vector<16xf32>
        %add3A_1520 = arith.addf %scan3A_1441, %get3A_1519 : vector<16xf32>
        %add3A_1521 = arith.constant 3 : i32
        %add3A_1522 = arith.addi %mul3A_1444, %add3A_1521 : i32
        %get3A_1523 = arith.constant 200 : i32
        %get3A_1524 = arith.constant 0 : i32
        %get3A_1525 = tpu.memref_slice %arg6[%scan3A_1276, %get3A_1523, %get3A_1524] : memref<4x400x32xf32, #tpu.memory_space<vmem>> -> memref<1x100x32xf32, #tpu.memory_space<vmem>>
        %get3A_1526 = tpu.memref_squeeze %get3A_1525 : memref<1x100x32xf32, #tpu.memory_space<vmem>> -> memref<100x32xf32, #tpu.memory_space<vmem>>
        %get3A_1527 = arith.index_cast %add3A_1522 : i32 to index
        %get3A_1528 = arith.constant 16 : index
        %get3A_1529 = tpu.vector_load %get3A_1526[%get3A_1527, %get3A_1528] {strides = array<i32>} : memref<100x32xf32, #tpu.memory_space<vmem>>, vector<1x16xf32>,
        %get3A_1530 = vector.shape_cast %get3A_1529 : vector<1x16xf32> to vector<16xf32>
        %add3A_1531 = arith.addf %scan3A_1442, %get3A_1530 : vector<16xf32>
        scf.yield %add3A_1454, %add3A_1465, %add3A_1476, %add3A_1487, %add3A_1498, %add3A_1509, %add3A_1520, %add3A_1531 : vector<16xf32>, vector<16xf32>, vector<16xf32>, vector<16xf32>, vector<16xf32>, vector<16xf32>, vector<16xf32>, vector<16xf32>
      }
      %scan3A_1282 = arith.constant 25 : i32
      %add3A_1283 = arith.addf %scan3A_1281#0, %scan3A_1281#2 : vector<16xf32>
      %add3A_1284 = arith.addf %scan3A_1281#4, %scan3A_1281#6 : vector<16xf32>
      %add3A_1285 = arith.addf %add3A_1283, %add3A_1284 : vector<16xf32>
      %add3A_1286 = arith.addf %scan3A_1281#1, %scan3A_1281#3 : vector<16xf32>
      %add3A_1287 = arith.addf %scan3A_1281#5, %scan3A_1281#7 : vector<16xf32>
      %add3A_1288 = arith.addf %add3A_1286, %add3A_1287 : vector<16xf32>
      %mul3A_1289 = arith.constant 0.00999999977 : f32
      %mul3A_1290 = vector.broadcast %mul3A_1289 : f32 to vector<16xf32>
      %mul3A_1291 = arith.mulf %add3A_1285, %mul3A_1290 : vector<16xf32>
      %mul3A_1292 = arith.constant 0.00999999977 : f32
      %mul3A_1293 = vector.broadcast %mul3A_1292 : f32 to vector<16xf32>
      %mul3A_1294 = arith.mulf %add3A_1288, %mul3A_1293 : vector<16xf32>
      %mul3A_1295 = arith.constant 4 : i32
      %mul3A_1296 = arith.muli %mul3A_1295, %add3A_1092 : i32
      %add3A_1297 = arith.constant 2 : i32
      %add3A_1298 = arith.addi %mul3A_1296, %add3A_1297 : i32
      %jit3A_1299 = arith.constant 4 : i32
      %div3A_1300 = arith.divsi %add3A_1298, %jit3A_1299 : i32
      %sign3A_1301 = arith.constant 0 : i32
      %sign3A_1302 = arith.cmpi sgt, %add3A_1298, %sign3A_1301 : i32
      %sign3A_1303 = arith.extui %sign3A_1302 : i1 to i32
      %sign3A_1304 = arith.constant 0 : i32
      %sign3A_1305 = arith.cmpi slt, %add3A_1298, %sign3A_1304 : i32
      %sign3A_1306 = arith.extui %sign3A_1305 : i1 to i32
      %sign3A_1307 = arith.subi %sign3A_1303, %sign3A_1306 : i32
      %sign3A_1308 = arith.constant 0 : i32
      %sign3A_1309 = arith.cmpi sgt, %jit3A_1299, %sign3A_1308 : i32
      %sign3A_1310 = arith.extui %sign3A_1309 : i1 to i32
      %sign3A_1311 = arith.constant 0 : i32
      %sign3A_1312 = arith.cmpi slt, %jit3A_1299, %sign3A_1311 : i32
      %sign3A_1313 = arith.extui %sign3A_1312 : i1 to i32
      %sign3A_1314 = arith.subi %sign3A_1310, %sign3A_1313 : i32
      %ne3A_1315 = arith.cmpi ne, %sign3A_1307, %sign3A_1314 : i32
      %rem3A_1316 = arith.remsi %add3A_1298, %jit3A_1299 : i32
      %ne3A_1317 = arith.constant 0 : i32
      %ne3A_1318 = arith.cmpi ne, %rem3A_1316, %ne3A_1317 : i32
      %and3A_1319 = arith.andi %ne3A_1315, %ne3A_1318 : i1
      %sub3A_1320 = arith.constant 1 : i32
      %sub3A_1321 = arith.subi %div3A_1300, %sub3A_1320 : i32
      %select_n3A_1322 = arith.select %and3A_1319, %sub3A_1321, %div3A_1300 : i32
      %jit3A_1323 = arith.constant 4 : i32
      %eq3A_1324 = arith.constant 0 : i32
      %eq3A_1325 = arith.cmpi eq, %jit3A_1323, %eq3A_1324 : i32
      %jit3A_1326 = arith.constant 1 : i32
      %select_n3A_1327 = arith.select %eq3A_1325, %jit3A_1326, %jit3A_1323 : i32
      %rem3A_1328 = arith.remsi %add3A_1298, %select_n3A_1327 : i32
      %ne3A_1329 = arith.constant 0 : i32
      %ne3A_1330 = arith.cmpi ne, %rem3A_1328, %ne3A_1329 : i32
      %lt3A_1331 = arith.constant 0 : i32
      %lt3A_1332 = arith.cmpi slt, %rem3A_1328, %lt3A_1331 : i32
      %lt3A_1333 = arith.constant 0 : i32
      %lt3A_1334 = arith.cmpi slt, %select_n3A_1327, %lt3A_1333 : i32
      %ne3A_1335 = arith.xori %lt3A_1332, %lt3A_1334 : i1
      %and3A_1336 = arith.andi %ne3A_1335, %ne3A_1330 : i1
      %add3A_1337 = arith.addi %rem3A_1328, %select_n3A_1327 : i32
      %select_n3A_1338 = arith.select %and3A_1336, %add3A_1337, %rem3A_1328 : i32
      %mul3A_1339 = arith.constant 32 : i32
      %mul3A_1340 = arith.muli %select_n3A_1338, %mul3A_1339 : i32
      %multiple_of3A_1341 = tpu.assume_multiple %mul3A_1340, 32 : i32
      %swap3A_1342 = arith.index_cast %select_n3A_1322 : i32 to index
      %swap3A_1343 = arith.index_cast %multiple_of3A_1341 : i32 to index
      %swap3A_1344 = tpu.vector_load %arg7[%swap3A_1342, %swap3A_1343] {strides = array<i32>} : memref<128x128xf32, #tpu.memory_space<vmem>>, vector<1x16xf32>,
      %swap3A_1345 = vector.shape_cast %swap3A_1344 : vector<1x16xf32> to vector<16xf32>
      %swap3A_1346 = vector.shape_cast %mul3A_1291 : vector<16xf32> to vector<1x16xf32>
      tpu.vector_store %arg7[%swap3A_1342, %swap3A_1343], %swap3A_1346 {strides = array<i32>} : memref<128x128xf32, #tpu.memory_space<vmem>>, vector<1x16xf32>,
      %add3A_1347 = arith.constant 16 : i32
      %add3A_1348 = arith.addi %multiple_of3A_1341, %add3A_1347 : i32
      %swap3A_1349 = arith.index_cast %select_n3A_1322 : i32 to index
      %swap3A_1350 = arith.index_cast %add3A_1348 : i32 to index
      %swap3A_1351 = tpu.vector_load %arg7[%swap3A_1349, %swap3A_1350] {strides = array<i32>} : memref<128x128xf32, #tpu.memory_space<vmem>>, vector<1x16xf32>,
      %swap3A_1352 = vector.shape_cast %swap3A_1351 : vector<1x16xf32> to vector<16xf32>
      %swap3A_1353 = vector.shape_cast %mul3A_1294 : vector<16xf32> to vector<1x16xf32>
      tpu.vector_store %arg7[%swap3A_1349, %swap3A_1350], %swap3A_1353 {strides = array<i32>} : memref<128x128xf32, #tpu.memory_space<vmem>>, vector<1x16xf32>,
      %broadcast_in_dim3A_1354 = arith.constant 0.000000e+00 : f32
      %broadcast_in_dim3A_1355 = vector.broadcast %broadcast_in_dim3A_1354 : f32 to vector<16xf32>
      %scan3A_1356 = arith.constant 3 : i32
      %scan3A_1357 = arith.constant 0 : i32
      %scan3A_1358 = arith.constant 25 : i32
      %scan3A_1359 = arith.addi %scan3A_1357, %scan3A_1358 : i32
      %scan3A_1360 = arith.constant 1 : i32
      %scan3A_1361:8 = scf.for %scan3A_1434 = %scan3A_1357 to %scan3A_1359 step %scan3A_1360 iter_args(%scan3A_1435 = %broadcast_in_dim3A_1355, %scan3A_1436 = %broadcast_in_dim3A_1355, %scan3A_1437 = %broadcast_in_dim3A_1355, %scan3A_1438 = %broadcast_in_dim3A_1355, %scan3A_1439 = %broadcast_in_dim3A_1355, %scan3A_1440 = %broadcast_in_dim3A_1355, %scan3A_1441 = %broadcast_in_dim3A_1355, %scan3A_1442 = %broadcast_in_dim3A_1355) -> (vector<16xf32>, vector<16xf32>, vector<16xf32>, vector<16xf32>, vector<16xf32>, vector<16xf32>, vector<16xf32>, vector<16xf32>)  : i32 {
        %mul3A_1443 = arith.constant 4 : i32
        %mul3A_1444 = arith.muli %scan3A_1434, %mul3A_1443 : i32
        %add3A_1445 = arith.constant 0 : i32
        %add3A_1446 = arith.addi %mul3A_1444, %add3A_1445 : i32
        %get3A = arith.constant 300 : i32
        %get3A_1447 = arith.constant 0 : i32
        %get3A_1448 = tpu.memref_slice %arg6[%scan3A_1356, %get3A, %get3A_1447] : memref<4x400x32xf32, #tpu.memory_space<vmem>> -> memref<1x100x32xf32, #tpu.memory_space<vmem>>
        %get3A_1449 = tpu.memref_squeeze %get3A_1448 : memref<1x100x32xf32, #tpu.memory_space<vmem>> -> memref<100x32xf32, #tpu.memory_space<vmem>>
        %get3A_1450 = arith.index_cast %add3A_1446 : i32 to index
        %get3A_1451 = arith.constant 0 : index
        %get3A_1452 = tpu.vector_load %get3A_1449[%get3A_1450, %get3A_1451] {strides = array<i32>} : memref<100x32xf32, #tpu.memory_space<vmem>>, vector<1x16xf32>,
        %get3A_1453 = vector.shape_cast %get3A_1452 : vector<1x16xf32> to vector<16xf32>
        %add3A_1454 = arith.addf %scan3A_1435, %get3A_1453 : vector<16xf32>
        %add3A_1455 = arith.constant 0 : i32
        %add3A_1456 = arith.addi %mul3A_1444, %add3A_1455 : i32
        %get3A_1457 = arith.constant 300 : i32
        %get3A_1458 = arith.constant 0 : i32
        %get3A_1459 = tpu.memref_slice %arg6[%scan3A_1356, %get3A_1457, %get3A_1458] : memref<4x400x32xf32, #tpu.memory_space<vmem>> -> memref<1x100x32xf32, #tpu.memory_space<vmem>>
        %get3A_1460 = tpu.memref_squeeze %get3A_1459 : memref<1x100x32xf32, #tpu.memory_space<vmem>> -> memref<100x32xf32, #tpu.memory_space<vmem>>
        %get3A_1461 = arith.index_cast %add3A_1456 : i32 to index
        %get3A_1462 = arith.constant 16 : index
        %get3A_1463 = tpu.vector_load %get3A_1460[%get3A_1461, %get3A_1462] {strides = array<i32>} : memref<100x32xf32, #tpu.memory_space<vmem>>, vector<1x16xf32>,
        %get3A_1464 = vector.shape_cast %get3A_1463 : vector<1x16xf32> to vector<16xf32>
        %add3A_1465 = arith.addf %scan3A_1436, %get3A_1464 : vector<16xf32>
        %add3A_1466 = arith.constant 1 : i32
        %add3A_1467 = arith.addi %mul3A_1444, %add3A_1466 : i32
        %get3A_1468 = arith.constant 300 : i32
        %get3A_1469 = arith.constant 0 : i32
        %get3A_1470 = tpu.memref_slice %arg6[%scan3A_1356, %get3A_1468, %get3A_1469] : memref<4x400x32xf32, #tpu.memory_space<vmem>> -> memref<1x100x32xf32, #tpu.memory_space<vmem>>
        %get3A_1471 = tpu.memref_squeeze %get3A_1470 : memref<1x100x32xf32, #tpu.memory_space<vmem>> -> memref<100x32xf32, #tpu.memory_space<vmem>>
        %get3A_1472 = arith.index_cast %add3A_1467 : i32 to index
        %get3A_1473 = arith.constant 0 : index
        %get3A_1474 = tpu.vector_load %get3A_1471[%get3A_1472, %get3A_1473] {strides = array<i32>} : memref<100x32xf32, #tpu.memory_space<vmem>>, vector<1x16xf32>,
        %get3A_1475 = vector.shape_cast %get3A_1474 : vector<1x16xf32> to vector<16xf32>
        %add3A_1476 = arith.addf %scan3A_1437, %get3A_1475 : vector<16xf32>
        %add3A_1477 = arith.constant 1 : i32
        %add3A_1478 = arith.addi %mul3A_1444, %add3A_1477 : i32
        %get3A_1479 = arith.constant 300 : i32
        %get3A_1480 = arith.constant 0 : i32
        %get3A_1481 = tpu.memref_slice %arg6[%scan3A_1356, %get3A_1479, %get3A_1480] : memref<4x400x32xf32, #tpu.memory_space<vmem>> -> memref<1x100x32xf32, #tpu.memory_space<vmem>>
        %get3A_1482 = tpu.memref_squeeze %get3A_1481 : memref<1x100x32xf32, #tpu.memory_space<vmem>> -> memref<100x32xf32, #tpu.memory_space<vmem>>
        %get3A_1483 = arith.index_cast %add3A_1478 : i32 to index
        %get3A_1484 = arith.constant 16 : index
        %get3A_1485 = tpu.vector_load %get3A_1482[%get3A_1483, %get3A_1484] {strides = array<i32>} : memref<100x32xf32, #tpu.memory_space<vmem>>, vector<1x16xf32>,
        %get3A_1486 = vector.shape_cast %get3A_1485 : vector<1x16xf32> to vector<16xf32>
        %add3A_1487 = arith.addf %scan3A_1438, %get3A_1486 : vector<16xf32>
        %add3A_1488 = arith.constant 2 : i32
        %add3A_1489 = arith.addi %mul3A_1444, %add3A_1488 : i32
        %get3A_1490 = arith.constant 300 : i32
        %get3A_1491 = arith.constant 0 : i32
        %get3A_1492 = tpu.memref_slice %arg6[%scan3A_1356, %get3A_1490, %get3A_1491] : memref<4x400x32xf32, #tpu.memory_space<vmem>> -> memref<1x100x32xf32, #tpu.memory_space<vmem>>
        %get3A_1493 = tpu.memref_squeeze %get3A_1492 : memref<1x100x32xf32, #tpu.memory_space<vmem>> -> memref<100x32xf32, #tpu.memory_space<vmem>>
        %get3A_1494 = arith.index_cast %add3A_1489 : i32 to index
        %get3A_1495 = arith.constant 0 : index
        %get3A_1496 = tpu.vector_load %get3A_1493[%get3A_1494, %get3A_1495] {strides = array<i32>} : memref<100x32xf32, #tpu.memory_space<vmem>>, vector<1x16xf32>,
        %get3A_1497 = vector.shape_cast %get3A_1496 : vector<1x16xf32> to vector<16xf32>
        %add3A_1498 = arith.addf %scan3A_1439, %get3A_1497 : vector<16xf32>
        %add3A_1499 = arith.constant 2 : i32
        %add3A_1500 = arith.addi %mul3A_1444, %add3A_1499 : i32
        %get3A_1501 = arith.constant 300 : i32
        %get3A_1502 = arith.constant 0 : i32
        %get3A_1503 = tpu.memref_slice %arg6[%scan3A_1356, %get3A_1501, %get3A_1502] : memref<4x400x32xf32, #tpu.memory_space<vmem>> -> memref<1x100x32xf32, #tpu.memory_space<vmem>>
        %get3A_1504 = tpu.memref_squeeze %get3A_1503 : memref<1x100x32xf32, #tpu.memory_space<vmem>> -> memref<100x32xf32, #tpu.memory_space<vmem>>
        %get3A_1505 = arith.index_cast %add3A_1500 : i32 to index
        %get3A_1506 = arith.constant 16 : index
        %get3A_1507 = tpu.vector_load %get3A_1504[%get3A_1505, %get3A_1506] {strides = array<i32>} : memref<100x32xf32, #tpu.memory_space<vmem>>, vector<1x16xf32>,
        %get3A_1508 = vector.shape_cast %get3A_1507 : vector<1x16xf32> to vector<16xf32>
        %add3A_1509 = arith.addf %scan3A_1440, %get3A_1508 : vector<16xf32>
        %add3A_1510 = arith.constant 3 : i32
        %add3A_1511 = arith.addi %mul3A_1444, %add3A_1510 : i32
        %get3A_1512 = arith.constant 300 : i32
        %get3A_1513 = arith.constant 0 : i32
        %get3A_1514 = tpu.memref_slice %arg6[%scan3A_1356, %get3A_1512, %get3A_1513] : memref<4x400x32xf32, #tpu.memory_space<vmem>> -> memref<1x100x32xf32, #tpu.memory_space<vmem>>
        %get3A_1515 = tpu.memref_squeeze %get3A_1514 : memref<1x100x32xf32, #tpu.memory_space<vmem>> -> memref<100x32xf32, #tpu.memory_space<vmem>>
        %get3A_1516 = arith.index_cast %add3A_1511 : i32 to index
        %get3A_1517 = arith.constant 0 : index
        %get3A_1518 = tpu.vector_load %get3A_1515[%get3A_1516, %get3A_1517] {strides = array<i32>} : memref<100x32xf32, #tpu.memory_space<vmem>>, vector<1x16xf32>,
        %get3A_1519 = vector.shape_cast %get3A_1518 : vector<1x16xf32> to vector<16xf32>
        %add3A_1520 = arith.addf %scan3A_1441, %get3A_1519 : vector<16xf32>
        %add3A_1521 = arith.constant 3 : i32
        %add3A_1522 = arith.addi %mul3A_1444, %add3A_1521 : i32
        %get3A_1523 = arith.constant 300 : i32
        %get3A_1524 = arith.constant 0 : i32
        %get3A_1525 = tpu.memref_slice %arg6[%scan3A_1356, %get3A_1523, %get3A_1524] : memref<4x400x32xf32, #tpu.memory_space<vmem>> -> memref<1x100x32xf32, #tpu.memory_space<vmem>>
        %get3A_1526 = tpu.memref_squeeze %get3A_1525 : memref<1x100x32xf32, #tpu.memory_space<vmem>> -> memref<100x32xf32, #tpu.memory_space<vmem>>
        %get3A_1527 = arith.index_cast %add3A_1522 : i32 to index
        %get3A_1528 = arith.constant 16 : index
        %get3A_1529 = tpu.vector_load %get3A_1526[%get3A_1527, %get3A_1528] {strides = array<i32>} : memref<100x32xf32, #tpu.memory_space<vmem>>, vector<1x16xf32>,
        %get3A_1530 = vector.shape_cast %get3A_1529 : vector<1x16xf32> to vector<16xf32>
        %add3A_1531 = arith.addf %scan3A_1442, %get3A_1530 : vector<16xf32>
        scf.yield %add3A_1454, %add3A_1465, %add3A_1476, %add3A_1487, %add3A_1498, %add3A_1509, %add3A_1520, %add3A_1531 : vector<16xf32>, vector<16xf32>, vector<16xf32>, vector<16xf32>, vector<16xf32>, vector<16xf32>, vector<16xf32>, vector<16xf32>
      }
      %scan3A_1362 = arith.constant 25 : i32
      %add3A_1363 = arith.addf %scan3A_1361#0, %scan3A_1361#2 : vector<16xf32>
      %add3A_1364 = arith.addf %scan3A_1361#4, %scan3A_1361#6 : vector<16xf32>
      %add3A_1365 = arith.addf %add3A_1363, %add3A_1364 : vector<16xf32>
      %add3A_1366 = arith.addf %scan3A_1361#1, %scan3A_1361#3 : vector<16xf32>
      %add3A_1367 = arith.addf %scan3A_1361#5, %scan3A_1361#7 : vector<16xf32>
      %add3A_1368 = arith.addf %add3A_1366, %add3A_1367 : vector<16xf32>
      %mul3A_1369 = arith.constant 0.00999999977 : f32
      %mul3A_1370 = vector.broadcast %mul3A_1369 : f32 to vector<16xf32>
      %mul3A_1371 = arith.mulf %add3A_1365, %mul3A_1370 : vector<16xf32>
      %mul3A_1372 = arith.constant 0.00999999977 : f32
      %mul3A_1373 = vector.broadcast %mul3A_1372 : f32 to vector<16xf32>
      %mul3A_1374 = arith.mulf %add3A_1368, %mul3A_1373 : vector<16xf32>
      %mul3A_1375 = arith.constant 4 : i32
      %mul3A_1376 = arith.muli %mul3A_1375, %add3A_1092 : i32
      %add3A_1377 = arith.constant 3 : i32
      %add3A_1378 = arith.addi %mul3A_1376, %add3A_1377 : i32
      %jit3A_1379 = arith.constant 4 : i32
      %div3A_1380 = arith.divsi %add3A_1378, %jit3A_1379 : i32
      %sign3A_1381 = arith.constant 0 : i32
      %sign3A_1382 = arith.cmpi sgt, %add3A_1378, %sign3A_1381 : i32
      %sign3A_1383 = arith.extui %sign3A_1382 : i1 to i32
      %sign3A_1384 = arith.constant 0 : i32
      %sign3A_1385 = arith.cmpi slt, %add3A_1378, %sign3A_1384 : i32
      %sign3A_1386 = arith.extui %sign3A_1385 : i1 to i32
      %sign3A_1387 = arith.subi %sign3A_1383, %sign3A_1386 : i32
      %sign3A_1388 = arith.constant 0 : i32
      %sign3A_1389 = arith.cmpi sgt, %jit3A_1379, %sign3A_1388 : i32
      %sign3A_1390 = arith.extui %sign3A_1389 : i1 to i32
      %sign3A_1391 = arith.constant 0 : i32
      %sign3A_1392 = arith.cmpi slt, %jit3A_1379, %sign3A_1391 : i32
      %sign3A_1393 = arith.extui %sign3A_1392 : i1 to i32
      %sign3A_1394 = arith.subi %sign3A_1390, %sign3A_1393 : i32
      %ne3A_1395 = arith.cmpi ne, %sign3A_1387, %sign3A_1394 : i32
      %rem3A_1396 = arith.remsi %add3A_1378, %jit3A_1379 : i32
      %ne3A_1397 = arith.constant 0 : i32
      %ne3A_1398 = arith.cmpi ne, %rem3A_1396, %ne3A_1397 : i32
      %and3A_1399 = arith.andi %ne3A_1395, %ne3A_1398 : i1
      %sub3A_1400 = arith.constant 1 : i32
      %sub3A_1401 = arith.subi %div3A_1380, %sub3A_1400 : i32
      %select_n3A_1402 = arith.select %and3A_1399, %sub3A_1401, %div3A_1380 : i32
      %jit3A_1403 = arith.constant 4 : i32
      %eq3A_1404 = arith.constant 0 : i32
      %eq3A_1405 = arith.cmpi eq, %jit3A_1403, %eq3A_1404 : i32
      %jit3A_1406 = arith.constant 1 : i32
      %select_n3A_1407 = arith.select %eq3A_1405, %jit3A_1406, %jit3A_1403 : i32
      %rem3A_1408 = arith.remsi %add3A_1378, %select_n3A_1407 : i32
      %ne3A_1409 = arith.constant 0 : i32
      %ne3A_1410 = arith.cmpi ne, %rem3A_1408, %ne3A_1409 : i32
      %lt3A_1411 = arith.constant 0 : i32
      %lt3A_1412 = arith.cmpi slt, %rem3A_1408, %lt3A_1411 : i32
      %lt3A_1413 = arith.constant 0 : i32
      %lt3A_1414 = arith.cmpi slt, %select_n3A_1407, %lt3A_1413 : i32
      %ne3A_1415 = arith.xori %lt3A_1412, %lt3A_1414 : i1
      %and3A_1416 = arith.andi %ne3A_1415, %ne3A_1410 : i1
      %add3A_1417 = arith.addi %rem3A_1408, %select_n3A_1407 : i32
      %select_n3A_1418 = arith.select %and3A_1416, %add3A_1417, %rem3A_1408 : i32
      %mul3A_1419 = arith.constant 32 : i32
      %mul3A_1420 = arith.muli %select_n3A_1418, %mul3A_1419 : i32
      %multiple_of3A_1421 = tpu.assume_multiple %mul3A_1420, 32 : i32
      %swap3A_1422 = arith.index_cast %select_n3A_1402 : i32 to index
      %swap3A_1423 = arith.index_cast %multiple_of3A_1421 : i32 to index
      %swap3A_1424 = tpu.vector_load %arg7[%swap3A_1422, %swap3A_1423] {strides = array<i32>} : memref<128x128xf32, #tpu.memory_space<vmem>>, vector<1x16xf32>,
      %swap3A_1425 = vector.shape_cast %swap3A_1424 : vector<1x16xf32> to vector<16xf32>
      %swap3A_1426 = vector.shape_cast %mul3A_1371 : vector<16xf32> to vector<1x16xf32>
      tpu.vector_store %arg7[%swap3A_1422, %swap3A_1423], %swap3A_1426 {strides = array<i32>} : memref<128x128xf32, #tpu.memory_space<vmem>>, vector<1x16xf32>,
      %add3A_1427 = arith.constant 16 : i32
      %add3A_1428 = arith.addi %multiple_of3A_1421, %add3A_1427 : i32
      %swap3A_1429 = arith.index_cast %select_n3A_1402 : i32 to index
      %swap3A_1430 = arith.index_cast %add3A_1428 : i32 to index
      %swap3A_1431 = tpu.vector_load %arg7[%swap3A_1429, %swap3A_1430] {strides = array<i32>} : memref<128x128xf32, #tpu.memory_space<vmem>>, vector<1x16xf32>,
      %swap3A_1432 = vector.shape_cast %swap3A_1431 : vector<1x16xf32> to vector<16xf32>
      %swap3A_1433 = vector.shape_cast %mul3A_1374 : vector<16xf32> to vector<1x16xf32>
      tpu.vector_store %arg7[%swap3A_1429, %swap3A_1430], %swap3A_1433 {strides = array<i32>} : memref<128x128xf32, #tpu.memory_space<vmem>>, vector<1x16xf32>,
    }
    %scan3A_66 = arith.constant 32 : i32
    %mul3A_67 = arith.constant 128 : i32
    %mul3A_68 = arith.muli %add3A, %mul3A_67 : i32
    "tpu.region"() ({
      %run_scoped3A = tpu.sem_alloc : memref<!tpu.dma_semaphore, #tpu.memory_space<semaphore_mem>>
      %dma_start3A_69 = arith.constant 0 : i32
      %dma_start3A_70 = tpu.memref_slice %arg4[%mul3A_68, %dma_start3A_69] : memref<4096x128xf32, #tpu.memory_space<hbm>> -> memref<128x128xf32, #tpu.memory_space<hbm>>
      %dma_start3A_71 = arith.constant 0 : i32
      %dma_start3A_72 = tpu.memref_slice %arg4[%mul3A_68, %dma_start3A_71] : memref<4096x128xf32, #tpu.memory_space<hbm>> -> memref<128x128xf32, #tpu.memory_space<hbm>>
      tpu.enqueue_dma source(%arg7 : memref<128x128xf32, #tpu.memory_space<vmem>>) target(%dma_start3A_72 : memref<128x128xf32, #tpu.memory_space<hbm>>) target_semaphore(%run_scoped3A : memref<!tpu.dma_semaphore, #tpu.memory_space<semaphore_mem>>)
      %dma_wait3A = arith.constant 0 : i32
      %dma_wait3A_73 = tpu.memref_slice %arg4[%mul3A_68, %dma_wait3A] : memref<4096x128xf32, #tpu.memory_space<hbm>> -> memref<128x128xf32, #tpu.memory_space<hbm>>
      %dma_wait3A_74 = arith.constant 0 : i32
      %dma_wait3A_75 = tpu.memref_slice %arg4[%mul3A_68, %dma_wait3A_74] : memref<4096x128xf32, #tpu.memory_space<hbm>> -> memref<128x128xf32, #tpu.memory_space<hbm>>
      tpu.wait_dma2 semaphore(%run_scoped3A : memref<!tpu.dma_semaphore, #tpu.memory_space<semaphore_mem>>) src(%arg7 : memref<128x128xf32, #tpu.memory_space<vmem>>) dst(%dma_wait3A_75 : memref<128x128xf32, #tpu.memory_space<hbm>>)
      tpu.yield
    }) : () -> ()
    return
  }
}

</mosaic_0001>

<sc_bundles>
// kernel: kernel.3.cloned.1.call-start
scs
__scs_entry_jumppad:
0x0: {  	(pc) =	sbr.rel $0x88, $3  }
0x1: {  	(tag) =	ssettag $0x0;
	lr =	simm.s32 $0x1  }
0x2: {  	[smem:$0x3F9F] =	sst lr;
	_ =	strace $0xD0000000  }
0x3: {  	_ = 	snop  }
0x4: {  	_ = 	snop  }
0x5: {  	_ = 	snop  }
0x6: {  	_ = 	snop  }
0x7: {  	_ = 	snop  }
__scs_overlays_trampoline_lowered:
0x8: {  	[smem:$0x3FAE] =	sst s0  }
0x9: {  	[smem:$0x3FAF] =	sst s1  }
0xa: {  	[smem:$0x3FB0] =	sst s2  }
0xb: {  	[smem:$0x3FB1] =	sst s3  }
0xc: {  	[smem:$0x3FB2] =	sst s4  }
0xd: {  	[smem:$0x3FB3] =	sst s5  }
0xe: {  	[smem:$0x3FB4] =	sst s6  }
0xf: {  	[smem:$0x3FB5] =	sst s7  }
0x10: {  	[smem:$0x3FB6] =	sst s8  }
0x11: {  	[smem:$0x3FB7] =	sst s9;
	s0 =	simm.s32 @!p0 $0x0  }
0x12: {  	s1 =	sld [smem:$0x3F9D];
	s0 =	simm.s32 @p0 $0x1  }
0x13: {  	[smem:$0x3FB8] =	sst s0;
	s0 =	simm.s32 @!p1 $0x0  }
0x14: {  	s2 =	sld [smem:$0x3F9C];
	s0 =	simm.s32 @p1 $0x1  }
0x15: {  	[smem:$0x3FB9] =	sst s0;
	s0 =	simm.s32 @!p2 $0x0  }
0x16: {  	s3 =	sld [smem:$0x3FDB];
	s0 =	simm.s32 @p2 $0x1  }
0x17: {  	s4 =	simm.s32 $0x1BF5;
	[smem:$0x3FBB] =	sst s0  }
0x18: {  	s0 =	sld [smem:$0x3F9E];
	_ =	swait.ge [sflag:s4], $0x0  }
0x19: {  	s7 =	sld [smem:$0x3F9F]  }
0x1a: {  	s8 =	sadd.s32 $0xFFFFE003, lr  }
0x1b: {  	s9 =	sadd.s32 $0xFFFFFEF7, lr;
	s5 =	simm.s32 $0xFFFFFFFF;
	p2 =	slt.u32 s8, $0xFFFFF086  }
0x1c: {  	p1 =	slt.u32 s9, $0xF7A;
	s5 =	simm.s32 @!p2 $0x0  }
0x1d: {  	s5 =	simm.s32 @p1 $0x1;
	p0 =	seq.s32 s7, s2  }
0x1e: {  	s7 =	smul.u32 @!p0 $0xF7A, s2;
	p2 =	seq.s32 @!p0 s5, $0x0  }
0x1f: {  	s9 =	smul.u32 $0xF7A, s1;
	s8 =	simm.s32 @!p0 $0x1BF5;
	p2 =	por !p2, p0  }
0x20: {  	[sflag:s8] =	ssyncset.s32 @!p0 $0xFFFFF086;
	s6 =	sadd.s32 @!p0 s3, s7;
	s7 =	simm.s32 @!p0 $0x108  }
0x21: {  	s3 =	sadd.s32 s3, s9;
	s6 =	sadd.s32 @!p0 $0x88, s6;
	s7 =	simm.s32 @p2 $0x1082  }
0x22: {  	[simem:s7], [sflag:s8] =	dma.local @!p0 [hbm:s6], $0xF7A  }
0x23: {  	s9 =	sor.u32 $0xD0000000, s2;
	s6 =	simm.s32 $0x108;
	_ =	swait.ge @!p0 [sflag:s8], $0x0  }
0x24: {  	s3 =	sadd.s32 $0x88, s3;
	s6 =	simm.s32 @!p1 $0x1082;
	[sflag:s4] =	ssyncset.s32 $0xFFFFF086  }
0x25: {  	[simem:s6], [sflag:s4] =	dma.local [hbm:s3], $0xF7A  }
0x26: {  	[smem:$0x3F9F] =	sst s1;
	(tag) =	ssettag s2;
	_ =	strace s9  }
0x27: {  	s1 =	sld [smem:$0x3FAF]  }
0x28: {  	s2 =	sld [smem:$0x3FB0]  }
0x29: {  	s4 =	sld [smem:$0x3FB2]  }
0x2a: {  	p0 =	seq.s32 s5, $0x0;
	s5 =	sld [smem:$0x3FB3]  }
0x2b: {  	s6 =	sld [smem:$0x3FB4]  }
0x2c: {  	s7 =	sld [smem:$0x3FB5]  }
0x2d: {  	s3 =	simm.s32 $0x108;
	s8 =	sld [smem:$0x3FB6]  }
0x2e: {  	s3 =	simm.s32 @!p0 $0x1082;
	s9 =	sld [smem:$0x3FB7]  }
0x2f: {  	lr =	sadd.s32 s0, s3;
	s0 =	sld [smem:$0x3FAE]  }
0x30: {  	s3 =	sld [smem:$0x3FB1]  }
0x31: {  	[smem:$0x3FBA] =	sst s10  }
0x32: {  	s10 =	sld [smem:$0x3FB8];
	_ =	sdelay $0x3  }
0x33: {  	p0 =	seq.s32 s10, $0x1;
	s10 =	sld [smem:$0x3FBA];
	_ =	sdelay $0x3  }
0x34: {  	[smem:$0x3FBA] =	sst s10  }
0x35: {  	s10 =	sld [smem:$0x3FB9];
	_ =	sdelay $0x3  }
0x36: {  	p1 =	seq.s32 s10, $0x1;
	s10 =	sld [smem:$0x3FBA];
	_ =	sdelay $0x3  }
0x37: {  	[smem:$0x3FBA] =	sst s10  }
0x38: {  	s10 =	sld [smem:$0x3FBB]  }
0x39: {  	_ = 	snop;
	(pc) =	sbr.ind lr, $3  }
0x3a: {  	_ = 	snop  }
0x3b: {  	_ = 	snop  }
0x3c: {  	p2 =	seq.s32 s10, $0x1;
	s10 =	sld [smem:$0x3FBA]  }
0x3d: {  	_ =	shalt  }
0x3e: {  	_ =	shalt  }
0x3f: {  	_ =	shalt  }
0x40: {  	_ =	shalt  }
0x41: {  	_ =	shalt  }
0x42: {  	_ =	shalt  }
0x43: {  	_ =	shalt  }
0x44: {  	_ =	shalt  }
0x45: {  	_ =	shalt  }
0x46: {  	_ =	shalt  }
0x47: {  	_ =	shalt  }
0x48: {  	_ =	shalt  }
0x49: {  	_ =	shalt  }
0x4a: {  	_ =	shalt  }
0x4b: {  	_ =	shalt  }
0x4c: {  	_ =	shalt  }
0x4d: {  	_ =	shalt  }
0x4e: {  	_ =	shalt  }
0x4f: {  	_ =	shalt  }
0x50: {  	_ =	shalt  }
0x51: {  	_ =	shalt  }
0x52: {  	_ =	shalt  }
0x53: {  	_ =	shalt  }
0x54: {  	_ =	shalt  }
0x55: {  	_ =	shalt  }
0x56: {  	_ =	shalt  }
0x57: {  	_ =	shalt  }
0x58: {  	_ =	shalt  }
0x59: {  	_ =	shalt  }
0x5a: {  	_ =	shalt  }
0x5b: {  	_ =	shalt  }
0x5c: {  	_ =	shalt  }
0x5d: {  	_ =	shalt  }
0x5e: {  	_ =	shalt  }
0x5f: {  	_ =	shalt  }
0x60: {  	_ =	shalt  }
0x61: {  	_ =	shalt  }
0x62: {  	_ =	shalt  }
0x63: {  	_ =	shalt  }
0x64: {  	_ =	shalt  }
0x65: {  	_ =	shalt  }
0x66: {  	_ =	shalt  }
0x67: {  	_ =	shalt  }
0x68: {  	_ =	shalt  }
0x69: {  	_ =	shalt  }
0x6a: {  	_ =	shalt  }
0x6b: {  	_ =	shalt  }
0x6c: {  	_ =	shalt  }
0x6d: {  	_ =	shalt  }
0x6e: {  	_ =	shalt  }
0x6f: {  	_ =	shalt  }
0x70: {  	_ =	shalt  }
0x71: {  	_ =	shalt  }
0x72: {  	_ =	shalt  }
0x73: {  	_ =	shalt  }
0x74: {  	_ =	shalt  }
0x75: {  	_ =	shalt  }
0x76: {  	_ =	shalt  }
0x77: {  	_ =	shalt  }
0x78: {  	_ =	shalt  }
0x79: {  	_ =	shalt  }
0x7a: {  	_ =	shalt  }
0x7b: {  	_ =	shalt  }
0x7c: {  	_ =	shalt  }
0x7d: {  	_ =	shalt  }
0x7e: {  	_ =	shalt  }
0x7f: {  	_ =	shalt  }
0x80: {  	_ =	shalt  }
0x81: {  	_ =	shalt  }
0x82: {  	_ =	shalt  }
0x83: {  	_ =	shalt  }
0x84: {  	_ =	shalt  }
0x85: {  	_ =	shalt  }
0x86: {  	_ =	shalt  }
0x87: {  	_ =	shalt  }
.Lfunc_end0:
.L_simem_size_0:
called_computation_lowered:
.L_overlay_start_0:
0x88: {  	s2 =	sld [smem:$0x3FD9]  }
0x89: {  	s3 =	sld [smem:$0x3FFE];
	_ =	sdelay $0x1  }
0x8a: {  	s1 =	srdreg.scid  }
0x8b: {  	s0 =	sand.u32 $0x1, s1  }
0x8c: {  	s17 =	sshll.u32 s0, $0xA;
	s2 =	sadd.s32 s3, s2  }
0x8d: {  	s2 =	sadd.s32 s2, s17  }
0x8e: {  	[smem:$0x3FC6] =	sst s2  }
0x8f: {  	_ = 	snop  }
0x90: {  	s2 =	sld [smem:$0x3FD0];
	(tm) =	ssettm $0x1  }
0x91: {  	s18 =	sld [smem:$0x3FFB];
	_ =	sdelay $0x3  }
0x92: {  	_ =	strace s18  }
0x93: {  	s3 =	sld [smem:$0x3FFC];
	_ =	sdelay $0x3  }
0x94: {  	_ =	strace s3  }
0x95: {  	s3 =	sld [smem:$0x3FFD];
	_ =	sdelay $0x3  }
0x96: {  	_ =	strace s3  }
0x97: {  	_ =	strace $0x8FFFFFFF  }
0x98: {  	s19 =	sld [smem:$0x3FDB];
	_ =	sdelay $0x1  }
0x99: {  	s4 =	simm.s32 $_scs_section_size  }
0x9a: {  	s5 =	simm.s32 $_size__tile_overlayer_lowered;
	s6 =	simm.s32 $_tile_overlayer_lowered  }
0x9b: {  	s22 =	simm.s32 $0x1BFF;
	s21 =	sshll.u32 s6, $0x1;
	s3 =	sadd.s32 s4, s19  }
0x9c: {  	s7 =	simm.s32 $0x0;
	s20 =	sshll.u32 s5, $0x1;
	s5 =	sadd.s32 s21, s3  }
0x9d: {  	[timem:s7], [sflag:s22] =	dma.local [hbm:s5], s20  }
0x9e: {  	_ =	swait.ge [sflag:s22], s20  }
0x9f: {  	s4 =	ssub.s32 $0x0, s20;
	[sflag:s22] =	ssyncset.done $0x0  }
0xa0: {  	[sflag:s22] =	ssyncadd.s32 s4;
	_ =	sdelay $0x1  }
0xa1: {  	s23 =	simm.s32 $0x1B8B  }
0xa2: {  	_ =	swait.ge [sflag:s23], $0x1  }
0xa3: {  	[sflag:s23] =	ssyncset.done $0x0  }
0xa4: {  	s25 =	simm.s32 $0x1B8E;
	s24 =	sld [smem:$0x3FFE];
	[sflag:s23] =	ssyncadd.s32 $0xFFFFFFFF  }
0xa5: {  	s26 =	simm.s32 $execute0_lowered;
	[smem:$0x3FD2] =	sst s25  }
0xa6: {  	s5 =	sshll.u32 s26, $0x1;
	_ =	strace $0x80000046;
	[dreg:$0x1] =	wrdreg $0xFFFFFFFF  }
0xa7: {  	s28 =	simm.s32 $_size_execute0_lowered;
	s3 =	sadd.s32 s3, s5;
	[dreg:$0x0] =	wrdreg $0x0  }
0xa8: {  	s5 =	sshll.u32 s28, $0x1;
	[dreg:$0x2] =	wrdreg s3  }
0xa9: {  	[dreg:$0x3] =	wrdreg s5  }
0xaa: {  	[dreg:$0x4] =	wrdreg $0xC0  }
0xab: {  	_ =	task [dreg:s7], $0x5FFFF  }
0xac: {  	[dreg:$0x1] =	wrdreg $0xFFFFFFFF  }
0xad: {  	[dreg:$0x0] =	wrdreg $0x60  }
0xae: {  	[dreg:$0x2] =	wrdreg s24  }
0xaf: {  	[dreg:$0x3] =	wrdreg s2  }
0xb0: {  	[dreg:$0x4] =	wrdreg $0x9  }
0xb1: {  	_ =	task.clear_ibuf [dreg:s7], $0x5FFFF;
	_ =	strace $0x90000046  }
0xb2: {  	s29 =	simm.s32 $0x9;
	_ =	strace $0x80000048  }
0xb3: {  	_ =	swait.ge [sflag:s29], $0x1  }
0xb4: {  	[sflag:s29] =	ssyncadd.s32 $0xFFFFFFFF  }
0xb5: {  	_ =	strace $0x90000048  }
0xb6: {  	_ =	sfence  }
0xb7: {  	s30 =	sld [smem:$0x0];
	_ =	sdelay $0x2  }
0xb8: {  	s31 =	sshll.u32 s1, $0xD;
	s1 =	sshrl.u32 s1, $0x2  }
0xb9: {  	s3 =	sand.u32 $0x4000, s31;
	s1 =	sadd.s32 s1, s30  }
0xba: {  	s0 =	sor.u32 s3, s0;
	s1 =	sshll.u32 s1, $0x11  }
0xbb: {  	s0 =	sor.u32 s1, s0  }
0xbc: {  	s0 =	sadd.s32 $0x8F2B, s0  }
0xbd: {  	[sflag:s0] =	ssyncadd.remote.s32 $0x1  }
0xbe: {  	_ =	sfence.sel $0xFFFF  }
0xbf: {  	[dreg:$0x0] =	wrdreg $0xFFFFFFFF;
	(pc) =	sbr.abs _section_cstart, $3  }
0xc0: {  	[dreg:$0x1] =	wrdreg $0xFFFFFFFF  }
0xc1: {  	_ =	task.clear_ibuf [dreg:s7], $0x2FFFF;
	_ =	strace $0x9FFFFFFF  }
0xc2: {  	(tm) =	ssettm $0x7FFFFFFF  }
0xc3: {  	_ =	shalt  }
tec
execute0_lowered:
.L_overlay_start_1:
0x0: {  	(tag) =	ssettag $0x1  }
0x1: {  	s1 =	srdreg.scid  }
0x2: {  	s0 =	stileid.u32;
	s4 =	rddreg [dreg:$0x0]  }
0x3: {  	s5 =	rddreg [dreg:$0x1];
	s9 =	simm.s32 $0xC800;
	s10 =	simm.s32 $0xFA00  }
0x4: {  	s11 =	simm.s32 $0x320;
	s12 =	simm.s32 $0x12C00;
	s13 =	simm.s32 $0x4B0  }
0x5: {  	s14 =	simm.s32 $0x15E00;
	s15 =	simm.s32 $0x1;
	s16 =	simm.s32 $0x2  }
0x6: {  	s17 =	simm.s32 $0x3;
	s18 =	simm.s32 $0x4;
	s19 =	simm.s32 $0x19000  }
0x7: {  	s20 =	simm.s32 $0x0;
	s3 =	sand.u32 $0x1, s1;
	s30 =	sshll.u32 s0, $0x8  }
0x8: {  	s1 =	rddreg [dreg:$0x2];
	s2 =	sshll.u32 s3, $0x7;
	s8 =	ssub.s32 $0x2, s3  }
0x9: {  	s3 =	sadd.s32 $0x187000, s4;
	s6 =	sor.u32 s2, s30;
	s2 =	simm.s32 $0x0  }
0xa: {  	s31 =	sshrl.u32 s8, $0x1;
	s7 =	smul.u32 $0x32, s6;
	[smem:$0x7FF] =	sst s2  }
0xb: {  	s6 =	sshll.u32 s6, $0x4;
	s8 =	ssub.s32 s8, s31;
	_ =	strace $0x80000047  }
0xc: {  	s5 =	sadd.s32 s5, s6;
	s6 =	smax.u32 s8, $0x1;
	s7 =	sadd.s32 s7, s4  }
0xd: {  	s8 =	simm.s32 $0x190;
	s4 =	sadd.s32 $0x600, s7;
	s7 =	simm.s32 $0x5  }
.LBB2_1:
0xe: {  	[tilespmem:s2], [sflag:$0x5] =	stream.linear.gather [hbm4b:s4+s2], $0xC800, $0x38;
	[tilespmem:$0x1D000] =	vst v63  }
0xf: {  	_ =	swait.ge [sflag:s7], $0xC800  }
0x10: {  	[sflag:s7] =	ssyncset.done $0x0  }
0x11: {  	[sflag:s7] =	ssyncadd.s32 $0xFFFF3800  }
0x12: {  	[tilespmem:s9], [sflag:$0x1] =	stream.indirect.gather [hbm4b:s3+s8], $0x20, s2, s8, $0xb8;
	[tilespmem:$0x1D000] =	vst v63  }
0x13: {  	_ = 	snop  }
0x14: {  	[tilespmem:s10], [sflag:$0x2] =	stream.indirect.gather [hbm4b:s3+s8], $0x20, s8, s8, $0xb8;
	[tilespmem:$0x1D000] =	vst v63  }
0x15: {  	_ = 	snop  }
0x16: {  	[tilespmem:s12], [sflag:$0x3] =	stream.indirect.gather [hbm4b:s3+s8], $0x20, s11, s8, $0xb8;
	[tilespmem:$0x1D000] =	vst v63  }
0x17: {  	s21 =	simm.s32 $0x0  }
0x18: {  	[tilespmem:s14], [sflag:$0x4] =	stream.indirect.gather [hbm4b:s3+s8], $0x20, s13, s8, $0xb8;
	[tilespmem:$0x1D000] =	vst v63  }
.LBB2_2:
0x19: {  	p0 =	seq.s32 s21, $0x1F  }
0x1a: {  	s22 =	smul.u32 @!p0 $0x1900, s21  }
0x1b: {  	_ =	swait.ge [sflag:s15], $0x3200;
	s31 =	simm.s32 $0x0  }
0x1c: {  	[sflag:s15] =	ssyncset.done $0x0;
	s24 =	simm.s32 @!p0 $0x190;
	s23 =	sshra.s32 @!p0 s22, $0x2  }
0x1d: {  	s25 =	simm.s32 @!p0 $0xC800;
	[sflag:s15] =	ssyncadd.s32 $0xFFFFCE00;
	s22 =	sadd.s32 @!p0 $0x640, s23  }
0x1e: {  	[tilespmem:s25], [sflag:$0x1] =	stream.indirect.gather @!p0 [hbm4b:s3+s24], $0x20, s22, s24, $0xb8;
	[tilespmem:$0x1D000] =	vst v63  }
0x1f: {  	v0 =	vld [tilespmem:s31+$0xC870]  }
0x20: {  	v1 =	vld [tilespmem:s31+$0xC800]  }
0x21: {  	v2 =	vld [tilespmem:s31+$0xC810]  }
0x22: {  	v5 =	vld [tilespmem:s31+$0xC820]  }
0x23: {  	v6 =	vld [tilespmem:s31+$0xC830]  }
0x24: {  	v3 =	vimm.f32 $0.0e+00;
	v4 =	vimm.f32 $0.0e+00;
	v7 =	vld [tilespmem:s31+$0xC840]  }
0x25: {  	v10 =	vimm.f32 $0.0e+00;
	v8 =	vimm.f32 $0.0e+00;
	v11 =	vld [tilespmem:s31+$0xC850];
	v0 =	vadd.f32 v0, v3  }
0x26: {  	v9 =	vimm.f32 $0.0e+00;
	s22 =	simm.s32 $0x80;
	s24 =	simm.s32 $0x400;
	v12 =	vld [tilespmem:s31+$0xC860];
	v1 =	vadd.f32 v1, v3;
	v2 =	vadd.f32 v2, v3  }
.LBB2_3:
0x27: {  	p1 =	sne.s32 s24, $0x3000;
	v13 =	vld [tilespmem:s22+$0xC870];
	v3 =	vadd.f32 v5, v3  }
0x28: {  	v14 =	vld [tilespmem:s22+$0xC800];
	v4 =	vadd.f32 v6, v4  }
0x29: {  	v15 =	vld [tilespmem:s22+$0xC810];
	v10 =	vadd.f32 v7, v10  }
.Ltmp0:
0x2a: {  	v5 =	vld [tilespmem:s22+$0xC820];
	v8 =	vadd.f32 v11, v8;
	(pc) =	sbr.rel @p1 .LBB2_3-.Ltmp0, $4  }
0x2b: {  	v6 =	vld [tilespmem:s22+$0xC830];
	v9 =	vadd.f32 v12, v9  }
0x2c: {  	v7 =	vld [tilespmem:s22+$0xC840];
	v0 =	vadd.f32 v13, v0  }
0x2d: {  	v1 =	vadd.f32 v14, v1;
	v11 =	vld [tilespmem:s22+$0xC850]  }
0x2e: {  	v2 =	vadd.f32 v15, v2;
	v12 =	vld [tilespmem:s22+$0xC860];
	s22 =	sshra.s32 s24, $0x2;
	s24 =	sadd.s32 $0x200, s24  }
0x2f: {  	v13 =	vld [tilespmem:s22+$0xC870]  }
0x30: {  	v14 =	vld [tilespmem:s22+$0xC800]  }
0x31: {  	v15 =	vld [tilespmem:s22+$0xC810]  }
0x32: {  	v16 =	vld [tilespmem:s22+$0xC820]  }
0x33: {  	v17 =	vld [tilespmem:s22+$0xC830]  }
0x34: {  	v18 =	vld [tilespmem:s22+$0xC840]  }
0x35: {  	v3 =	vadd.f32 v5, v3;
	v5 =	vld [tilespmem:s22+$0xC860]  }
0x36: {  	v4 =	vadd.f32 v6, v4;
	v6 =	vadd.f32 v7, v10;
	v7 =	vld [tilespmem:s22+$0xC850]  }
0x37: {  	v8 =	vadd.f32 v11, v8;
	v9 =	vadd.f32 v12, v9  }
0x38: {  	v0 =	vadd.f32 v13, v0;
	v1 =	vadd.f32 v14, v1  }
0x39: {  	v2 =	vadd.f32 v15, v2;
	v3 =	vadd.f32 v16, v3  }
0x3a: {  	v6 =	vadd.f32 v18, v6;
	v5 =	vadd.f32 v5, v9  }
0x3b: {  	v4 =	vadd.f32 v17, v4;
	v7 =	vadd.f32 v7, v8  }
0x3c: {  	v1 =	vadd.f32 v3, v1;
	v3 =	vadd.f32 v5, v6  }
0x3d: {  	v2 =	vadd.f32 v4, v2;
	v0 =	vadd.f32 v0, v7  }
0x3e: {  	v1 =	vadd.f32 v3, v1  }
0x3f: {  	v0 =	vadd.f32 v0, v2  }
0x40: {  	s31 =	sshll.u32 s21, $0xB;
	v1 =	vmul.f32 $9.999999770e-03, v1  }
0x41: {  	s22 =	sshra.s32 s31, $0x2;
	v0 =	vmul.f32 $9.999999770e-03, v0  }
0x42: {  	[tilespmem:s22+$0x19000] =	vst v1  }
0x43: {  	s26 =	simm.s32 $0x0;
	[tilespmem:s22+$0x19010] =	vst v0  }
0x44: {  	v0 =	vld [tilespmem:s26+$0xD4F0]  }
0x45: {  	v1 =	vld [tilespmem:s26+$0xD480]  }
0x46: {  	v2 =	vld [tilespmem:s26+$0xD490]  }
0x47: {  	v5 =	vld [tilespmem:s26+$0xD4A0]  }
0x48: {  	v6 =	vld [tilespmem:s26+$0xD4B0]  }
0x49: {  	v10 =	vimm.f32 $0.0e+00;
	v3 =	vimm.f32 $0.0e+00;
	v7 =	vld [tilespmem:s26+$0xD4C0]  }
0x4a: {  	v9 =	vimm.f32 $0.0e+00;
	v4 =	vimm.f32 $0.0e+00;
	v11 =	vld [tilespmem:s26+$0xD4D0];
	v0 =	vadd.f32 v0, v3  }
0x4b: {  	s24 =	simm.s32 $0x80;
	s25 =	simm.s32 $0x400;
	v8 =	vimm.f32 $0.0e+00;
	v12 =	vld [tilespmem:s26+$0xD4E0];
	v1 =	vadd.f32 v1, v3;
	v2 =	vadd.f32 v2, v3  }
.LBB2_5:
0x4c: {  	p1 =	sne.s32 s25, $0x3000;
	v13 =	vld [tilespmem:s24+$0xD4F0];
	v3 =	vadd.f32 v5, v3  }
0x4d: {  	v14 =	vld [tilespmem:s24+$0xD480];
	v4 =	vadd.f32 v6, v4  }
0x4e: {  	v15 =	vld [tilespmem:s24+$0xD490];
	v10 =	vadd.f32 v7, v10  }
.Ltmp1:
0x4f: {  	v5 =	vld [tilespmem:s24+$0xD4A0];
	v8 =	vadd.f32 v11, v8;
	(pc) =	sbr.rel @p1 .LBB2_5-.Ltmp1, $4  }
0x50: {  	v6 =	vld [tilespmem:s24+$0xD4B0];
	v9 =	vadd.f32 v12, v9  }
0x51: {  	v7 =	vld [tilespmem:s24+$0xD4C0];
	v0 =	vadd.f32 v13, v0  }
0x52: {  	v1 =	vadd.f32 v14, v1;
	v11 =	vld [tilespmem:s24+$0xD4D0]  }
0x53: {  	v2 =	vadd.f32 v15, v2;
	v12 =	vld [tilespmem:s24+$0xD4E0];
	s24 =	sshra.s32 s25, $0x2;
	s25 =	sadd.s32 $0x200, s25  }
0x54: {  	v13 =	vld [tilespmem:s24+$0xD4F0]  }
0x55: {  	v14 =	vld [tilespmem:s24+$0xD480]  }
0x56: {  	v15 =	vld [tilespmem:s24+$0xD490]  }
0x57: {  	v16 =	vld [tilespmem:s24+$0xD4A0]  }
0x58: {  	v17 =	vld [tilespmem:s24+$0xD4B0]  }
0x59: {  	v18 =	vld [tilespmem:s24+$0xD4C0]  }
0x5a: {  	v3 =	vadd.f32 v5, v3;
	v5 =	vld [tilespmem:s24+$0xD4E0]  }
0x5b: {  	v4 =	vadd.f32 v6, v4;
	v6 =	vadd.f32 v7, v10;
	v7 =	vld [tilespmem:s24+$0xD4D0]  }
0x5c: {  	v8 =	vadd.f32 v11, v8;
	v9 =	vadd.f32 v12, v9  }
0x5d: {  	v0 =	vadd.f32 v13, v0;
	v1 =	vadd.f32 v14, v1  }
0x5e: {  	v2 =	vadd.f32 v15, v2;
	v3 =	vadd.f32 v16, v3  }
0x5f: {  	v6 =	vadd.f32 v18, v6;
	v5 =	vadd.f32 v5, v9  }
0x60: {  	v4 =	vadd.f32 v17, v4;
	v7 =	vadd.f32 v7, v8  }
0x61: {  	v1 =	vadd.f32 v3, v1;
	v3 =	vadd.f32 v5, v6  }
0x62: {  	v2 =	vadd.f32 v4, v2;
	v0 =	vadd.f32 v0, v7  }
0x63: {  	v1 =	vadd.f32 v3, v1  }
0x64: {  	v0 =	vadd.f32 v0, v2  }
0x65: {  	v1 =	vmul.f32 $9.999999770e-03, v1  }
0x66: {  	v0 =	vmul.f32 $9.999999770e-03, v0  }
0x67: {  	[tilespmem:s22+$0x19020] =	vst v1  }
0x68: {  	s26 =	simm.s32 $0x0;
	[tilespmem:s22+$0x19030] =	vst v0  }
0x69: {  	v0 =	vld [tilespmem:s26+$0xE170]  }
0x6a: {  	v1 =	vld [tilespmem:s26+$0xE100]  }
0x6b: {  	v2 =	vld [tilespmem:s26+$0xE110]  }
0x6c: {  	v5 =	vld [tilespmem:s26+$0xE120]  }
0x6d: {  	v6 =	vld [tilespmem:s26+$0xE130]  }
0x6e: {  	v10 =	vimm.f32 $0.0e+00;
	v3 =	vimm.f32 $0.0e+00;
	v7 =	vld [tilespmem:s26+$0xE140]  }
0x6f: {  	v9 =	vimm.f32 $0.0e+00;
	v4 =	vimm.f32 $0.0e+00;
	v11 =	vld [tilespmem:s26+$0xE150];
	v0 =	vadd.f32 v0, v3  }
0x70: {  	s25 =	simm.s32 $0x400;
	s24 =	simm.s32 $0x80;
	v8 =	vimm.f32 $0.0e+00;
	v12 =	vld [tilespmem:s26+$0xE160];
	v1 =	vadd.f32 v1, v3;
	v2 =	vadd.f32 v2, v3  }
.LBB2_7:
0x71: {  	p1 =	sne.s32 s25, $0x3000;
	v13 =	vld [tilespmem:s24+$0xE170];
	v3 =	vadd.f32 v5, v3  }
0x72: {  	v14 =	vld [tilespmem:s24+$0xE100];
	v4 =	vadd.f32 v6, v4  }
0x73: {  	v15 =	vld [tilespmem:s24+$0xE110];
	v10 =	vadd.f32 v7, v10  }
.Ltmp2:
0x74: {  	v5 =	vld [tilespmem:s24+$0xE120];
	v8 =	vadd.f32 v11, v8;
	(pc) =	sbr.rel @p1 .LBB2_7-.Ltmp2, $4  }
0x75: {  	v6 =	vld [tilespmem:s24+$0xE130];
	v9 =	vadd.f32 v12, v9  }
0x76: {  	v7 =	vld [tilespmem:s24+$0xE140];
	v0 =	vadd.f32 v13, v0  }
0x77: {  	v1 =	vadd.f32 v14, v1;
	v11 =	vld [tilespmem:s24+$0xE150]  }
0x78: {  	v2 =	vadd.f32 v15, v2;
	v12 =	vld [tilespmem:s24+$0xE160];
	s24 =	sshra.s32 s25, $0x2;
	s25 =	sadd.s32 $0x200, s25  }
0x79: {  	v13 =	vld [tilespmem:s24+$0xE170]  }
0x7a: {  	v14 =	vld [tilespmem:s24+$0xE100]  }
0x7b: {  	v15 =	vld [tilespmem:s24+$0xE110]  }
0x7c: {  	v16 =	vld [tilespmem:s24+$0xE120]  }
0x7d: {  	v17 =	vld [tilespmem:s24+$0xE130]  }
0x7e: {  	v18 =	vld [tilespmem:s24+$0xE140]  }
0x7f: {  	v3 =	vadd.f32 v5, v3;
	v5 =	vld [tilespmem:s24+$0xE160]  }
0x80: {  	v4 =	vadd.f32 v6, v4;
	v6 =	vadd.f32 v7, v10;
	v7 =	vld [tilespmem:s24+$0xE150]  }
0x81: {  	v8 =	vadd.f32 v11, v8;
	v9 =	vadd.f32 v12, v9  }
0x82: {  	v0 =	vadd.f32 v13, v0;
	v1 =	vadd.f32 v14, v1  }
0x83: {  	v2 =	vadd.f32 v15, v2;
	v3 =	vadd.f32 v16, v3  }
0x84: {  	v6 =	vadd.f32 v18, v6;
	v5 =	vadd.f32 v5, v9  }
0x85: {  	v4 =	vadd.f32 v17, v4;
	v7 =	vadd.f32 v7, v8  }
0x86: {  	v1 =	vadd.f32 v3, v1;
	v3 =	vadd.f32 v5, v6  }
0x87: {  	v2 =	vadd.f32 v4, v2;
	v0 =	vadd.f32 v0, v7  }
0x88: {  	v1 =	vadd.f32 v3, v1  }
0x89: {  	v0 =	vadd.f32 v0, v2  }
0x8a: {  	v1 =	vmul.f32 $9.999999770e-03, v1  }
0x8b: {  	v0 =	vmul.f32 $9.999999770e-03, v0  }
0x8c: {  	[tilespmem:s22+$0x19040] =	vst v1  }
0x8d: {  	s26 =	simm.s32 $0x0;
	[tilespmem:s22+$0x19050] =	vst v0  }
0x8e: {  	v0 =	vld [tilespmem:s26+$0xEDF0]  }
0x8f: {  	v1 =	vld [tilespmem:s26+$0xED80]  }
0x90: {  	v2 =	vld [tilespmem:s26+$0xED90]  }
0x91: {  	v5 =	vld [tilespmem:s26+$0xEDA0]  }
0x92: {  	v6 =	vld [tilespmem:s26+$0xEDB0]  }
0x93: {  	v10 =	vimm.f32 $0.0e+00;
	v3 =	vimm.f32 $0.0e+00;
	v7 =	vld [tilespmem:s26+$0xEDC0]  }
0x94: {  	v9 =	vimm.f32 $0.0e+00;
	v4 =	vimm.f32 $0.0e+00;
	v11 =	vld [tilespmem:s26+$0xEDD0];
	v0 =	vadd.f32 v0, v3  }
0x95: {  	s25 =	simm.s32 $0x400;
	s24 =	simm.s32 $0x80;
	v8 =	vimm.f32 $0.0e+00;
	v12 =	vld [tilespmem:s26+$0xEDE0];
	v1 =	vadd.f32 v1, v3;
	v2 =	vadd.f32 v2, v3  }
.LBB2_9:
0x96: {  	p1 =	sne.s32 s25, $0x3000;
	v13 =	vld [tilespmem:s24+$0xEDF0];
	v3 =	vadd.f32 v5, v3  }
0x97: {  	v14 =	vld [tilespmem:s24+$0xED80];
	v4 =	vadd.f32 v6, v4  }
0x98: {  	v15 =	vld [tilespmem:s24+$0xED90];
	v10 =	vadd.f32 v7, v10  }
.Ltmp3:
0x99: {  	v5 =	vld [tilespmem:s24+$0xEDA0];
	v8 =	vadd.f32 v11, v8;
	(pc) =	sbr.rel @p1 .LBB2_9-.Ltmp3, $4  }
0x9a: {  	v6 =	vld [tilespmem:s24+$0xEDB0];
	v9 =	vadd.f32 v12, v9  }
0x9b: {  	v7 =	vld [tilespmem:s24+$0xEDC0];
	v0 =	vadd.f32 v13, v0  }
0x9c: {  	v1 =	vadd.f32 v14, v1;
	v11 =	vld [tilespmem:s24+$0xEDD0]  }
0x9d: {  	v2 =	vadd.f32 v15, v2;
	v12 =	vld [tilespmem:s24+$0xEDE0];
	s24 =	sshra.s32 s25, $0x2;
	s25 =	sadd.s32 $0x200, s25  }
0x9e: {  	v13 =	vld [tilespmem:s24+$0xEDF0]  }
0x9f: {  	v14 =	vld [tilespmem:s24+$0xED80]  }
0xa0: {  	v15 =	vld [tilespmem:s24+$0xED90]  }
0xa1: {  	v16 =	vld [tilespmem:s24+$0xEDA0]  }
0xa2: {  	v17 =	vld [tilespmem:s24+$0xEDB0]  }
0xa3: {  	v18 =	vld [tilespmem:s24+$0xEDC0]  }
0xa4: {  	v3 =	vadd.f32 v5, v3;
	v5 =	vld [tilespmem:s24+$0xEDE0]  }
0xa5: {  	v4 =	vadd.f32 v6, v4;
	v6 =	vadd.f32 v7, v10;
	v7 =	vld [tilespmem:s24+$0xEDD0]  }
0xa6: {  	v8 =	vadd.f32 v11, v8;
	v9 =	vadd.f32 v12, v9  }
0xa7: {  	v0 =	vadd.f32 v13, v0;
	v1 =	vadd.f32 v14, v1  }
0xa8: {  	v2 =	vadd.f32 v15, v2;
	v3 =	vadd.f32 v16, v3  }
0xa9: {  	v6 =	vadd.f32 v18, v6;
	v5 =	vadd.f32 v5, v9  }
0xaa: {  	v4 =	vadd.f32 v17, v4;
	v7 =	vadd.f32 v7, v8  }
0xab: {  	v1 =	vadd.f32 v3, v1;
	v3 =	vadd.f32 v5, v6  }
0xac: {  	v2 =	vadd.f32 v4, v2;
	v0 =	vadd.f32 v0, v7  }
0xad: {  	v1 =	vadd.f32 v3, v1  }
0xae: {  	v0 =	vadd.f32 v0, v2  }
0xaf: {  	v1 =	vmul.f32 $9.999999770e-03, v1  }
0xb0: {  	v0 =	vmul.f32 $9.999999770e-03, v0  }
0xb1: {  	[tilespmem:s22+$0x19060] =	vst v1  }
0xb2: {  	[tilespmem:s22+$0x19070] =	vst v0  }
0xb3: {  	_ =	swait.ge [sflag:s16], $0x3200  }
0xb4: {  	s25 =	simm.s32 @!p0 $0x190;
	s26 =	simm.s32 @!p0 $0xFA00;
	[sflag:s16] =	ssyncset.done $0x0  }
0xb5: {  	s31 =	simm.s32 $0x0;
	s24 =	sadd.s32 @!p0 $0x7D0, s23;
	[sflag:s16] =	ssyncadd.s32 $0xFFFFCE00  }
0xb6: {  	[tilespmem:s26], [sflag:$0x2] =	stream.indirect.gather @!p0 [hbm4b:s3+s25], $0x20, s24, s25, $0xb8;
	[tilespmem:$0x1D000] =	vst v63  }
0xb7: {  	v0 =	vld [tilespmem:s31+$0xFA70]  }
0xb8: {  	v1 =	vld [tilespmem:s31+$0xFA00]  }
0xb9: {  	v2 =	vld [tilespmem:s31+$0xFA10]  }
0xba: {  	v5 =	vld [tilespmem:s31+$0xFA20]  }
0xbb: {  	v6 =	vld [tilespmem:s31+$0xFA30]  }
0xbc: {  	v10 =	vimm.f32 $0.0e+00;
	v3 =	vimm.f32 $0.0e+00;
	v7 =	vld [tilespmem:s31+$0xFA40]  }
0xbd: {  	v9 =	vimm.f32 $0.0e+00;
	v4 =	vimm.f32 $0.0e+00;
	v11 =	vld [tilespmem:s31+$0xFA50];
	v0 =	vadd.f32 v0, v3  }
0xbe: {  	v8 =	vimm.f32 $0.0e+00;
	s24 =	simm.s32 $0x80;
	s25 =	simm.s32 $0x400;
	v12 =	vld [tilespmem:s31+$0xFA60];
	v1 =	vadd.f32 v1, v3;
	v2 =	vadd.f32 v2, v3  }
.LBB2_11:
0xbf: {  	p1 =	sne.s32 s25, $0x3000;
	v13 =	vld [tilespmem:s24+$0xFA70];
	v3 =	vadd.f32 v5, v3  }
0xc0: {  	v14 =	vld [tilespmem:s24+$0xFA00];
	v4 =	vadd.f32 v6, v4  }
0xc1: {  	v15 =	vld [tilespmem:s24+$0xFA10];
	v10 =	vadd.f32 v7, v10  }
.Ltmp4:
0xc2: {  	v5 =	vld [tilespmem:s24+$0xFA20];
	v8 =	vadd.f32 v11, v8;
	(pc) =	sbr.rel @p1 .LBB2_11-.Ltmp4, $4  }
0xc3: {  	v6 =	vld [tilespmem:s24+$0xFA30];
	v9 =	vadd.f32 v12, v9  }
0xc4: {  	v7 =	vld [tilespmem:s24+$0xFA40];
	v0 =	vadd.f32 v13, v0  }
0xc5: {  	v1 =	vadd.f32 v14, v1;
	v11 =	vld [tilespmem:s24+$0xFA50]  }
0xc6: {  	v2 =	vadd.f32 v15, v2;
	v12 =	vld [tilespmem:s24+$0xFA60];
	s24 =	sshra.s32 s25, $0x2;
	s25 =	sadd.s32 $0x200, s25  }
0xc7: {  	v13 =	vld [tilespmem:s24+$0xFA70]  }
0xc8: {  	v14 =	vld [tilespmem:s24+$0xFA00]  }
0xc9: {  	v15 =	vld [tilespmem:s24+$0xFA10]  }
0xca: {  	v16 =	vld [tilespmem:s24+$0xFA20]  }
0xcb: {  	v17 =	vld [tilespmem:s24+$0xFA30]  }
0xcc: {  	v18 =	vld [tilespmem:s24+$0xFA40]  }
0xcd: {  	v3 =	vadd.f32 v5, v3;
	v5 =	vld [tilespmem:s24+$0xFA60]  }
0xce: {  	v4 =	vadd.f32 v6, v4;
	v6 =	vadd.f32 v7, v10;
	v7 =	vld [tilespmem:s24+$0xFA50]  }
0xcf: {  	v8 =	vadd.f32 v11, v8;
	v9 =	vadd.f32 v12, v9  }
0xd0: {  	v0 =	vadd.f32 v13, v0;
	v1 =	vadd.f32 v14, v1  }
0xd1: {  	v2 =	vadd.f32 v15, v2;
	v3 =	vadd.f32 v16, v3  }
0xd2: {  	v6 =	vadd.f32 v18, v6;
	v5 =	vadd.f32 v5, v9  }
0xd3: {  	v4 =	vadd.f32 v17, v4;
	v7 =	vadd.f32 v7, v8  }
0xd4: {  	v1 =	vadd.f32 v3, v1;
	v3 =	vadd.f32 v5, v6  }
0xd5: {  	v2 =	vadd.f32 v4, v2;
	v0 =	vadd.f32 v0, v7  }
0xd6: {  	v1 =	vadd.f32 v3, v1  }
0xd7: {  	v0 =	vadd.f32 v0, v2  }
0xd8: {  	v1 =	vmul.f32 $9.999999770e-03, v1  }
0xd9: {  	v0 =	vmul.f32 $9.999999770e-03, v0  }
0xda: {  	[tilespmem:s22+$0x19080] =	vst v1  }
0xdb: {  	s26 =	simm.s32 $0x0;
	[tilespmem:s22+$0x19090] =	vst v0  }
0xdc: {  	v0 =	vld [tilespmem:s26+$0x106F0]  }
0xdd: {  	v1 =	vld [tilespmem:s26+$0x10680]  }
0xde: {  	v2 =	vld [tilespmem:s26+$0x10690]  }
0xdf: {  	v5 =	vld [tilespmem:s26+$0x106A0]  }
0xe0: {  	v6 =	vld [tilespmem:s26+$0x106B0]  }
0xe1: {  	v10 =	vimm.f32 $0.0e+00;
	v3 =	vimm.f32 $0.0e+00;
	v7 =	vld [tilespmem:s26+$0x106C0]  }
0xe2: {  	v9 =	vimm.f32 $0.0e+00;
	v4 =	vimm.f32 $0.0e+00;
	v11 =	vld [tilespmem:s26+$0x106D0];
	v0 =	vadd.f32 v0, v3  }
0xe3: {  	s25 =	simm.s32 $0x400;
	s24 =	simm.s32 $0x80;
	v8 =	vimm.f32 $0.0e+00;
	v12 =	vld [tilespmem:s26+$0x106E0];
	v1 =	vadd.f32 v1, v3;
	v2 =	vadd.f32 v2, v3  }
.LBB2_13:
0xe4: {  	p1 =	sne.s32 s25, $0x3000;
	v13 =	vld [tilespmem:s24+$0x106F0];
	v3 =	vadd.f32 v5, v3  }
0xe5: {  	v14 =	vld [tilespmem:s24+$0x10680];
	v4 =	vadd.f32 v6, v4  }
0xe6: {  	v15 =	vld [tilespmem:s24+$0x10690];
	v10 =	vadd.f32 v7, v10  }
.Ltmp5:
0xe7: {  	v5 =	vld [tilespmem:s24+$0x106A0];
	v8 =	vadd.f32 v11, v8;
	(pc) =	sbr.rel @p1 .LBB2_13-.Ltmp5, $4  }
0xe8: {  	v6 =	vld [tilespmem:s24+$0x106B0];
	v9 =	vadd.f32 v12, v9  }
0xe9: {  	v7 =	vld [tilespmem:s24+$0x106C0];
	v0 =	vadd.f32 v13, v0  }
0xea: {  	v1 =	vadd.f32 v14, v1;
	v11 =	vld [tilespmem:s24+$0x106D0]  }
0xeb: {  	v2 =	vadd.f32 v15, v2;
	v12 =	vld [tilespmem:s24+$0x106E0];
	s24 =	sshra.s32 s25, $0x2;
	s25 =	sadd.s32 $0x200, s25  }
0xec: {  	v13 =	vld [tilespmem:s24+$0x106F0]  }
0xed: {  	v14 =	vld [tilespmem:s24+$0x10680]  }
0xee: {  	v15 =	vld [tilespmem:s24+$0x10690]  }
0xef: {  	v16 =	vld [tilespmem:s24+$0x106A0]  }
0xf0: {  	v17 =	vld [tilespmem:s24+$0x106B0]  }
0xf1: {  	v18 =	vld [tilespmem:s24+$0x106C0]  }
0xf2: {  	v3 =	vadd.f32 v5, v3;
	v5 =	vld [tilespmem:s24+$0x106E0]  }
0xf3: {  	v4 =	vadd.f32 v6, v4;
	v6 =	vadd.f32 v7, v10;
	v7 =	vld [tilespmem:s24+$0x106D0]  }
0xf4: {  	v8 =	vadd.f32 v11, v8;
	v9 =	vadd.f32 v12, v9  }
0xf5: {  	v0 =	vadd.f32 v13, v0;
	v1 =	vadd.f32 v14, v1  }
0xf6: {  	v2 =	vadd.f32 v15, v2;
	v3 =	vadd.f32 v16, v3  }
0xf7: {  	v6 =	vadd.f32 v18, v6;
	v5 =	vadd.f32 v5, v9  }
0xf8: {  	v4 =	vadd.f32 v17, v4;
	v7 =	vadd.f32 v7, v8  }
0xf9: {  	v1 =	vadd.f32 v3, v1;
	v3 =	vadd.f32 v5, v6  }
0xfa: {  	v2 =	vadd.f32 v4, v2;
	v0 =	vadd.f32 v0, v7  }
0xfb: {  	v1 =	vadd.f32 v3, v1  }
0xfc: {  	v0 =	vadd.f32 v0, v2  }
0xfd: {  	v1 =	vmul.f32 $9.999999770e-03, v1  }
0xfe: {  	v0 =	vmul.f32 $9.999999770e-03, v0  }
0xff: {  	[tilespmem:s22+$0x190A0] =	vst v1  }
0x100: {  	s26 =	simm.s32 $0x0;
	[tilespmem:s22+$0x190B0] =	vst v0  }
0x101: {  	v0 =	vld [tilespmem:s26+$0x11370]  }
0x102: {  	v1 =	vld [tilespmem:s26+$0x11300]  }
0x103: {  	v2 =	vld [tilespmem:s26+$0x11310]  }
0x104: {  	v5 =	vld [tilespmem:s26+$0x11320]  }
0x105: {  	v6 =	vld [tilespmem:s26+$0x11330]  }
0x106: {  	v10 =	vimm.f32 $0.0e+00;
	v3 =	vimm.f32 $0.0e+00;
	v7 =	vld [tilespmem:s26+$0x11340]  }
0x107: {  	v9 =	vimm.f32 $0.0e+00;
	v4 =	vimm.f32 $0.0e+00;
	v11 =	vld [tilespmem:s26+$0x11350];
	v0 =	vadd.f32 v0, v3  }
0x108: {  	s25 =	simm.s32 $0x400;
	s24 =	simm.s32 $0x80;
	v8 =	vimm.f32 $0.0e+00;
	v12 =	vld [tilespmem:s26+$0x11360];
	v1 =	vadd.f32 v1, v3;
	v2 =	vadd.f32 v2, v3  }
.LBB2_15:
0x109: {  	p1 =	sne.s32 s25, $0x3000;
	v13 =	vld [tilespmem:s24+$0x11370];
	v3 =	vadd.f32 v5, v3  }
0x10a: {  	v14 =	vld [tilespmem:s24+$0x11300];
	v4 =	vadd.f32 v6, v4  }
0x10b: {  	v15 =	vld [tilespmem:s24+$0x11310];
	v10 =	vadd.f32 v7, v10  }
.Ltmp6:
0x10c: {  	v5 =	vld [tilespmem:s24+$0x11320];
	v8 =	vadd.f32 v11, v8;
	(pc) =	sbr.rel @p1 .LBB2_15-.Ltmp6, $4  }
0x10d: {  	v6 =	vld [tilespmem:s24+$0x11330];
	v9 =	vadd.f32 v12, v9  }
0x10e: {  	v7 =	vld [tilespmem:s24+$0x11340];
	v0 =	vadd.f32 v13, v0  }
0x10f: {  	v1 =	vadd.f32 v14, v1;
	v11 =	vld [tilespmem:s24+$0x11350]  }
0x110: {  	v2 =	vadd.f32 v15, v2;
	v12 =	vld [tilespmem:s24+$0x11360];
	s24 =	sshra.s32 s25, $0x2;
	s25 =	sadd.s32 $0x200, s25  }
0x111: {  	v13 =	vld [tilespmem:s24+$0x11370]  }
0x112: {  	v14 =	vld [tilespmem:s24+$0x11300]  }
0x113: {  	v15 =	vld [tilespmem:s24+$0x11310]  }
0x114: {  	v16 =	vld [tilespmem:s24+$0x11320]  }
0x115: {  	v17 =	vld [tilespmem:s24+$0x11330]  }
0x116: {  	v18 =	vld [tilespmem:s24+$0x11340]  }
0x117: {  	v3 =	vadd.f32 v5, v3;
	v5 =	vld [tilespmem:s24+$0x11360]  }
0x118: {  	v4 =	vadd.f32 v6, v4;
	v6 =	vadd.f32 v7, v10;
	v7 =	vld [tilespmem:s24+$0x11350]  }
0x119: {  	v8 =	vadd.f32 v11, v8;
	v9 =	vadd.f32 v12, v9  }
0x11a: {  	v0 =	vadd.f32 v13, v0;
	v1 =	vadd.f32 v14, v1  }
0x11b: {  	v2 =	vadd.f32 v15, v2;
	v3 =	vadd.f32 v16, v3  }
0x11c: {  	v6 =	vadd.f32 v18, v6;
	v5 =	vadd.f32 v5, v9  }
0x11d: {  	v4 =	vadd.f32 v17, v4;
	v7 =	vadd.f32 v7, v8  }
0x11e: {  	v1 =	vadd.f32 v3, v1;
	v3 =	vadd.f32 v5, v6  }
0x11f: {  	v2 =	vadd.f32 v4, v2;
	v0 =	vadd.f32 v0, v7  }
0x120: {  	v1 =	vadd.f32 v3, v1  }
0x121: {  	v0 =	vadd.f32 v0, v2  }
0x122: {  	v1 =	vmul.f32 $9.999999770e-03, v1  }
0x123: {  	v0 =	vmul.f32 $9.999999770e-03, v0  }
0x124: {  	[tilespmem:s22+$0x190C0] =	vst v1  }
0x125: {  	s26 =	simm.s32 $0x0;
	[tilespmem:s22+$0x190D0] =	vst v0  }
0x126: {  	v0 =	vld [tilespmem:s26+$0x11FF0]  }
0x127: {  	v1 =	vld [tilespmem:s26+$0x11F80]  }
0x128: {  	v2 =	vld [tilespmem:s26+$0x11F90]  }
0x129: {  	v5 =	vld [tilespmem:s26+$0x11FA0]  }
0x12a: {  	v6 =	vld [tilespmem:s26+$0x11FB0]  }
0x12b: {  	v10 =	vimm.f32 $0.0e+00;
	v3 =	vimm.f32 $0.0e+00;
	v7 =	vld [tilespmem:s26+$0x11FC0]  }
0x12c: {  	v9 =	vimm.f32 $0.0e+00;
	v4 =	vimm.f32 $0.0e+00;
	v11 =	vld [tilespmem:s26+$0x11FD0];
	v0 =	vadd.f32 v0, v3  }
0x12d: {  	s25 =	simm.s32 $0x400;
	s24 =	simm.s32 $0x80;
	v8 =	vimm.f32 $0.0e+00;
	v12 =	vld [tilespmem:s26+$0x11FE0];
	v1 =	vadd.f32 v1, v3;
	v2 =	vadd.f32 v2, v3  }
.LBB2_17:
0x12e: {  	p1 =	sne.s32 s25, $0x3000;
	v13 =	vld [tilespmem:s24+$0x11FF0];
	v3 =	vadd.f32 v5, v3  }
0x12f: {  	v14 =	vld [tilespmem:s24+$0x11F80];
	v4 =	vadd.f32 v6, v4  }
0x130: {  	v15 =	vld [tilespmem:s24+$0x11F90];
	v10 =	vadd.f32 v7, v10  }
.Ltmp7:
0x131: {  	v5 =	vld [tilespmem:s24+$0x11FA0];
	v8 =	vadd.f32 v11, v8;
	(pc) =	sbr.rel @p1 .LBB2_17-.Ltmp7, $4  }
0x132: {  	v6 =	vld [tilespmem:s24+$0x11FB0];
	v9 =	vadd.f32 v12, v9  }
0x133: {  	v7 =	vld [tilespmem:s24+$0x11FC0];
	v0 =	vadd.f32 v13, v0  }
0x134: {  	v1 =	vadd.f32 v14, v1;
	v11 =	vld [tilespmem:s24+$0x11FD0]  }
0x135: {  	v2 =	vadd.f32 v15, v2;
	v12 =	vld [tilespmem:s24+$0x11FE0];
	s24 =	sshra.s32 s25, $0x2;
	s25 =	sadd.s32 $0x200, s25  }
0x136: {  	v13 =	vld [tilespmem:s24+$0x11FF0]  }
0x137: {  	v14 =	vld [tilespmem:s24+$0x11F80]  }
0x138: {  	v15 =	vld [tilespmem:s24+$0x11F90]  }
0x139: {  	v16 =	vld [tilespmem:s24+$0x11FA0]  }
0x13a: {  	v17 =	vld [tilespmem:s24+$0x11FB0]  }
0x13b: {  	v18 =	vld [tilespmem:s24+$0x11FC0]  }
0x13c: {  	v3 =	vadd.f32 v5, v3;
	v5 =	vld [tilespmem:s24+$0x11FE0]  }
0x13d: {  	v4 =	vadd.f32 v6, v4;
	v6 =	vadd.f32 v7, v10;
	v7 =	vld [tilespmem:s24+$0x11FD0]  }
0x13e: {  	v8 =	vadd.f32 v11, v8;
	v9 =	vadd.f32 v12, v9  }
0x13f: {  	v0 =	vadd.f32 v13, v0;
	v1 =	vadd.f32 v14, v1  }
0x140: {  	v2 =	vadd.f32 v15, v2;
	v3 =	vadd.f32 v16, v3  }
0x141: {  	v6 =	vadd.f32 v18, v6;
	v5 =	vadd.f32 v5, v9  }
0x142: {  	v4 =	vadd.f32 v17, v4;
	v7 =	vadd.f32 v7, v8  }
0x143: {  	v1 =	vadd.f32 v3, v1;
	v3 =	vadd.f32 v5, v6  }
0x144: {  	v2 =	vadd.f32 v4, v2;
	v0 =	vadd.f32 v0, v7  }
0x145: {  	v1 =	vadd.f32 v3, v1  }
0x146: {  	v0 =	vadd.f32 v0, v2  }
0x147: {  	v1 =	vmul.f32 $9.999999770e-03, v1  }
0x148: {  	v0 =	vmul.f32 $9.999999770e-03, v0  }
0x149: {  	[tilespmem:s22+$0x190E0] =	vst v1  }
0x14a: {  	[tilespmem:s22+$0x190F0] =	vst v0  }
0x14b: {  	_ =	swait.ge [sflag:s17], $0x3200  }
0x14c: {  	s25 =	simm.s32 @!p0 $0x190;
	s26 =	simm.s32 @!p0 $0x12C00;
	[sflag:s17] =	ssyncset.done $0x0  }
0x14d: {  	s31 =	simm.s32 $0x0;
	s24 =	sadd.s32 @!p0 $0x960, s23;
	[sflag:s17] =	ssyncadd.s32 $0xFFFFCE00  }
0x14e: {  	[tilespmem:s26], [sflag:$0x3] =	stream.indirect.gather @!p0 [hbm4b:s3+s25], $0x20, s24, s25, $0xb8;
	[tilespmem:$0x1D000] =	vst v63  }
0x14f: {  	v0 =	vld [tilespmem:s31+$0x12C70]  }
0x150: {  	v1 =	vld [tilespmem:s31+$0x12C00]  }
0x151: {  	v2 =	vld [tilespmem:s31+$0x12C10]  }
0x152: {  	v5 =	vld [tilespmem:s31+$0x12C20]  }
0x153: {  	v6 =	vld [tilespmem:s31+$0x12C30]  }
0x154: {  	v10 =	vimm.f32 $0.0e+00;
	v3 =	vimm.f32 $0.0e+00;
	v7 =	vld [tilespmem:s31+$0x12C40]  }
0x155: {  	v9 =	vimm.f32 $0.0e+00;
	v4 =	vimm.f32 $0.0e+00;
	v11 =	vld [tilespmem:s31+$0x12C50];
	v0 =	vadd.f32 v0, v3  }
0x156: {  	v8 =	vimm.f32 $0.0e+00;
	s24 =	simm.s32 $0x80;
	s25 =	simm.s32 $0x400;
	v12 =	vld [tilespmem:s31+$0x12C60];
	v1 =	vadd.f32 v1, v3;
	v2 =	vadd.f32 v2, v3  }
.LBB2_19:
0x157: {  	p1 =	sne.s32 s25, $0x3000;
	v13 =	vld [tilespmem:s24+$0x12C70];
	v3 =	vadd.f32 v5, v3  }
0x158: {  	v14 =	vld [tilespmem:s24+$0x12C00];
	v4 =	vadd.f32 v6, v4  }
0x159: {  	v15 =	vld [tilespmem:s24+$0x12C10];
	v10 =	vadd.f32 v7, v10  }
.Ltmp8:
0x15a: {  	v5 =	vld [tilespmem:s24+$0x12C20];
	v8 =	vadd.f32 v11, v8;
	(pc) =	sbr.rel @p1 .LBB2_19-.Ltmp8, $4  }
0x15b: {  	v6 =	vld [tilespmem:s24+$0x12C30];
	v9 =	vadd.f32 v12, v9  }
0x15c: {  	v7 =	vld [tilespmem:s24+$0x12C40];
	v0 =	vadd.f32 v13, v0  }
0x15d: {  	v1 =	vadd.f32 v14, v1;
	v11 =	vld [tilespmem:s24+$0x12C50]  }
0x15e: {  	v2 =	vadd.f32 v15, v2;
	v12 =	vld [tilespmem:s24+$0x12C60];
	s24 =	sshra.s32 s25, $0x2;
	s25 =	sadd.s32 $0x200, s25  }
0x15f: {  	v13 =	vld [tilespmem:s24+$0x12C70]  }
0x160: {  	v14 =	vld [tilespmem:s24+$0x12C00]  }
0x161: {  	v15 =	vld [tilespmem:s24+$0x12C10]  }
0x162: {  	v16 =	vld [tilespmem:s24+$0x12C20]  }
0x163: {  	v17 =	vld [tilespmem:s24+$0x12C30]  }
0x164: {  	v18 =	vld [tilespmem:s24+$0x12C40]  }
0x165: {  	v3 =	vadd.f32 v5, v3;
	v5 =	vld [tilespmem:s24+$0x12C60]  }
0x166: {  	v4 =	vadd.f32 v6, v4;
	v6 =	vadd.f32 v7, v10;
	v7 =	vld [tilespmem:s24+$0x12C50]  }
0x167: {  	v8 =	vadd.f32 v11, v8;
	v9 =	vadd.f32 v12, v9  }
0x168: {  	v0 =	vadd.f32 v13, v0;
	v1 =	vadd.f32 v14, v1  }
0x169: {  	v2 =	vadd.f32 v15, v2;
	v3 =	vadd.f32 v16, v3  }
0x16a: {  	v6 =	vadd.f32 v18, v6;
	v5 =	vadd.f32 v5, v9  }
0x16b: {  	v4 =	vadd.f32 v17, v4;
	v7 =	vadd.f32 v7, v8  }
0x16c: {  	v1 =	vadd.f32 v3, v1;
	v3 =	vadd.f32 v5, v6  }
0x16d: {  	v2 =	vadd.f32 v4, v2;
	v0 =	vadd.f32 v0, v7  }
0x16e: {  	v1 =	vadd.f32 v3, v1  }
0x16f: {  	v0 =	vadd.f32 v0, v2  }
0x170: {  	v1 =	vmul.f32 $9.999999770e-03, v1  }
0x171: {  	v0 =	vmul.f32 $9.999999770e-03, v0  }
0x172: {  	[tilespmem:s22+$0x19100] =	vst v1  }
0x173: {  	s26 =	simm.s32 $0x0;
	[tilespmem:s22+$0x19110] =	vst v0  }
0x174: {  	v0 =	vld [tilespmem:s26+$0x138F0]  }
0x175: {  	v1 =	vld [tilespmem:s26+$0x13880]  }
0x176: {  	v2 =	vld [tilespmem:s26+$0x13890]  }
0x177: {  	v5 =	vld [tilespmem:s26+$0x138A0]  }
0x178: {  	v6 =	vld [tilespmem:s26+$0x138B0]  }
0x179: {  	v10 =	vimm.f32 $0.0e+00;
	v3 =	vimm.f32 $0.0e+00;
	v7 =	vld [tilespmem:s26+$0x138C0]  }
0x17a: {  	v9 =	vimm.f32 $0.0e+00;
	v4 =	vimm.f32 $0.0e+00;
	v11 =	vld [tilespmem:s26+$0x138D0];
	v0 =	vadd.f32 v0, v3  }
0x17b: {  	s25 =	simm.s32 $0x400;
	s24 =	simm.s32 $0x80;
	v8 =	vimm.f32 $0.0e+00;
	v12 =	vld [tilespmem:s26+$0x138E0];
	v1 =	vadd.f32 v1, v3;
	v2 =	vadd.f32 v2, v3  }
.LBB2_21:
0x17c: {  	p1 =	sne.s32 s25, $0x3000;
	v13 =	vld [tilespmem:s24+$0x138F0];
	v3 =	vadd.f32 v5, v3  }
0x17d: {  	v14 =	vld [tilespmem:s24+$0x13880];
	v4 =	vadd.f32 v6, v4  }
0x17e: {  	v15 =	vld [tilespmem:s24+$0x13890];
	v10 =	vadd.f32 v7, v10  }
.Ltmp9:
0x17f: {  	v5 =	vld [tilespmem:s24+$0x138A0];
	v8 =	vadd.f32 v11, v8;
	(pc) =	sbr.rel @p1 .LBB2_21-.Ltmp9, $4  }
0x180: {  	v6 =	vld [tilespmem:s24+$0x138B0];
	v9 =	vadd.f32 v12, v9  }
0x181: {  	v7 =	vld [tilespmem:s24+$0x138C0];
	v0 =	vadd.f32 v13, v0  }
0x182: {  	v1 =	vadd.f32 v14, v1;
	v11 =	vld [tilespmem:s24+$0x138D0]  }
0x183: {  	v2 =	vadd.f32 v15, v2;
	v12 =	vld [tilespmem:s24+$0x138E0];
	s24 =	sshra.s32 s25, $0x2;
	s25 =	sadd.s32 $0x200, s25  }
0x184: {  	v13 =	vld [tilespmem:s24+$0x138F0]  }
0x185: {  	v14 =	vld [tilespmem:s24+$0x13880]  }
0x186: {  	v15 =	vld [tilespmem:s24+$0x13890]  }
0x187: {  	v16 =	vld [tilespmem:s24+$0x138A0]  }
0x188: {  	v17 =	vld [tilespmem:s24+$0x138B0]  }
0x189: {  	v18 =	vld [tilespmem:s24+$0x138C0]  }
0x18a: {  	v3 =	vadd.f32 v5, v3;
	v5 =	vld [tilespmem:s24+$0x138E0]  }
0x18b: {  	v4 =	vadd.f32 v6, v4;
	v6 =	vadd.f32 v7, v10;
	v7 =	vld [tilespmem:s24+$0x138D0]  }
0x18c: {  	v8 =	vadd.f32 v11, v8;
	v9 =	vadd.f32 v12, v9  }
0x18d: {  	v0 =	vadd.f32 v13, v0;
	v1 =	vadd.f32 v14, v1  }
0x18e: {  	v2 =	vadd.f32 v15, v2;
	v3 =	vadd.f32 v16, v3  }
0x18f: {  	v6 =	vadd.f32 v18, v6;
	v5 =	vadd.f32 v5, v9  }
0x190: {  	v4 =	vadd.f32 v17, v4;
	v7 =	vadd.f32 v7, v8  }
0x191: {  	v1 =	vadd.f32 v3, v1;
	v3 =	vadd.f32 v5, v6  }
0x192: {  	v2 =	vadd.f32 v4, v2;
	v0 =	vadd.f32 v0, v7  }
0x193: {  	v1 =	vadd.f32 v3, v1  }
0x194: {  	v0 =	vadd.f32 v0, v2  }
0x195: {  	v1 =	vmul.f32 $9.999999770e-03, v1  }
0x196: {  	v0 =	vmul.f32 $9.999999770e-03, v0  }
0x197: {  	[tilespmem:s22+$0x19120] =	vst v1  }
0x198: {  	s26 =	simm.s32 $0x0;
	[tilespmem:s22+$0x19130] =	vst v0  }
0x199: {  	v0 =	vld [tilespmem:s26+$0x14570]  }
0x19a: {  	v1 =	vld [tilespmem:s26+$0x14500]  }
0x19b: {  	v2 =	vld [tilespmem:s26+$0x14510]  }
0x19c: {  	v5 =	vld [tilespmem:s26+$0x14520]  }
0x19d: {  	v6 =	vld [tilespmem:s26+$0x14530]  }
0x19e: {  	v10 =	vimm.f32 $0.0e+00;
	v3 =	vimm.f32 $0.0e+00;
	v7 =	vld [tilespmem:s26+$0x14540]  }
0x19f: {  	v9 =	vimm.f32 $0.0e+00;
	v4 =	vimm.f32 $0.0e+00;
	v11 =	vld [tilespmem:s26+$0x14550];
	v0 =	vadd.f32 v0, v3  }
0x1a0: {  	s25 =	simm.s32 $0x400;
	s24 =	simm.s32 $0x80;
	v8 =	vimm.f32 $0.0e+00;
	v12 =	vld [tilespmem:s26+$0x14560];
	v1 =	vadd.f32 v1, v3;
	v2 =	vadd.f32 v2, v3  }
.LBB2_23:
0x1a1: {  	p1 =	sne.s32 s25, $0x3000;
	v13 =	vld [tilespmem:s24+$0x14570];
	v3 =	vadd.f32 v5, v3  }
0x1a2: {  	v14 =	vld [tilespmem:s24+$0x14500];
	v4 =	vadd.f32 v6, v4  }
0x1a3: {  	v15 =	vld [tilespmem:s24+$0x14510];
	v10 =	vadd.f32 v7, v10  }
.Ltmp10:
0x1a4: {  	v5 =	vld [tilespmem:s24+$0x14520];
	v8 =	vadd.f32 v11, v8;
	(pc) =	sbr.rel @p1 .LBB2_23-.Ltmp10, $4  }
0x1a5: {  	v6 =	vld [tilespmem:s24+$0x14530];
	v9 =	vadd.f32 v12, v9  }
0x1a6: {  	v7 =	vld [tilespmem:s24+$0x14540];
	v0 =	vadd.f32 v13, v0  }
0x1a7: {  	v1 =	vadd.f32 v14, v1;
	v11 =	vld [tilespmem:s24+$0x14550]  }
0x1a8: {  	v2 =	vadd.f32 v15, v2;
	v12 =	vld [tilespmem:s24+$0x14560];
	s24 =	sshra.s32 s25, $0x2;
	s25 =	sadd.s32 $0x200, s25  }
0x1a9: {  	v13 =	vld [tilespmem:s24+$0x14570]  }
0x1aa: {  	v14 =	vld [tilespmem:s24+$0x14500]  }
0x1ab: {  	v15 =	vld [tilespmem:s24+$0x14510]  }
0x1ac: {  	v16 =	vld [tilespmem:s24+$0x14520]  }
0x1ad: {  	v17 =	vld [tilespmem:s24+$0x14530]  }
0x1ae: {  	v18 =	vld [tilespmem:s24+$0x14540]  }
0x1af: {  	v3 =	vadd.f32 v5, v3;
	v5 =	vld [tilespmem:s24+$0x14560]  }
0x1b0: {  	v4 =	vadd.f32 v6, v4;
	v6 =	vadd.f32 v7, v10;
	v7 =	vld [tilespmem:s24+$0x14550]  }
0x1b1: {  	v8 =	vadd.f32 v11, v8;
	v9 =	vadd.f32 v12, v9  }
0x1b2: {  	v0 =	vadd.f32 v13, v0;
	v1 =	vadd.f32 v14, v1  }
0x1b3: {  	v2 =	vadd.f32 v15, v2;
	v3 =	vadd.f32 v16, v3  }
0x1b4: {  	v6 =	vadd.f32 v18, v6;
	v5 =	vadd.f32 v5, v9  }
0x1b5: {  	v4 =	vadd.f32 v17, v4;
	v7 =	vadd.f32 v7, v8  }
0x1b6: {  	v1 =	vadd.f32 v3, v1;
	v3 =	vadd.f32 v5, v6  }
0x1b7: {  	v2 =	vadd.f32 v4, v2;
	v0 =	vadd.f32 v0, v7  }
0x1b8: {  	v1 =	vadd.f32 v3, v1  }
0x1b9: {  	v0 =	vadd.f32 v0, v2  }
0x1ba: {  	v1 =	vmul.f32 $9.999999770e-03, v1  }
0x1bb: {  	v0 =	vmul.f32 $9.999999770e-03, v0  }
0x1bc: {  	[tilespmem:s22+$0x19140] =	vst v1  }
0x1bd: {  	s26 =	simm.s32 $0x0;
	[tilespmem:s22+$0x19150] =	vst v0  }
0x1be: {  	v0 =	vld [tilespmem:s26+$0x151F0]  }
0x1bf: {  	v1 =	vld [tilespmem:s26+$0x15180]  }
0x1c0: {  	v2 =	vld [tilespmem:s26+$0x15190]  }
0x1c1: {  	v5 =	vld [tilespmem:s26+$0x151A0]  }
0x1c2: {  	v6 =	vld [tilespmem:s26+$0x151B0]  }
0x1c3: {  	v10 =	vimm.f32 $0.0e+00;
	v3 =	vimm.f32 $0.0e+00;
	v7 =	vld [tilespmem:s26+$0x151C0]  }
0x1c4: {  	v9 =	vimm.f32 $0.0e+00;
	v4 =	vimm.f32 $0.0e+00;
	v11 =	vld [tilespmem:s26+$0x151D0];
	v0 =	vadd.f32 v0, v3  }
0x1c5: {  	s25 =	simm.s32 $0x400;
	s24 =	simm.s32 $0x80;
	v8 =	vimm.f32 $0.0e+00;
	v12 =	vld [tilespmem:s26+$0x151E0];
	v1 =	vadd.f32 v1, v3;
	v2 =	vadd.f32 v2, v3  }
.LBB2_25:
0x1c6: {  	p1 =	sne.s32 s25, $0x3000;
	v13 =	vld [tilespmem:s24+$0x151F0];
	v3 =	vadd.f32 v5, v3  }
0x1c7: {  	v14 =	vld [tilespmem:s24+$0x15180];
	v4 =	vadd.f32 v6, v4  }
0x1c8: {  	v15 =	vld [tilespmem:s24+$0x15190];
	v10 =	vadd.f32 v7, v10  }
.Ltmp11:
0x1c9: {  	v5 =	vld [tilespmem:s24+$0x151A0];
	v8 =	vadd.f32 v11, v8;
	(pc) =	sbr.rel @p1 .LBB2_25-.Ltmp11, $4  }
0x1ca: {  	v6 =	vld [tilespmem:s24+$0x151B0];
	v9 =	vadd.f32 v12, v9  }
0x1cb: {  	v7 =	vld [tilespmem:s24+$0x151C0];
	v0 =	vadd.f32 v13, v0  }
0x1cc: {  	v1 =	vadd.f32 v14, v1;
	v11 =	vld [tilespmem:s24+$0x151D0]  }
0x1cd: {  	v2 =	vadd.f32 v15, v2;
	v12 =	vld [tilespmem:s24+$0x151E0];
	s24 =	sshra.s32 s25, $0x2;
	s25 =	sadd.s32 $0x200, s25  }
0x1ce: {  	v13 =	vld [tilespmem:s24+$0x151F0]  }
0x1cf: {  	v14 =	vld [tilespmem:s24+$0x15180]  }
0x1d0: {  	v15 =	vld [tilespmem:s24+$0x15190]  }
0x1d1: {  	v16 =	vld [tilespmem:s24+$0x151A0]  }
0x1d2: {  	v17 =	vld [tilespmem:s24+$0x151B0]  }
0x1d3: {  	v18 =	vld [tilespmem:s24+$0x151C0]  }
0x1d4: {  	v3 =	vadd.f32 v5, v3;
	v5 =	vld [tilespmem:s24+$0x151E0]  }
0x1d5: {  	v4 =	vadd.f32 v6, v4;
	v6 =	vadd.f32 v7, v10;
	v7 =	vld [tilespmem:s24+$0x151D0]  }
0x1d6: {  	v8 =	vadd.f32 v11, v8;
	v9 =	vadd.f32 v12, v9  }
0x1d7: {  	v0 =	vadd.f32 v13, v0;
	v1 =	vadd.f32 v14, v1  }
0x1d8: {  	v2 =	vadd.f32 v15, v2;
	v3 =	vadd.f32 v16, v3  }
0x1d9: {  	v6 =	vadd.f32 v18, v6;
	v5 =	vadd.f32 v5, v9  }
0x1da: {  	v4 =	vadd.f32 v17, v4;
	v7 =	vadd.f32 v7, v8  }
0x1db: {  	v1 =	vadd.f32 v3, v1;
	v3 =	vadd.f32 v5, v6  }
0x1dc: {  	v2 =	vadd.f32 v4, v2;
	v0 =	vadd.f32 v0, v7  }
0x1dd: {  	v1 =	vadd.f32 v3, v1  }
0x1de: {  	v0 =	vadd.f32 v0, v2  }
0x1df: {  	v1 =	vmul.f32 $9.999999770e-03, v1  }
0x1e0: {  	v0 =	vmul.f32 $9.999999770e-03, v0  }
0x1e1: {  	[tilespmem:s22+$0x19160] =	vst v1  }
0x1e2: {  	[tilespmem:s22+$0x19170] =	vst v0  }
0x1e3: {  	_ =	swait.ge [sflag:s18], $0x3200  }
0x1e4: {  	s23 =	sadd.s32 @!p0 $0xAF0, s23;
	s25 =	simm.s32 @!p0 $0x15E00;
	[sflag:s18] =	ssyncset.done $0x0  }
0x1e5: {  	s31 =	simm.s32 $0x0;
	s24 =	simm.s32 @!p0 $0x190;
	[sflag:s18] =	ssyncadd.s32 $0xFFFFCE00  }
0x1e6: {  	[tilespmem:s25], [sflag:$0x4] =	stream.indirect.gather @!p0 [hbm4b:s3+s24], $0x20, s23, s24, $0xb8;
	[tilespmem:$0x1D000] =	vst v63  }
0x1e7: {  	v0 =	vld [tilespmem:s31+$0x15E70]  }
0x1e8: {  	v1 =	vld [tilespmem:s31+$0x15E00]  }
0x1e9: {  	v2 =	vld [tilespmem:s31+$0x15E10]  }
0x1ea: {  	v5 =	vld [tilespmem:s31+$0x15E20]  }
0x1eb: {  	v6 =	vld [tilespmem:s31+$0x15E30]  }
0x1ec: {  	v10 =	vimm.f32 $0.0e+00;
	v3 =	vimm.f32 $0.0e+00;
	v7 =	vld [tilespmem:s31+$0x15E40]  }
0x1ed: {  	v9 =	vimm.f32 $0.0e+00;
	v4 =	vimm.f32 $0.0e+00;
	v11 =	vld [tilespmem:s31+$0x15E50];
	v0 =	vadd.f32 v0, v3  }
0x1ee: {  	v8 =	vimm.f32 $0.0e+00;
	s23 =	simm.s32 $0x80;
	s24 =	simm.s32 $0x400;
	v12 =	vld [tilespmem:s31+$0x15E60];
	v1 =	vadd.f32 v1, v3;
	v2 =	vadd.f32 v2, v3  }
.LBB2_27:
0x1ef: {  	p0 =	sne.s32 s24, $0x3000;
	v13 =	vld [tilespmem:s23+$0x15E70];
	v3 =	vadd.f32 v5, v3  }
0x1f0: {  	v14 =	vld [tilespmem:s23+$0x15E00];
	v4 =	vadd.f32 v6, v4  }
0x1f1: {  	v15 =	vld [tilespmem:s23+$0x15E10];
	v10 =	vadd.f32 v7, v10  }
.Ltmp12:
0x1f2: {  	v5 =	vld [tilespmem:s23+$0x15E20];
	v8 =	vadd.f32 v11, v8;
	(pc) =	sbr.rel @p0 .LBB2_27-.Ltmp12, $4  }
0x1f3: {  	v6 =	vld [tilespmem:s23+$0x15E30];
	v9 =	vadd.f32 v12, v9  }
0x1f4: {  	v7 =	vld [tilespmem:s23+$0x15E40];
	v0 =	vadd.f32 v13, v0  }
0x1f5: {  	v1 =	vadd.f32 v14, v1;
	v11 =	vld [tilespmem:s23+$0x15E50]  }
0x1f6: {  	v2 =	vadd.f32 v15, v2;
	v12 =	vld [tilespmem:s23+$0x15E60];
	s23 =	sshra.s32 s24, $0x2;
	s24 =	sadd.s32 $0x200, s24  }
0x1f7: {  	v13 =	vld [tilespmem:s23+$0x15E70]  }
0x1f8: {  	v14 =	vld [tilespmem:s23+$0x15E00]  }
0x1f9: {  	v15 =	vld [tilespmem:s23+$0x15E10]  }
0x1fa: {  	v16 =	vld [tilespmem:s23+$0x15E20]  }
0x1fb: {  	v17 =	vld [tilespmem:s23+$0x15E30]  }
0x1fc: {  	v18 =	vld [tilespmem:s23+$0x15E40]  }
0x1fd: {  	v3 =	vadd.f32 v5, v3;
	v5 =	vld [tilespmem:s23+$0x15E60]  }
0x1fe: {  	v4 =	vadd.f32 v6, v4;
	v6 =	vadd.f32 v7, v10;
	v7 =	vld [tilespmem:s23+$0x15E50]  }
0x1ff: {  	v8 =	vadd.f32 v11, v8;
	v9 =	vadd.f32 v12, v9  }
0x200: {  	v0 =	vadd.f32 v13, v0;
	v1 =	vadd.f32 v14, v1  }
0x201: {  	v2 =	vadd.f32 v15, v2;
	v3 =	vadd.f32 v16, v3  }
0x202: {  	v6 =	vadd.f32 v18, v6;
	v5 =	vadd.f32 v5, v9  }
0x203: {  	v4 =	vadd.f32 v17, v4;
	v7 =	vadd.f32 v7, v8  }
0x204: {  	v1 =	vadd.f32 v3, v1;
	v3 =	vadd.f32 v5, v6  }
0x205: {  	v2 =	vadd.f32 v4, v2;
	v0 =	vadd.f32 v0, v7  }
0x206: {  	v1 =	vadd.f32 v3, v1  }
0x207: {  	v0 =	vadd.f32 v0, v2  }
0x208: {  	v1 =	vmul.f32 $9.999999770e-03, v1  }
0x209: {  	v0 =	vmul.f32 $9.999999770e-03, v0  }
0x20a: {  	[tilespmem:s22+$0x19180] =	vst v1  }
0x20b: {  	s25 =	simm.s32 $0x0;
	[tilespmem:s22+$0x19190] =	vst v0  }
0x20c: {  	v0 =	vld [tilespmem:s25+$0x16AF0]  }
0x20d: {  	v1 =	vld [tilespmem:s25+$0x16A80]  }
0x20e: {  	v2 =	vld [tilespmem:s25+$0x16A90]  }
0x20f: {  	v5 =	vld [tilespmem:s25+$0x16AA0]  }
0x210: {  	v6 =	vld [tilespmem:s25+$0x16AB0]  }
0x211: {  	v10 =	vimm.f32 $0.0e+00;
	v3 =	vimm.f32 $0.0e+00;
	v7 =	vld [tilespmem:s25+$0x16AC0]  }
0x212: {  	v9 =	vimm.f32 $0.0e+00;
	v4 =	vimm.f32 $0.0e+00;
	v11 =	vld [tilespmem:s25+$0x16AD0];
	v0 =	vadd.f32 v0, v3  }
0x213: {  	s24 =	simm.s32 $0x400;
	s23 =	simm.s32 $0x80;
	v8 =	vimm.f32 $0.0e+00;
	v12 =	vld [tilespmem:s25+$0x16AE0];
	v1 =	vadd.f32 v1, v3;
	v2 =	vadd.f32 v2, v3  }
.LBB2_29:
0x214: {  	p0 =	sne.s32 s24, $0x3000;
	v13 =	vld [tilespmem:s23+$0x16AF0];
	v3 =	vadd.f32 v5, v3  }
0x215: {  	v14 =	vld [tilespmem:s23+$0x16A80];
	v4 =	vadd.f32 v6, v4  }
0x216: {  	v15 =	vld [tilespmem:s23+$0x16A90];
	v10 =	vadd.f32 v7, v10  }
.Ltmp13:
0x217: {  	v5 =	vld [tilespmem:s23+$0x16AA0];
	v8 =	vadd.f32 v11, v8;
	(pc) =	sbr.rel @p0 .LBB2_29-.Ltmp13, $4  }
0x218: {  	v6 =	vld [tilespmem:s23+$0x16AB0];
	v9 =	vadd.f32 v12, v9  }
0x219: {  	v7 =	vld [tilespmem:s23+$0x16AC0];
	v0 =	vadd.f32 v13, v0  }
0x21a: {  	v1 =	vadd.f32 v14, v1;
	v11 =	vld [tilespmem:s23+$0x16AD0]  }
0x21b: {  	v2 =	vadd.f32 v15, v2;
	v12 =	vld [tilespmem:s23+$0x16AE0];
	s23 =	sshra.s32 s24, $0x2;
	s24 =	sadd.s32 $0x200, s24  }
0x21c: {  	v13 =	vld [tilespmem:s23+$0x16AF0]  }
0x21d: {  	v14 =	vld [tilespmem:s23+$0x16A80]  }
0x21e: {  	v15 =	vld [tilespmem:s23+$0x16A90]  }
0x21f: {  	v16 =	vld [tilespmem:s23+$0x16AA0]  }
0x220: {  	v17 =	vld [tilespmem:s23+$0x16AB0]  }
0x221: {  	v18 =	vld [tilespmem:s23+$0x16AC0]  }
0x222: {  	v3 =	vadd.f32 v5, v3;
	v5 =	vld [tilespmem:s23+$0x16AE0]  }
0x223: {  	v4 =	vadd.f32 v6, v4;
	v6 =	vadd.f32 v7, v10;
	v7 =	vld [tilespmem:s23+$0x16AD0]  }
0x224: {  	v8 =	vadd.f32 v11, v8;
	v9 =	vadd.f32 v12, v9  }
0x225: {  	v0 =	vadd.f32 v13, v0;
	v1 =	vadd.f32 v14, v1  }
0x226: {  	v2 =	vadd.f32 v15, v2;
	v3 =	vadd.f32 v16, v3  }
0x227: {  	v6 =	vadd.f32 v18, v6;
	v5 =	vadd.f32 v5, v9  }
0x228: {  	v4 =	vadd.f32 v17, v4;
	v7 =	vadd.f32 v7, v8  }
0x229: {  	v1 =	vadd.f32 v3, v1;
	v3 =	vadd.f32 v5, v6  }
0x22a: {  	v2 =	vadd.f32 v4, v2;
	v0 =	vadd.f32 v0, v7  }
0x22b: {  	v1 =	vadd.f32 v3, v1  }
0x22c: {  	v0 =	vadd.f32 v0, v2  }
0x22d: {  	v1 =	vmul.f32 $9.999999770e-03, v1  }
0x22e: {  	v0 =	vmul.f32 $9.999999770e-03, v0  }
0x22f: {  	[tilespmem:s22+$0x191A0] =	vst v1  }
0x230: {  	s25 =	simm.s32 $0x0;
	[tilespmem:s22+$0x191B0] =	vst v0  }
0x231: {  	v0 =	vld [tilespmem:s25+$0x17770]  }
0x232: {  	v1 =	vld [tilespmem:s25+$0x17700]  }
0x233: {  	v2 =	vld [tilespmem:s25+$0x17710]  }
0x234: {  	v5 =	vld [tilespmem:s25+$0x17720]  }
0x235: {  	v6 =	vld [tilespmem:s25+$0x17730]  }
0x236: {  	v10 =	vimm.f32 $0.0e+00;
	v3 =	vimm.f32 $0.0e+00;
	v7 =	vld [tilespmem:s25+$0x17740]  }
0x237: {  	v9 =	vimm.f32 $0.0e+00;
	v4 =	vimm.f32 $0.0e+00;
	v11 =	vld [tilespmem:s25+$0x17750];
	v0 =	vadd.f32 v0, v3  }
0x238: {  	s24 =	simm.s32 $0x400;
	s23 =	simm.s32 $0x80;
	v8 =	vimm.f32 $0.0e+00;
	v12 =	vld [tilespmem:s25+$0x17760];
	v1 =	vadd.f32 v1, v3;
	v2 =	vadd.f32 v2, v3  }
.LBB2_31:
0x239: {  	p0 =	sne.s32 s24, $0x3000;
	v13 =	vld [tilespmem:s23+$0x17770];
	v3 =	vadd.f32 v5, v3  }
0x23a: {  	v14 =	vld [tilespmem:s23+$0x17700];
	v4 =	vadd.f32 v6, v4  }
0x23b: {  	v15 =	vld [tilespmem:s23+$0x17710];
	v10 =	vadd.f32 v7, v10  }
.Ltmp14:
0x23c: {  	v5 =	vld [tilespmem:s23+$0x17720];
	v8 =	vadd.f32 v11, v8;
	(pc) =	sbr.rel @p0 .LBB2_31-.Ltmp14, $4  }
0x23d: {  	v6 =	vld [tilespmem:s23+$0x17730];
	v9 =	vadd.f32 v12, v9  }
0x23e: {  	v7 =	vld [tilespmem:s23+$0x17740];
	v0 =	vadd.f32 v13, v0  }
0x23f: {  	v1 =	vadd.f32 v14, v1;
	v11 =	vld [tilespmem:s23+$0x17750]  }
0x240: {  	v2 =	vadd.f32 v15, v2;
	v12 =	vld [tilespmem:s23+$0x17760];
	s23 =	sshra.s32 s24, $0x2;
	s24 =	sadd.s32 $0x200, s24  }
0x241: {  	v13 =	vld [tilespmem:s23+$0x17770]  }
0x242: {  	v14 =	vld [tilespmem:s23+$0x17700]  }
0x243: {  	v15 =	vld [tilespmem:s23+$0x17710]  }
0x244: {  	v16 =	vld [tilespmem:s23+$0x17720]  }
0x245: {  	v17 =	vld [tilespmem:s23+$0x17730]  }
0x246: {  	v18 =	vld [tilespmem:s23+$0x17740]  }
0x247: {  	v3 =	vadd.f32 v5, v3;
	v5 =	vld [tilespmem:s23+$0x17760]  }
0x248: {  	v4 =	vadd.f32 v6, v4;
	v6 =	vadd.f32 v7, v10;
	v7 =	vld [tilespmem:s23+$0x17750]  }
0x249: {  	v8 =	vadd.f32 v11, v8;
	v9 =	vadd.f32 v12, v9  }
0x24a: {  	v0 =	vadd.f32 v13, v0;
	v1 =	vadd.f32 v14, v1  }
0x24b: {  	v2 =	vadd.f32 v15, v2;
	v3 =	vadd.f32 v16, v3  }
0x24c: {  	v6 =	vadd.f32 v18, v6;
	v5 =	vadd.f32 v5, v9  }
0x24d: {  	v4 =	vadd.f32 v17, v4;
	v7 =	vadd.f32 v7, v8  }
0x24e: {  	v1 =	vadd.f32 v3, v1;
	v3 =	vadd.f32 v5, v6  }
0x24f: {  	v2 =	vadd.f32 v4, v2;
	v0 =	vadd.f32 v0, v7  }
0x250: {  	v1 =	vadd.f32 v3, v1  }
0x251: {  	v0 =	vadd.f32 v0, v2  }
0x252: {  	v1 =	vmul.f32 $9.999999770e-03, v1  }
0x253: {  	v0 =	vmul.f32 $9.999999770e-03, v0  }
0x254: {  	[tilespmem:s22+$0x191C0] =	vst v1  }
0x255: {  	s25 =	simm.s32 $0x0;
	[tilespmem:s22+$0x191D0] =	vst v0  }
0x256: {  	v0 =	vld [tilespmem:s25+$0x183F0]  }
0x257: {  	v1 =	vld [tilespmem:s25+$0x18380]  }
0x258: {  	v2 =	vld [tilespmem:s25+$0x18390]  }
0x259: {  	v5 =	vld [tilespmem:s25+$0x183A0]  }
0x25a: {  	v6 =	vld [tilespmem:s25+$0x183B0]  }
0x25b: {  	v10 =	vimm.f32 $0.0e+00;
	v3 =	vimm.f32 $0.0e+00;
	v7 =	vld [tilespmem:s25+$0x183C0]  }
0x25c: {  	v9 =	vimm.f32 $0.0e+00;
	v4 =	vimm.f32 $0.0e+00;
	v11 =	vld [tilespmem:s25+$0x183D0];
	v0 =	vadd.f32 v0, v3  }
0x25d: {  	s24 =	simm.s32 $0x400;
	s23 =	simm.s32 $0x80;
	v8 =	vimm.f32 $0.0e+00;
	v12 =	vld [tilespmem:s25+$0x183E0];
	v1 =	vadd.f32 v1, v3;
	v2 =	vadd.f32 v2, v3  }
.LBB2_33:
0x25e: {  	p0 =	sne.s32 s24, $0x3000;
	v13 =	vld [tilespmem:s23+$0x183F0];
	v3 =	vadd.f32 v5, v3  }
0x25f: {  	v14 =	vld [tilespmem:s23+$0x18380];
	v4 =	vadd.f32 v6, v4  }
0x260: {  	v15 =	vld [tilespmem:s23+$0x18390];
	v10 =	vadd.f32 v7, v10  }
.Ltmp15:
0x261: {  	v5 =	vld [tilespmem:s23+$0x183A0];
	v8 =	vadd.f32 v11, v8;
	(pc) =	sbr.rel @p0 .LBB2_33-.Ltmp15, $4  }
0x262: {  	v6 =	vld [tilespmem:s23+$0x183B0];
	v9 =	vadd.f32 v12, v9  }
0x263: {  	v7 =	vld [tilespmem:s23+$0x183C0];
	v0 =	vadd.f32 v13, v0  }
0x264: {  	v1 =	vadd.f32 v14, v1;
	v11 =	vld [tilespmem:s23+$0x183D0]  }
0x265: {  	v2 =	vadd.f32 v15, v2;
	v12 =	vld [tilespmem:s23+$0x183E0];
	s23 =	sshra.s32 s24, $0x2;
	s24 =	sadd.s32 $0x200, s24  }
0x266: {  	v13 =	vld [tilespmem:s23+$0x183F0]  }
0x267: {  	v14 =	vld [tilespmem:s23+$0x18380]  }
0x268: {  	v15 =	vld [tilespmem:s23+$0x18390]  }
0x269: {  	v16 =	vld [tilespmem:s23+$0x183A0]  }
0x26a: {  	v17 =	vld [tilespmem:s23+$0x183B0]  }
0x26b: {  	v18 =	vld [tilespmem:s23+$0x183C0]  }
0x26c: {  	v3 =	vadd.f32 v5, v3;
	v62 =	vld [tilespmem:s23+$0x183D0]  }
0x26d: {  	v60 =	vld [tilespmem:s23+$0x183E0];
	v4 =	vadd.f32 v6, v4;
	v61 =	vadd.f32 v7, v10  }
0x26e: {  	v8 =	vadd.f32 v11, v8;
	v9 =	vadd.f32 v12, v9  }
0x26f: {  	v0 =	vadd.f32 v13, v0;
	v1 =	vadd.f32 v14, v1  }
0x270: {  	v2 =	vadd.f32 v15, v2;
	v3 =	vadd.f32 v16, v3  }
0x271: {  	v4 =	vadd.f32 v17, v4;
	v7 =	vadd.f32 v62, v8  }
0x272: {  	v6 =	vadd.f32 v18, v61;
	v5 =	vadd.f32 v60, v9  }
0x273: {  	v2 =	vadd.f32 v4, v2;
	v0 =	vadd.f32 v0, v7  }
0x274: {  	s21 =	sadd.s32 $0x1, s21;
	v1 =	vadd.f32 v3, v1;
	v63 =	vadd.f32 v5, v6  }
0x275: {  	p0 =	sne.s32 s21, $0x20;
	v0 =	vadd.f32 v0, v2  }
.Ltmp16:
0x276: {  	v1 =	vadd.f32 v63, v1;
	(pc) =	sbr.rel @p0 .LBB2_2-.Ltmp16, $4  }
0x277: {  	v0 =	vmul.f32 $9.999999770e-03, v0  }
0x278: {  	v1 =	vmul.f32 $9.999999770e-03, v1  }
0x279: {  	[tilespmem:s22+$0x191F0] =	vst v0  }
0x27a: {  	[tilespmem:s22+$0x191E0] =	vst v1  }
0x27b: {  	s20 =	sadd.s32 $0x1, s20  }
0x27c: {  	p0 =	sne.s32 s20, s6  }
.Ltmp17:
0x27d: {  	_ = 	snop;
	(pc) =	sbr.rel @p0 .LBB2_1-.Ltmp17, $4  }
0x27e: {  	[hbm4b:s5+s2] =	stream.linear.scatter [tilespmem:s19], [sflag:$0x5], $0x4000, $0x38;
	[tilespmem:$0x1D000] =	vst v63  }
0x27f: {  	_ =	swait.ge [sflag:s7], $0x4000  }
0x280: {  	[sflag:s7] =	ssyncset.done $0x0  }
0x281: {  	[sflag:s7] =	ssyncadd.s32 $0xFFFFC000  }
0x282: {  	_ =	sfence.sel $0x180000  }
0x283: {  	[bflag:$0x0] =	sbarrier.arrive $0xFFFF  }
0x284: {  	p0 =	sne.s32 s0, $0x0;
	_ =	strace $0x90000047  }
0x285: {  	s0 =	sadd.s32 @!p0 $0x100000, s1;
	[bflag:$0x2] =	sbarrier.arrive $0xFFFF  }
0x286: {  	[sflag:s0] =	ssyncadd.tile.s32 @!p0 $0x1;
	_ =	shalt  }
.Lfunc_end2:
_tile_overlayer_lowered:
.L_overlay_start_2:
0x287: {  	(tag) =	ssettag $0x2  }
0x288: {  	s0 =	rddreg [dreg:$0x0];
	s2 =	stileid.u32  }
0x289: {  	s1 =	rddreg [dreg:$0x1];
	p0 =	sne.s32 s2, $0x0  }
0x28a: {  	s3 =	rddreg [dreg:$0x2];
	[bflag:$0x3] =	sbarrier.arrive $0xFFFF;
	s2 =	simm.s32 @!p0 $0x1C05  }
0x28b: {  	[timem:s3], [sflag:s2] =	dma.local @!p0 [hbm:s0], s1  }
0x28c: {  	s0 =	simm.s32 @!p0 $0x5  }
0x28d: {  	_ =	swait.ge @!p0 [sflag:s0], s1  }
0x28e: {  	s1 =	ssub.s32 @!p0 $0x0, s1;
	[sflag:s0] =	ssyncset.done @!p0 $0x0  }
0x28f: {  	[sflag:s0] =	ssyncadd.s32 @!p0 s1  }
0x290: {  	[bflag:$0x3] =	sbarrier.arrive $0xFFFF  }
0x291: {  	_ =	shalt  }

</sc_bundles>
